<compile_context>
chip_gen: v7x
topology: tpu7x:2x2x1
jax: 0.10.2.dev20260603
libtpu: 0.0.44.dev20260713+nightly
codegen_flags: <defaults>
</compile_context>

<pallas_src>
import functools

import jax
import jax.numpy as jnp
from jax import lax
from jax.experimental import pallas as pl
from jax.experimental.pallas import tpu as pltpu
from jax.experimental.pallas import tpu_sc as plsc

NC = 2
NS = 16
NW = NC * NS
LANES = 16
Q = 4


def kernel(user, item, user_table, item_table):
    B = user.shape[0]
    D = user_table.shape[1]
    BPW = B // NW

    ut = user_table.T
    it = item_table.T

    mesh = plsc.VectorSubcoreMesh(core_axis_name="c", subcore_axis_name="s")

    @functools.partial(
        pl.kernel,
        out_type=jax.ShapeDtypeStruct((B,), jnp.float32),
        mesh=mesh,
        scratch_types=[
            pltpu.VMEM((BPW,), jnp.int32),
            pltpu.VMEM((BPW,), jnp.int32),
            pltpu.VMEM((Q, D, 128), jnp.float32),
            pltpu.VMEM((Q, D, 128), jnp.float32),
            pltpu.VMEM((BPW,), jnp.float32),
            pltpu.SemaphoreType.DMA((Q,)),
            pltpu.SemaphoreType.DMA((Q,)),
        ],
        compiler_params=pltpu.CompilerParams(
            needs_layout_passes=False, use_tc_tiling_on_sc=True),
    )
    def _emb_dot(uidx_hbm, iidx_hbm, ut_hbm, it_hbm, out_hbm,
                 uidx_v, iidx_v, u_pan, i_pan, out_v, sem_u, sem_i):
        wid = lax.axis_index("s") * NC + lax.axis_index("c")
        base = wid * BPW

        pltpu.sync_copy(uidx_hbm.at[pl.ds(base, BPW)], uidx_v)
        pltpu.sync_copy(iidx_hbm.at[pl.ds(base, BPW)], iidx_v)

        iota = lax.iota(jnp.int32, LANES)
        zero = jnp.zeros((LANES,), jnp.int32)

        def extract(vref, k):
            vec = vref[pl.ds((k // LANES) * LANES, LANES)]
            return jnp.sum(jnp.where(iota == (k % LANES), vec, zero))

        H = D // 2

        def issue(k, q):
            cu = (extract(uidx_v, k) // 128) * 128
            ci = (extract(iidx_v, k) // 128) * 128
            pltpu.async_copy(ut_hbm.at[pl.ds(0, H), pl.ds(cu, 128)],
                             u_pan.at[q, pl.ds(0, H)], sem_u.at[q])
            pltpu.async_copy(ut_hbm.at[pl.ds(H, H), pl.ds(cu, 128)],
                             u_pan.at[q, pl.ds(H, H)], sem_u.at[q])
            pltpu.async_copy(it_hbm.at[pl.ds(0, H), pl.ds(ci, 128)],
                             i_pan.at[q, pl.ds(0, H)], sem_i.at[q])
            pltpu.async_copy(it_hbm.at[pl.ds(H, H), pl.ds(ci, 128)],
                             i_pan.at[q, pl.ds(H, H)], sem_i.at[q])

        for q in range(Q):
            issue(q, q)

        def body(k0, carry):
            for q in range(Q):
                k = k0 * Q + q
                pltpu.make_async_copy(ut_hbm.at[:, pl.ds(0, 128)],
                                      u_pan.at[q], sem_u.at[q]).wait()
                pltpu.make_async_copy(it_hbm.at[:, pl.ds(0, 128)],
                                      i_pan.at[q], sem_i.at[q]).wait()
                ju = jnp.broadcast_to(extract(uidx_v, k) % 128, (LANES,))
                ji = jnp.broadcast_to(extract(iidx_v, k) % 128, (LANES,))
                acc = None
                for g in range(D // LANES):
                    dvec = g * LANES + iota
                    ug = plsc.load_gather(u_pan.at[q], [dvec, ju])
                    ig = plsc.load_gather(i_pan.at[q], [dvec, ji])
                    prod = ug * ig
                    acc = prod if acc is None else acc + prod
                s = jnp.broadcast_to(jnp.sum(acc), (LANES,))
                kn = k + Q
                pl.when(kn < BPW)(lambda: issue(kn, q))
                blk = (k // LANES) * LANES
                cur = out_v[pl.ds(blk, LANES)]
                out_v[pl.ds(blk, LANES)] = jnp.where(iota == (k % LANES),
                                                     s, cur)
            return carry

        lax.fori_loop(0, BPW // Q, body, 0)

        pltpu.sync_copy(out_v, out_hbm.at[pl.ds(base, BPW)])

    return _emb_dot(user.astype(jnp.int32), item.astype(jnp.int32), ut, it)

# --- scband reference (transcript-rebuilt; emitter-appended) ---
"""Pipeline reference for scband-recommendation-model-23742579213131 (READ-ONLY COPY).

The authoritative reference and input builder live on the scoring server;
editing this copy changes nothing except your own understanding.
"""

import jax, jax.numpy as jnp
import numpy as np

NUM_USERS = 1000000
NUM_ITEMS = 1000000
EMBED_DIM = 64
BATCH = 16384

def setup_inputs(seed: int = 0) -> dict:
    key = jax.random.key(seed)
    k1, k2, k3, k4 = jax.random.split(key, 4)
    user = jax.random.randint(k1, (BATCH,), 0, NUM_USERS, dtype=jnp.int64 if jax.config.jax_enable_x64 else jnp.int32)
    item = jax.random.randint(k2, (BATCH,), 0, NUM_ITEMS, dtype=jnp.int64 if jax.config.jax_enable_x64 else jnp.int32)
    user_table = jax.random.normal(k3, (NUM_USERS, EMBED_DIM), dtype=jnp.float32)
    item_table = jax.random.normal(k4, (NUM_ITEMS, EMBED_DIM), dtype=jnp.float32)
    return {"user": user, "item": item, "user_table": user_table, "item_table": item_table}

def reference(user, item, user_table, item_table):
    user_vec = jnp.take(user_table, user, axis=0)
    item_vec = jnp.take(item_table, item, axis=0)
    return (user_vec * item_vec).sum(1)

if __name__ == "__main__":
    import jax
    _d = setup_inputs()
    print(jax.jit(kernel)(*tuple(_d.values())))

</pallas_src>

<mosaic_0001>
#map = affine_map<(d0, d1) -> (0)>
#map1 = affine_map<(d0, d1) -> (0, 0)>
module attributes {stable_mosaic.version = 14 : i64} {
  func.func @_emb_dot(%arg0: i32, %arg1: i32, %arg2: memref<16384xi32, #tpu.memory_space<hbm>>, %arg3: memref<16384xi32, #tpu.memory_space<hbm>>, %arg4: memref<64x1000000xf32, #tpu.memory_space<hbm>>, %arg5: memref<64x1000000xf32, #tpu.memory_space<hbm>>, %arg6: memref<16384xf32, #tpu.memory_space<hbm>>, %arg7: memref<512xi32, #tpu.memory_space<vmem>>, %arg8: memref<512xi32, #tpu.memory_space<vmem>>, %arg9: memref<4x64x128xf32, #tpu.memory_space<vmem>>, %arg10: memref<4x64x128xf32, #tpu.memory_space<vmem>>, %arg11: memref<512xf32, #tpu.memory_space<vmem>>, %arg12: memref<4x!tpu.dma_semaphore, #tpu.memory_space<semaphore_mem>>, %arg13: memref<4x!tpu.dma_semaphore, #tpu.memory_space<semaphore_mem>>) attributes {dimension_semantics = [#tpu.dimension_semantics<core_parallel>, #tpu.dimension_semantics<subcore_parallel>], iteration_bounds = array<i64: 2, 16>, scalar_prefetch = 0 : i64, scratch_operands = 7 : i64, tpu.core_type = #tpu.core_type<sc_vector_subcore>, window_params = [{transform_indices = #map}, {transform_indices = #map}, {transform_indices = #map1}, {transform_indices = #map1}, {transform_indices = #map}]} {
    %mul3A = arith.constant 2 : i32
    %mul3A_0 = arith.muli %arg1, %mul3A : i32
    %add3A = arith.addi %mul3A_0, %arg0 : i32
    %mul3A_1 = arith.constant 512 : i32
    %mul3A_2 = arith.muli %add3A, %mul3A_1 : i32
    "tpu.region"() ({
      %run_scoped3A = tpu.sem_alloc : memref<!tpu.dma_semaphore, #tpu.memory_space<semaphore_mem>>
      %dma_start3A_541 = tpu.memref_slice %arg2[%mul3A_2] : memref<16384xi32, #tpu.memory_space<hbm>> -> memref<512xi32, #tpu.memory_space<hbm>>
      %dma_start3A_542 = tpu.memref_slice %arg2[%mul3A_2] : memref<16384xi32, #tpu.memory_space<hbm>> -> memref<512xi32, #tpu.memory_space<hbm>>
      tpu.enqueue_dma source(%dma_start3A_542 : memref<512xi32, #tpu.memory_space<hbm>>) target(%arg7 : memref<512xi32, #tpu.memory_space<vmem>>) target_semaphore(%run_scoped3A : memref<!tpu.dma_semaphore, #tpu.memory_space<semaphore_mem>>)
      %dma_wait3A = tpu.memref_slice %arg2[%mul3A_2] : memref<16384xi32, #tpu.memory_space<hbm>> -> memref<512xi32, #tpu.memory_space<hbm>>
      %dma_wait3A_543 = tpu.memref_slice %arg2[%mul3A_2] : memref<16384xi32, #tpu.memory_space<hbm>> -> memref<512xi32, #tpu.memory_space<hbm>>
      tpu.wait_dma2 semaphore(%run_scoped3A : memref<!tpu.dma_semaphore, #tpu.memory_space<semaphore_mem>>) src(%dma_wait3A_543 : memref<512xi32, #tpu.memory_space<hbm>>) dst(%arg7 : memref<512xi32, #tpu.memory_space<vmem>>)
      tpu.yield
    }) : () -> ()
    "tpu.region"() ({
      %run_scoped3A = tpu.sem_alloc : memref<!tpu.dma_semaphore, #tpu.memory_space<semaphore_mem>>
      %dma_start3A_541 = tpu.memref_slice %arg3[%mul3A_2] : memref<16384xi32, #tpu.memory_space<hbm>> -> memref<512xi32, #tpu.memory_space<hbm>>
      %dma_start3A_542 = tpu.memref_slice %arg3[%mul3A_2] : memref<16384xi32, #tpu.memory_space<hbm>> -> memref<512xi32, #tpu.memory_space<hbm>>
      tpu.enqueue_dma source(%dma_start3A_542 : memref<512xi32, #tpu.memory_space<hbm>>) target(%arg8 : memref<512xi32, #tpu.memory_space<vmem>>) target_semaphore(%run_scoped3A : memref<!tpu.dma_semaphore, #tpu.memory_space<semaphore_mem>>)
      %dma_wait3A = tpu.memref_slice %arg3[%mul3A_2] : memref<16384xi32, #tpu.memory_space<hbm>> -> memref<512xi32, #tpu.memory_space<hbm>>
      %dma_wait3A_543 = tpu.memref_slice %arg3[%mul3A_2] : memref<16384xi32, #tpu.memory_space<hbm>> -> memref<512xi32, #tpu.memory_space<hbm>>
      tpu.wait_dma2 semaphore(%run_scoped3A : memref<!tpu.dma_semaphore, #tpu.memory_space<semaphore_mem>>) src(%dma_wait3A_543 : memref<512xi32, #tpu.memory_space<hbm>>) dst(%arg8 : memref<512xi32, #tpu.memory_space<vmem>>)
      tpu.yield
    }) : () -> ()
    %iota3A = tpu.iota {dimensions = array<i32: 0>} : vector<16xi32>
    %broadcast_in_dim3A = arith.constant 0 : i32
    %broadcast_in_dim3A_3 = vector.broadcast %broadcast_in_dim3A : i32 to vector<16xi32>
    %get3A = arith.constant 0 : index
    %get3A_4 = tpu.vector_load %arg7[%get3A] {strides = array<i32>} : memref<512xi32, #tpu.memory_space<vmem>>, vector<16xi32>,
    %eq3A = arith.constant 0 : i32
    %eq3A_5 = vector.broadcast %eq3A : i32 to vector<16xi32>
    %eq3A_6 = arith.cmpi eq, %iota3A, %eq3A_5 : vector<16xi32>
    %select_n3A = arith.select %eq3A_6, %get3A_4, %broadcast_in_dim3A_3 : vector<16xi1>, vector<16xi32>
    %reduce_sum3A = arith.constant true
    %reduce_sum3A_7 = vector.broadcast %reduce_sum3A : i1 to vector<16xi1>
    %reduce_sum3A_8 = tpu.scan <sum>, %select_n3A masked %reduce_sum3A_7 : vector<16xi32>, vector<16xi1> -> vector<16xi32>
    %reduce_sum3A_9 = vector.extract %reduce_sum3A_8[15] : i32 from vector<16xi32>
    %jit3A = arith.constant 128 : i32
    %div3A = arith.divsi %reduce_sum3A_9, %jit3A : i32
    %sign3A = arith.constant 0 : i32
    %sign3A_10 = arith.cmpi sgt, %reduce_sum3A_9, %sign3A : i32
    %sign3A_11 = arith.extui %sign3A_10 : i1 to i32
    %sign3A_12 = arith.constant 0 : i32
    %sign3A_13 = arith.cmpi slt, %reduce_sum3A_9, %sign3A_12 : i32
    %sign3A_14 = arith.extui %sign3A_13 : i1 to i32
    %sign3A_15 = arith.subi %sign3A_11, %sign3A_14 : i32
    %sign3A_16 = arith.constant 0 : i32
    %sign3A_17 = arith.cmpi sgt, %jit3A, %sign3A_16 : i32
    %sign3A_18 = arith.extui %sign3A_17 : i1 to i32
    %sign3A_19 = arith.constant 0 : i32
    %sign3A_20 = arith.cmpi slt, %jit3A, %sign3A_19 : i32
    %sign3A_21 = arith.extui %sign3A_20 : i1 to i32
    %sign3A_22 = arith.subi %sign3A_18, %sign3A_21 : i32
    %ne3A = arith.cmpi ne, %sign3A_15, %sign3A_22 : i32
    %rem3A = arith.remsi %reduce_sum3A_9, %jit3A : i32
    %ne3A_23 = arith.constant 0 : i32
    %ne3A_24 = arith.cmpi ne, %rem3A, %ne3A_23 : i32
    %and3A = arith.andi %ne3A, %ne3A_24 : i1
    %sub3A = arith.constant 1 : i32
    %sub3A_25 = arith.subi %div3A, %sub3A : i32
    %select_n3A_26 = arith.select %and3A, %sub3A_25, %div3A : i32
    %mul3A_27 = arith.constant 128 : i32
    %mul3A_28 = arith.muli %select_n3A_26, %mul3A_27 : i32
    %get3A_29 = arith.constant 0 : index
    %get3A_30 = tpu.vector_load %arg8[%get3A_29] {strides = array<i32>} : memref<512xi32, #tpu.memory_space<vmem>>, vector<16xi32>,
    %eq3A_31 = arith.constant 0 : i32
    %eq3A_32 = vector.broadcast %eq3A_31 : i32 to vector<16xi32>
    %eq3A_33 = arith.cmpi eq, %iota3A, %eq3A_32 : vector<16xi32>
    %select_n3A_34 = arith.select %eq3A_33, %get3A_30, %broadcast_in_dim3A_3 : vector<16xi1>, vector<16xi32>
    %reduce_sum3A_35 = arith.constant true
    %reduce_sum3A_36 = vector.broadcast %reduce_sum3A_35 : i1 to vector<16xi1>
    %reduce_sum3A_37 = tpu.scan <sum>, %select_n3A_34 masked %reduce_sum3A_36 : vector<16xi32>, vector<16xi1> -> vector<16xi32>
    %reduce_sum3A_38 = vector.extract %reduce_sum3A_37[15] : i32 from vector<16xi32>
    %jit3A_39 = arith.constant 128 : i32
    %div3A_40 = arith.divsi %reduce_sum3A_38, %jit3A_39 : i32
    %sign3A_41 = arith.constant 0 : i32
    %sign3A_42 = arith.cmpi sgt, %reduce_sum3A_38, %sign3A_41 : i32
    %sign3A_43 = arith.extui %sign3A_42 : i1 to i32
    %sign3A_44 = arith.constant 0 : i32
    %sign3A_45 = arith.cmpi slt, %reduce_sum3A_38, %sign3A_44 : i32
    %sign3A_46 = arith.extui %sign3A_45 : i1 to i32
    %sign3A_47 = arith.subi %sign3A_43, %sign3A_46 : i32
    %sign3A_48 = arith.constant 0 : i32
    %sign3A_49 = arith.cmpi sgt, %jit3A_39, %sign3A_48 : i32
    %sign3A_50 = arith.extui %sign3A_49 : i1 to i32
    %sign3A_51 = arith.constant 0 : i32
    %sign3A_52 = arith.cmpi slt, %jit3A_39, %sign3A_51 : i32
    %sign3A_53 = arith.extui %sign3A_52 : i1 to i32
    %sign3A_54 = arith.subi %sign3A_50, %sign3A_53 : i32
    %ne3A_55 = arith.cmpi ne, %sign3A_47, %sign3A_54 : i32
    %rem3A_56 = arith.remsi %reduce_sum3A_38, %jit3A_39 : i32
    %ne3A_57 = arith.constant 0 : i32
    %ne3A_58 = arith.cmpi ne, %rem3A_56, %ne3A_57 : i32
    %and3A_59 = arith.andi %ne3A_55, %ne3A_58 : i1
    %sub3A_60 = arith.constant 1 : i32
    %sub3A_61 = arith.subi %div3A_40, %sub3A_60 : i32
    %select_n3A_62 = arith.select %and3A_59, %sub3A_61, %div3A_40 : i32
    %mul3A_63 = arith.constant 128 : i32
    %mul3A_64 = arith.muli %select_n3A_62, %mul3A_63 : i32
    %dma_start3A = arith.constant 0 : i32
    %dma_start3A_65 = arith.constant 0 : i32
    %dma_start3A_66 = arith.constant 0 : i32
    %dma_start3A_67 = arith.constant 0 : i32
    %dma_start3A_68 = tpu.memref_slice %arg9[%dma_start3A, %dma_start3A_66, %dma_start3A_67] : memref<4x64x128xf32, #tpu.memory_space<vmem>> -> memref<1x32x128xf32, #tpu.memory_space<vmem>>
    %dma_start3A_69 = tpu.memref_squeeze %dma_start3A_68 : memref<1x32x128xf32, #tpu.memory_space<vmem>> -> memref<32x128xf32, #tpu.memory_space<vmem>>
    %dma_start3A_70 = arith.constant 0 : i32
    %dma_start3A_71 = tpu.memref_slice %arg4[%dma_start3A_70, %mul3A_28] : memref<64x1000000xf32, #tpu.memory_space<hbm>> -> memref<32x128xf32, #tpu.memory_space<hbm>>
    %dma_start3A_72 = tpu.memref_slice %arg12[%dma_start3A_65] : memref<4x!tpu.dma_semaphore, #tpu.memory_space<semaphore_mem>> -> memref<1x!tpu.dma_semaphore, #tpu.memory_space<semaphore_mem>>
    %dma_start3A_73 = tpu.memref_squeeze %dma_start3A_72 : memref<1x!tpu.dma_semaphore, #tpu.memory_space<semaphore_mem>> -> memref<!tpu.dma_semaphore, #tpu.memory_space<semaphore_mem>>
    %dma_start3A_74 = arith.constant 0 : i32
    %dma_start3A_75 = arith.constant 0 : i32
    %dma_start3A_76 = tpu.memref_slice %arg9[%dma_start3A, %dma_start3A_74, %dma_start3A_75] : memref<4x64x128xf32, #tpu.memory_space<vmem>> -> memref<1x32x128xf32, #tpu.memory_space<vmem>>
    %dma_start3A_77 = tpu.memref_squeeze %dma_start3A_76 : memref<1x32x128xf32, #tpu.memory_space<vmem>> -> memref<32x128xf32, #tpu.memory_space<vmem>>
    %dma_start3A_78 = arith.constant 0 : i32
    %dma_start3A_79 = tpu.memref_slice %arg4[%dma_start3A_78, %mul3A_28] : memref<64x1000000xf32, #tpu.memory_space<hbm>> -> memref<32x128xf32, #tpu.memory_space<hbm>>
    tpu.enqueue_dma source(%dma_start3A_79 : memref<32x128xf32, #tpu.memory_space<hbm>>) target(%dma_start3A_77 : memref<32x128xf32, #tpu.memory_space<vmem>>) target_semaphore(%dma_start3A_73 : memref<!tpu.dma_semaphore, #tpu.memory_space<semaphore_mem>>)
    %dma_start3A_80 = arith.constant 0 : i32
    %dma_start3A_81 = arith.constant 0 : i32
    %dma_start3A_82 = arith.constant 32 : i32
    %dma_start3A_83 = arith.constant 0 : i32
    %dma_start3A_84 = tpu.memref_slice %arg9[%dma_start3A_80, %dma_start3A_82, %dma_start3A_83] : memref<4x64x128xf32, #tpu.memory_space<vmem>> -> memref<1x32x128xf32, #tpu.memory_space<vmem>>
    %dma_start3A_85 = tpu.memref_squeeze %dma_start3A_84 : memref<1x32x128xf32, #tpu.memory_space<vmem>> -> memref<32x128xf32, #tpu.memory_space<vmem>>
    %dma_start3A_86 = arith.constant 32 : i32
    %dma_start3A_87 = tpu.memref_slice %arg4[%dma_start3A_86, %mul3A_28] : memref<64x1000000xf32, #tpu.memory_space<hbm>> -> memref<32x128xf32, #tpu.memory_space<hbm>>
    %dma_start3A_88 = tpu.memref_slice %arg12[%dma_start3A_81] : memref<4x!tpu.dma_semaphore, #tpu.memory_space<semaphore_mem>> -> memref<1x!tpu.dma_semaphore, #tpu.memory_space<semaphore_mem>>
    %dma_start3A_89 = tpu.memref_squeeze %dma_start3A_88 : memref<1x!tpu.dma_semaphore, #tpu.memory_space<semaphore_mem>> -> memref<!tpu.dma_semaphore, #tpu.memory_space<semaphore_mem>>
    %dma_start3A_90 = arith.constant 32 : i32
    %dma_start3A_91 = arith.constant 0 : i32
    %dma_start3A_92 = tpu.memref_slice %arg9[%dma_start3A_80, %dma_start3A_90, %dma_start3A_91] : memref<4x64x128xf32, #tpu.memory_space<vmem>> -> memref<1x32x128xf32, #tpu.memory_space<vmem>>
    %dma_start3A_93 = tpu.memref_squeeze %dma_start3A_92 : memref<1x32x128xf32, #tpu.memory_space<vmem>> -> memref<32x128xf32, #tpu.memory_space<vmem>>
    %dma_start3A_94 = arith.constant 32 : i32
    %dma_start3A_95 = tpu.memref_slice %arg4[%dma_start3A_94, %mul3A_28] : memref<64x1000000xf32, #tpu.memory_space<hbm>> -> memref<32x128xf32, #tpu.memory_space<hbm>>
    tpu.enqueue_dma source(%dma_start3A_95 : memref<32x128xf32, #tpu.memory_space<hbm>>) target(%dma_start3A_93 : memref<32x128xf32, #tpu.memory_space<vmem>>) target_semaphore(%dma_start3A_89 : memref<!tpu.dma_semaphore, #tpu.memory_space<semaphore_mem>>)
    %dma_start3A_96 = arith.constant 0 : i32
    %dma_start3A_97 = arith.constant 0 : i32
    %dma_start3A_98 = arith.constant 0 : i32
    %dma_start3A_99 = arith.constant 0 : i32
    %dma_start3A_100 = tpu.memref_slice %arg10[%dma_start3A_96, %dma_start3A_98, %dma_start3A_99] : memref<4x64x128xf32, #tpu.memory_space<vmem>> -> memref<1x32x128xf32, #tpu.memory_space<vmem>>
    %dma_start3A_101 = tpu.memref_squeeze %dma_start3A_100 : memref<1x32x128xf32, #tpu.memory_space<vmem>> -> memref<32x128xf32, #tpu.memory_space<vmem>>
    %dma_start3A_102 = arith.constant 0 : i32
    %dma_start3A_103 = tpu.memref_slice %arg5[%dma_start3A_102, %mul3A_64] : memref<64x1000000xf32, #tpu.memory_space<hbm>> -> memref<32x128xf32, #tpu.memory_space<hbm>>
    %dma_start3A_104 = tpu.memref_slice %arg13[%dma_start3A_97] : memref<4x!tpu.dma_semaphore, #tpu.memory_space<semaphore_mem>> -> memref<1x!tpu.dma_semaphore, #tpu.memory_space<semaphore_mem>>
    %dma_start3A_105 = tpu.memref_squeeze %dma_start3A_104 : memref<1x!tpu.dma_semaphore, #tpu.memory_space<semaphore_mem>> -> memref<!tpu.dma_semaphore, #tpu.memory_space<semaphore_mem>>
    %dma_start3A_106 = arith.constant 0 : i32
    %dma_start3A_107 = arith.constant 0 : i32
    %dma_start3A_108 = tpu.memref_slice %arg10[%dma_start3A_96, %dma_start3A_106, %dma_start3A_107] : memref<4x64x128xf32, #tpu.memory_space<vmem>> -> memref<1x32x128xf32, #tpu.memory_space<vmem>>
    %dma_start3A_109 = tpu.memref_squeeze %dma_start3A_108 : memref<1x32x128xf32, #tpu.memory_space<vmem>> -> memref<32x128xf32, #tpu.memory_space<vmem>>
    %dma_start3A_110 = arith.constant 0 : i32
    %dma_start3A_111 = tpu.memref_slice %arg5[%dma_start3A_110, %mul3A_64] : memref<64x1000000xf32, #tpu.memory_space<hbm>> -> memref<32x128xf32, #tpu.memory_space<hbm>>
    tpu.enqueue_dma source(%dma_start3A_111 : memref<32x128xf32, #tpu.memory_space<hbm>>) target(%dma_start3A_109 : memref<32x128xf32, #tpu.memory_space<vmem>>) target_semaphore(%dma_start3A_105 : memref<!tpu.dma_semaphore, #tpu.memory_space<semaphore_mem>>)
    %dma_start3A_112 = arith.constant 0 : i32
    %dma_start3A_113 = arith.constant 0 : i32
    %dma_start3A_114 = arith.constant 32 : i32
    %dma_start3A_115 = arith.constant 0 : i32
    %dma_start3A_116 = tpu.memref_slice %arg10[%dma_start3A_112, %dma_start3A_114, %dma_start3A_115] : memref<4x64x128xf32, #tpu.memory_space<vmem>> -> memref<1x32x128xf32, #tpu.memory_space<vmem>>
    %dma_start3A_117 = tpu.memref_squeeze %dma_start3A_116 : memref<1x32x128xf32, #tpu.memory_space<vmem>> -> memref<32x128xf32, #tpu.memory_space<vmem>>
    %dma_start3A_118 = arith.constant 32 : i32
    %dma_start3A_119 = tpu.memref_slice %arg5[%dma_start3A_118, %mul3A_64] : memref<64x1000000xf32, #tpu.memory_space<hbm>> -> memref<32x128xf32, #tpu.memory_space<hbm>>
    %dma_start3A_120 = tpu.memref_slice %arg13[%dma_start3A_113] : memref<4x!tpu.dma_semaphore, #tpu.memory_space<semaphore_mem>> -> memref<1x!tpu.dma_semaphore, #tpu.memory_space<semaphore_mem>>
    %dma_start3A_121 = tpu.memref_squeeze %dma_start3A_120 : memref<1x!tpu.dma_semaphore, #tpu.memory_space<semaphore_mem>> -> memref<!tpu.dma_semaphore, #tpu.memory_space<semaphore_mem>>
    %dma_start3A_122 = arith.constant 32 : i32
    %dma_start3A_123 = arith.constant 0 : i32
    %dma_start3A_124 = tpu.memref_slice %arg10[%dma_start3A_112, %dma_start3A_122, %dma_start3A_123] : memref<4x64x128xf32, #tpu.memory_space<vmem>> -> memref<1x32x128xf32, #tpu.memory_space<vmem>>
    %dma_start3A_125 = tpu.memref_squeeze %dma_start3A_124 : memref<1x32x128xf32, #tpu.memory_space<vmem>> -> memref<32x128xf32, #tpu.memory_space<vmem>>
    %dma_start3A_126 = arith.constant 32 : i32
    %dma_start3A_127 = tpu.memref_slice %arg5[%dma_start3A_126, %mul3A_64] : memref<64x1000000xf32, #tpu.memory_space<hbm>> -> memref<32x128xf32, #tpu.memory_space<hbm>>
    tpu.enqueue_dma source(%dma_start3A_127 : memref<32x128xf32, #tpu.memory_space<hbm>>) target(%dma_start3A_125 : memref<32x128xf32, #tpu.memory_space<vmem>>) target_semaphore(%dma_start3A_121 : memref<!tpu.dma_semaphore, #tpu.memory_space<semaphore_mem>>)
    %get3A_128 = arith.constant 0 : index
    %get3A_129 = tpu.vector_load %arg7[%get3A_128] {strides = array<i32>} : memref<512xi32, #tpu.memory_space<vmem>>, vector<16xi32>,
    %eq3A_130 = arith.constant 1 : i32
    %eq3A_131 = vector.broadcast %eq3A_130 : i32 to vector<16xi32>
    %eq3A_132 = arith.cmpi eq, %iota3A, %eq3A_131 : vector<16xi32>
    %select_n3A_133 = arith.select %eq3A_132, %get3A_129, %broadcast_in_dim3A_3 : vector<16xi1>, vector<16xi32>
    %reduce_sum3A_134 = arith.constant true
    %reduce_sum3A_135 = vector.broadcast %reduce_sum3A_134 : i1 to vector<16xi1>
    %reduce_sum3A_136 = tpu.scan <sum>, %select_n3A_133 masked %reduce_sum3A_135 : vector<16xi32>, vector<16xi1> -> vector<16xi32>
    %reduce_sum3A_137 = vector.extract %reduce_sum3A_136[15] : i32 from vector<16xi32>
    %jit3A_138 = arith.constant 128 : i32
    %div3A_139 = arith.divsi %reduce_sum3A_137, %jit3A_138 : i32
    %sign3A_140 = arith.constant 0 : i32
    %sign3A_141 = arith.cmpi sgt, %reduce_sum3A_137, %sign3A_140 : i32
    %sign3A_142 = arith.extui %sign3A_141 : i1 to i32
    %sign3A_143 = arith.constant 0 : i32
    %sign3A_144 = arith.cmpi slt, %reduce_sum3A_137, %sign3A_143 : i32
    %sign3A_145 = arith.extui %sign3A_144 : i1 to i32
    %sign3A_146 = arith.subi %sign3A_142, %sign3A_145 : i32
    %sign3A_147 = arith.constant 0 : i32
    %sign3A_148 = arith.cmpi sgt, %jit3A_138, %sign3A_147 : i32
    %sign3A_149 = arith.extui %sign3A_148 : i1 to i32
    %sign3A_150 = arith.constant 0 : i32
    %sign3A_151 = arith.cmpi slt, %jit3A_138, %sign3A_150 : i32
    %sign3A_152 = arith.extui %sign3A_151 : i1 to i32
    %sign3A_153 = arith.subi %sign3A_149, %sign3A_152 : i32
    %ne3A_154 = arith.cmpi ne, %sign3A_146, %sign3A_153 : i32
    %rem3A_155 = arith.remsi %reduce_sum3A_137, %jit3A_138 : i32
    %ne3A_156 = arith.constant 0 : i32
    %ne3A_157 = arith.cmpi ne, %rem3A_155, %ne3A_156 : i32
    %and3A_158 = arith.andi %ne3A_154, %ne3A_157 : i1
    %sub3A_159 = arith.constant 1 : i32
    %sub3A_160 = arith.subi %div3A_139, %sub3A_159 : i32
    %select_n3A_161 = arith.select %and3A_158, %sub3A_160, %div3A_139 : i32
    %mul3A_162 = arith.constant 128 : i32
    %mul3A_163 = arith.muli %select_n3A_161, %mul3A_162 : i32
    %get3A_164 = arith.constant 0 : index
    %get3A_165 = tpu.vector_load %arg8[%get3A_164] {strides = array<i32>} : memref<512xi32, #tpu.memory_space<vmem>>, vector<16xi32>,
    %eq3A_166 = arith.constant 1 : i32
    %eq3A_167 = vector.broadcast %eq3A_166 : i32 to vector<16xi32>
    %eq3A_168 = arith.cmpi eq, %iota3A, %eq3A_167 : vector<16xi32>
    %select_n3A_169 = arith.select %eq3A_168, %get3A_165, %broadcast_in_dim3A_3 : vector<16xi1>, vector<16xi32>
    %reduce_sum3A_170 = arith.constant true
    %reduce_sum3A_171 = vector.broadcast %reduce_sum3A_170 : i1 to vector<16xi1>
    %reduce_sum3A_172 = tpu.scan <sum>, %select_n3A_169 masked %reduce_sum3A_171 : vector<16xi32>, vector<16xi1> -> vector<16xi32>
    %reduce_sum3A_173 = vector.extract %reduce_sum3A_172[15] : i32 from vector<16xi32>
    %jit3A_174 = arith.constant 128 : i32
    %div3A_175 = arith.divsi %reduce_sum3A_173, %jit3A_174 : i32
    %sign3A_176 = arith.constant 0 : i32
    %sign3A_177 = arith.cmpi sgt, %reduce_sum3A_173, %sign3A_176 : i32
    %sign3A_178 = arith.extui %sign3A_177 : i1 to i32
    %sign3A_179 = arith.constant 0 : i32
    %sign3A_180 = arith.cmpi slt, %reduce_sum3A_173, %sign3A_179 : i32
    %sign3A_181 = arith.extui %sign3A_180 : i1 to i32
    %sign3A_182 = arith.subi %sign3A_178, %sign3A_181 : i32
    %sign3A_183 = arith.constant 0 : i32
    %sign3A_184 = arith.cmpi sgt, %jit3A_174, %sign3A_183 : i32
    %sign3A_185 = arith.extui %sign3A_184 : i1 to i32
    %sign3A_186 = arith.constant 0 : i32
    %sign3A_187 = arith.cmpi slt, %jit3A_174, %sign3A_186 : i32
    %sign3A_188 = arith.extui %sign3A_187 : i1 to i32
    %sign3A_189 = arith.subi %sign3A_185, %sign3A_188 : i32
    %ne3A_190 = arith.cmpi ne, %sign3A_182, %sign3A_189 : i32
    %rem3A_191 = arith.remsi %reduce_sum3A_173, %jit3A_174 : i32
    %ne3A_192 = arith.constant 0 : i32
    %ne3A_193 = arith.cmpi ne, %rem3A_191, %ne3A_192 : i32
    %and3A_194 = arith.andi %ne3A_190, %ne3A_193 : i1
    %sub3A_195 = arith.constant 1 : i32
    %sub3A_196 = arith.subi %div3A_175, %sub3A_195 : i32
    %select_n3A_197 = arith.select %and3A_194, %sub3A_196, %div3A_175 : i32
    %mul3A_198 = arith.constant 128 : i32
    %mul3A_199 = arith.muli %select_n3A_197, %mul3A_198 : i32
    %dma_start3A_200 = arith.constant 1 : i32
    %dma_start3A_201 = arith.constant 1 : i32
    %dma_start3A_202 = arith.constant 0 : i32
    %dma_start3A_203 = arith.constant 0 : i32
    %dma_start3A_204 = tpu.memref_slice %arg9[%dma_start3A_200, %dma_start3A_202, %dma_start3A_203] : memref<4x64x128xf32, #tpu.memory_space<vmem>> -> memref<1x32x128xf32, #tpu.memory_space<vmem>>
    %dma_start3A_205 = tpu.memref_squeeze %dma_start3A_204 : memref<1x32x128xf32, #tpu.memory_space<vmem>> -> memref<32x128xf32, #tpu.memory_space<vmem>>
    %dma_start3A_206 = arith.constant 0 : i32
    %dma_start3A_207 = tpu.memref_slice %arg4[%dma_start3A_206, %mul3A_163] : memref<64x1000000xf32, #tpu.memory_space<hbm>> -> memref<32x128xf32, #tpu.memory_space<hbm>>
    %dma_start3A_208 = tpu.memref_slice %arg12[%dma_start3A_201] : memref<4x!tpu.dma_semaphore, #tpu.memory_space<semaphore_mem>> -> memref<1x!tpu.dma_semaphore, #tpu.memory_space<semaphore_mem>>
    %dma_start3A_209 = tpu.memref_squeeze %dma_start3A_208 : memref<1x!tpu.dma_semaphore, #tpu.memory_space<semaphore_mem>> -> memref<!tpu.dma_semaphore, #tpu.memory_space<semaphore_mem>>
    %dma_start3A_210 = arith.constant 0 : i32
    %dma_start3A_211 = arith.constant 0 : i32
    %dma_start3A_212 = tpu.memref_slice %arg9[%dma_start3A_200, %dma_start3A_210, %dma_start3A_211] : memref<4x64x128xf32, #tpu.memory_space<vmem>> -> memref<1x32x128xf32, #tpu.memory_space<vmem>>
    %dma_start3A_213 = tpu.memref_squeeze %dma_start3A_212 : memref<1x32x128xf32, #tpu.memory_space<vmem>> -> memref<32x128xf32, #tpu.memory_space<vmem>>
    %dma_start3A_214 = arith.constant 0 : i32
    %dma_start3A_215 = tpu.memref_slice %arg4[%dma_start3A_214, %mul3A_163] : memref<64x1000000xf32, #tpu.memory_space<hbm>> -> memref<32x128xf32, #tpu.memory_space<hbm>>
    tpu.enqueue_dma source(%dma_start3A_215 : memref<32x128xf32, #tpu.memory_space<hbm>>) target(%dma_start3A_213 : memref<32x128xf32, #tpu.memory_space<vmem>>) target_semaphore(%dma_start3A_209 : memref<!tpu.dma_semaphore, #tpu.memory_space<semaphore_mem>>)
    %dma_start3A_216 = arith.constant 1 : i32
    %dma_start3A_217 = arith.constant 1 : i32
    %dma_start3A_218 = arith.constant 32 : i32
    %dma_start3A_219 = arith.constant 0 : i32
    %dma_start3A_220 = tpu.memref_slice %arg9[%dma_start3A_216, %dma_start3A_218, %dma_start3A_219] : memref<4x64x128xf32, #tpu.memory_space<vmem>> -> memref<1x32x128xf32, #tpu.memory_space<vmem>>
    %dma_start3A_221 = tpu.memref_squeeze %dma_start3A_220 : memref<1x32x128xf32, #tpu.memory_space<vmem>> -> memref<32x128xf32, #tpu.memory_space<vmem>>
    %dma_start3A_222 = arith.constant 32 : i32
    %dma_start3A_223 = tpu.memref_slice %arg4[%dma_start3A_222, %mul3A_163] : memref<64x1000000xf32, #tpu.memory_space<hbm>> -> memref<32x128xf32, #tpu.memory_space<hbm>>
    %dma_start3A_224 = tpu.memref_slice %arg12[%dma_start3A_217] : memref<4x!tpu.dma_semaphore, #tpu.memory_space<semaphore_mem>> -> memref<1x!tpu.dma_semaphore, #tpu.memory_space<semaphore_mem>>
    %dma_start3A_225 = tpu.memref_squeeze %dma_start3A_224 : memref<1x!tpu.dma_semaphore, #tpu.memory_space<semaphore_mem>> -> memref<!tpu.dma_semaphore, #tpu.memory_space<semaphore_mem>>
    %dma_start3A_226 = arith.constant 32 : i32
    %dma_start3A_227 = arith.constant 0 : i32
    %dma_start3A_228 = tpu.memref_slice %arg9[%dma_start3A_216, %dma_start3A_226, %dma_start3A_227] : memref<4x64x128xf32, #tpu.memory_space<vmem>> -> memref<1x32x128xf32, #tpu.memory_space<vmem>>
    %dma_start3A_229 = tpu.memref_squeeze %dma_start3A_228 : memref<1x32x128xf32, #tpu.memory_space<vmem>> -> memref<32x128xf32, #tpu.memory_space<vmem>>
    %dma_start3A_230 = arith.constant 32 : i32
    %dma_start3A_231 = tpu.memref_slice %arg4[%dma_start3A_230, %mul3A_163] : memref<64x1000000xf32, #tpu.memory_space<hbm>> -> memref<32x128xf32, #tpu.memory_space<hbm>>
    tpu.enqueue_dma source(%dma_start3A_231 : memref<32x128xf32, #tpu.memory_space<hbm>>) target(%dma_start3A_229 : memref<32x128xf32, #tpu.memory_space<vmem>>) target_semaphore(%dma_start3A_225 : memref<!tpu.dma_semaphore, #tpu.memory_space<semaphore_mem>>)
    %dma_start3A_232 = arith.constant 1 : i32
    %dma_start3A_233 = arith.constant 1 : i32
    %dma_start3A_234 = arith.constant 0 : i32
    %dma_start3A_235 = arith.constant 0 : i32
    %dma_start3A_236 = tpu.memref_slice %arg10[%dma_start3A_232, %dma_start3A_234, %dma_start3A_235] : memref<4x64x128xf32, #tpu.memory_space<vmem>> -> memref<1x32x128xf32, #tpu.memory_space<vmem>>
    %dma_start3A_237 = tpu.memref_squeeze %dma_start3A_236 : memref<1x32x128xf32, #tpu.memory_space<vmem>> -> memref<32x128xf32, #tpu.memory_space<vmem>>
    %dma_start3A_238 = arith.constant 0 : i32
    %dma_start3A_239 = tpu.memref_slice %arg5[%dma_start3A_238, %mul3A_199] : memref<64x1000000xf32, #tpu.memory_space<hbm>> -> memref<32x128xf32, #tpu.memory_space<hbm>>
    %dma_start3A_240 = tpu.memref_slice %arg13[%dma_start3A_233] : memref<4x!tpu.dma_semaphore, #tpu.memory_space<semaphore_mem>> -> memref<1x!tpu.dma_semaphore, #tpu.memory_space<semaphore_mem>>
    %dma_start3A_241 = tpu.memref_squeeze %dma_start3A_240 : memref<1x!tpu.dma_semaphore, #tpu.memory_space<semaphore_mem>> -> memref<!tpu.dma_semaphore, #tpu.memory_space<semaphore_mem>>
    %dma_start3A_242 = arith.constant 0 : i32
    %dma_start3A_243 = arith.constant 0 : i32
    %dma_start3A_244 = tpu.memref_slice %arg10[%dma_start3A_232, %dma_start3A_242, %dma_start3A_243] : memref<4x64x128xf32, #tpu.memory_space<vmem>> -> memref<1x32x128xf32, #tpu.memory_space<vmem>>
    %dma_start3A_245 = tpu.memref_squeeze %dma_start3A_244 : memref<1x32x128xf32, #tpu.memory_space<vmem>> -> memref<32x128xf32, #tpu.memory_space<vmem>>
    %dma_start3A_246 = arith.constant 0 : i32
    %dma_start3A_247 = tpu.memref_slice %arg5[%dma_start3A_246, %mul3A_199] : memref<64x1000000xf32, #tpu.memory_space<hbm>> -> memref<32x128xf32, #tpu.memory_space<hbm>>
    tpu.enqueue_dma source(%dma_start3A_247 : memref<32x128xf32, #tpu.memory_space<hbm>>) target(%dma_start3A_245 : memref<32x128xf32, #tpu.memory_space<vmem>>) target_semaphore(%dma_start3A_241 : memref<!tpu.dma_semaphore, #tpu.memory_space<semaphore_mem>>)
    %dma_start3A_248 = arith.constant 1 : i32
    %dma_start3A_249 = arith.constant 1 : i32
    %dma_start3A_250 = arith.constant 32 : i32
    %dma_start3A_251 = arith.constant 0 : i32
    %dma_start3A_252 = tpu.memref_slice %arg10[%dma_start3A_248, %dma_start3A_250, %dma_start3A_251] : memref<4x64x128xf32, #tpu.memory_space<vmem>> -> memref<1x32x128xf32, #tpu.memory_space<vmem>>
    %dma_start3A_253 = tpu.memref_squeeze %dma_start3A_252 : memref<1x32x128xf32, #tpu.memory_space<vmem>> -> memref<32x128xf32, #tpu.memory_space<vmem>>
    %dma_start3A_254 = arith.constant 32 : i32
    %dma_start3A_255 = tpu.memref_slice %arg5[%dma_start3A_254, %mul3A_199] : memref<64x1000000xf32, #tpu.memory_space<hbm>> -> memref<32x128xf32, #tpu.memory_space<hbm>>
    %dma_start3A_256 = tpu.memref_slice %arg13[%dma_start3A_249] : memref<4x!tpu.dma_semaphore, #tpu.memory_space<semaphore_mem>> -> memref<1x!tpu.dma_semaphore, #tpu.memory_space<semaphore_mem>>
    %dma_start3A_257 = tpu.memref_squeeze %dma_start3A_256 : memref<1x!tpu.dma_semaphore, #tpu.memory_space<semaphore_mem>> -> memref<!tpu.dma_semaphore, #tpu.memory_space<semaphore_mem>>
    %dma_start3A_258 = arith.constant 32 : i32
    %dma_start3A_259 = arith.constant 0 : i32
    %dma_start3A_260 = tpu.memref_slice %arg10[%dma_start3A_248, %dma_start3A_258, %dma_start3A_259] : memref<4x64x128xf32, #tpu.memory_space<vmem>> -> memref<1x32x128xf32, #tpu.memory_space<vmem>>
    %dma_start3A_261 = tpu.memref_squeeze %dma_start3A_260 : memref<1x32x128xf32, #tpu.memory_space<vmem>> -> memref<32x128xf32, #tpu.memory_space<vmem>>
    %dma_start3A_262 = arith.constant 32 : i32
    %dma_start3A_263 = tpu.memref_slice %arg5[%dma_start3A_262, %mul3A_199] : memref<64x1000000xf32, #tpu.memory_space<hbm>> -> memref<32x128xf32, #tpu.memory_space<hbm>>
    tpu.enqueue_dma source(%dma_start3A_263 : memref<32x128xf32, #tpu.memory_space<hbm>>) target(%dma_start3A_261 : memref<32x128xf32, #tpu.memory_space<vmem>>) target_semaphore(%dma_start3A_257 : memref<!tpu.dma_semaphore, #tpu.memory_space<semaphore_mem>>)
    %get3A_264 = arith.constant 0 : index
    %get3A_265 = tpu.vector_load %arg7[%get3A_264] {strides = array<i32>} : memref<512xi32, #tpu.memory_space<vmem>>, vector<16xi32>,
    %eq3A_266 = arith.constant 2 : i32
    %eq3A_267 = vector.broadcast %eq3A_266 : i32 to vector<16xi32>
    %eq3A_268 = arith.cmpi eq, %iota3A, %eq3A_267 : vector<16xi32>
    %select_n3A_269 = arith.select %eq3A_268, %get3A_265, %broadcast_in_dim3A_3 : vector<16xi1>, vector<16xi32>
    %reduce_sum3A_270 = arith.constant true
    %reduce_sum3A_271 = vector.broadcast %reduce_sum3A_270 : i1 to vector<16xi1>
    %reduce_sum3A_272 = tpu.scan <sum>, %select_n3A_269 masked %reduce_sum3A_271 : vector<16xi32>, vector<16xi1> -> vector<16xi32>
    %reduce_sum3A_273 = vector.extract %reduce_sum3A_272[15] : i32 from vector<16xi32>
    %jit3A_274 = arith.constant 128 : i32
    %div3A_275 = arith.divsi %reduce_sum3A_273, %jit3A_274 : i32
    %sign3A_276 = arith.constant 0 : i32
    %sign3A_277 = arith.cmpi sgt, %reduce_sum3A_273, %sign3A_276 : i32
    %sign3A_278 = arith.extui %sign3A_277 : i1 to i32
    %sign3A_279 = arith.constant 0 : i32
    %sign3A_280 = arith.cmpi slt, %reduce_sum3A_273, %sign3A_279 : i32
    %sign3A_281 = arith.extui %sign3A_280 : i1 to i32
    %sign3A_282 = arith.subi %sign3A_278, %sign3A_281 : i32
    %sign3A_283 = arith.constant 0 : i32
    %sign3A_284 = arith.cmpi sgt, %jit3A_274, %sign3A_283 : i32
    %sign3A_285 = arith.extui %sign3A_284 : i1 to i32
    %sign3A_286 = arith.constant 0 : i32
    %sign3A_287 = arith.cmpi slt, %jit3A_274, %sign3A_286 : i32
    %sign3A_288 = arith.extui %sign3A_287 : i1 to i32
    %sign3A_289 = arith.subi %sign3A_285, %sign3A_288 : i32
    %ne3A_290 = arith.cmpi ne, %sign3A_282, %sign3A_289 : i32
    %rem3A_291 = arith.remsi %reduce_sum3A_273, %jit3A_274 : i32
    %ne3A_292 = arith.constant 0 : i32
    %ne3A_293 = arith.cmpi ne, %rem3A_291, %ne3A_292 : i32
    %and3A_294 = arith.andi %ne3A_290, %ne3A_293 : i1
    %sub3A_295 = arith.constant 1 : i32
    %sub3A_296 = arith.subi %div3A_275, %sub3A_295 : i32
    %select_n3A_297 = arith.select %and3A_294, %sub3A_296, %div3A_275 : i32
    %mul3A_298 = arith.constant 128 : i32
    %mul3A_299 = arith.muli %select_n3A_297, %mul3A_298 : i32
    %get3A_300 = arith.constant 0 : index
    %get3A_301 = tpu.vector_load %arg8[%get3A_300] {strides = array<i32>} : memref<512xi32, #tpu.memory_space<vmem>>, vector<16xi32>,
    %eq3A_302 = arith.constant 2 : i32
    %eq3A_303 = vector.broadcast %eq3A_302 : i32 to vector<16xi32>
    %eq3A_304 = arith.cmpi eq, %iota3A, %eq3A_303 : vector<16xi32>
    %select_n3A_305 = arith.select %eq3A_304, %get3A_301, %broadcast_in_dim3A_3 : vector<16xi1>, vector<16xi32>
    %reduce_sum3A_306 = arith.constant true
    %reduce_sum3A_307 = vector.broadcast %reduce_sum3A_306 : i1 to vector<16xi1>
    %reduce_sum3A_308 = tpu.scan <sum>, %select_n3A_305 masked %reduce_sum3A_307 : vector<16xi32>, vector<16xi1> -> vector<16xi32>
    %reduce_sum3A_309 = vector.extract %reduce_sum3A_308[15] : i32 from vector<16xi32>
    %jit3A_310 = arith.constant 128 : i32
    %div3A_311 = arith.divsi %reduce_sum3A_309, %jit3A_310 : i32
    %sign3A_312 = arith.constant 0 : i32
    %sign3A_313 = arith.cmpi sgt, %reduce_sum3A_309, %sign3A_312 : i32
    %sign3A_314 = arith.extui %sign3A_313 : i1 to i32
    %sign3A_315 = arith.constant 0 : i32
    %sign3A_316 = arith.cmpi slt, %reduce_sum3A_309, %sign3A_315 : i32
    %sign3A_317 = arith.extui %sign3A_316 : i1 to i32
    %sign3A_318 = arith.subi %sign3A_314, %sign3A_317 : i32
    %sign3A_319 = arith.constant 0 : i32
    %sign3A_320 = arith.cmpi sgt, %jit3A_310, %sign3A_319 : i32
    %sign3A_321 = arith.extui %sign3A_320 : i1 to i32
    %sign3A_322 = arith.constant 0 : i32
    %sign3A_323 = arith.cmpi slt, %jit3A_310, %sign3A_322 : i32
    %sign3A_324 = arith.extui %sign3A_323 : i1 to i32
    %sign3A_325 = arith.subi %sign3A_321, %sign3A_324 : i32
    %ne3A_326 = arith.cmpi ne, %sign3A_318, %sign3A_325 : i32
    %rem3A_327 = arith.remsi %reduce_sum3A_309, %jit3A_310 : i32
    %ne3A_328 = arith.constant 0 : i32
    %ne3A_329 = arith.cmpi ne, %rem3A_327, %ne3A_328 : i32
    %and3A_330 = arith.andi %ne3A_326, %ne3A_329 : i1
    %sub3A_331 = arith.constant 1 : i32
    %sub3A_332 = arith.subi %div3A_311, %sub3A_331 : i32
    %select_n3A_333 = arith.select %and3A_330, %sub3A_332, %div3A_311 : i32
    %mul3A_334 = arith.constant 128 : i32
    %mul3A_335 = arith.muli %select_n3A_333, %mul3A_334 : i32
    %dma_start3A_336 = arith.constant 2 : i32
    %dma_start3A_337 = arith.constant 2 : i32
    %dma_start3A_338 = arith.constant 0 : i32
    %dma_start3A_339 = arith.constant 0 : i32
    %dma_start3A_340 = tpu.memref_slice %arg9[%dma_start3A_336, %dma_start3A_338, %dma_start3A_339] : memref<4x64x128xf32, #tpu.memory_space<vmem>> -> memref<1x32x128xf32, #tpu.memory_space<vmem>>
    %dma_start3A_341 = tpu.memref_squeeze %dma_start3A_340 : memref<1x32x128xf32, #tpu.memory_space<vmem>> -> memref<32x128xf32, #tpu.memory_space<vmem>>
    %dma_start3A_342 = arith.constant 0 : i32
    %dma_start3A_343 = tpu.memref_slice %arg4[%dma_start3A_342, %mul3A_299] : memref<64x1000000xf32, #tpu.memory_space<hbm>> -> memref<32x128xf32, #tpu.memory_space<hbm>>
    %dma_start3A_344 = tpu.memref_slice %arg12[%dma_start3A_337] : memref<4x!tpu.dma_semaphore, #tpu.memory_space<semaphore_mem>> -> memref<1x!tpu.dma_semaphore, #tpu.memory_space<semaphore_mem>>
    %dma_start3A_345 = tpu.memref_squeeze %dma_start3A_344 : memref<1x!tpu.dma_semaphore, #tpu.memory_space<semaphore_mem>> -> memref<!tpu.dma_semaphore, #tpu.memory_space<semaphore_mem>>
    %dma_start3A_346 = arith.constant 0 : i32
    %dma_start3A_347 = arith.constant 0 : i32
    %dma_start3A_348 = tpu.memref_slice %arg9[%dma_start3A_336, %dma_start3A_346, %dma_start3A_347] : memref<4x64x128xf32, #tpu.memory_space<vmem>> -> memref<1x32x128xf32, #tpu.memory_space<vmem>>
    %dma_start3A_349 = tpu.memref_squeeze %dma_start3A_348 : memref<1x32x128xf32, #tpu.memory_space<vmem>> -> memref<32x128xf32, #tpu.memory_space<vmem>>
    %dma_start3A_350 = arith.constant 0 : i32
    %dma_start3A_351 = tpu.memref_slice %arg4[%dma_start3A_350, %mul3A_299] : memref<64x1000000xf32, #tpu.memory_space<hbm>> -> memref<32x128xf32, #tpu.memory_space<hbm>>
    tpu.enqueue_dma source(%dma_start3A_351 : memref<32x128xf32, #tpu.memory_space<hbm>>) target(%dma_start3A_349 : memref<32x128xf32, #tpu.memory_space<vmem>>) target_semaphore(%dma_start3A_345 : memref<!tpu.dma_semaphore, #tpu.memory_space<semaphore_mem>>)
    %dma_start3A_352 = arith.constant 2 : i32
    %dma_start3A_353 = arith.constant 2 : i32
    %dma_start3A_354 = arith.constant 32 : i32
    %dma_start3A_355 = arith.constant 0 : i32
    %dma_start3A_356 = tpu.memref_slice %arg9[%dma_start3A_352, %dma_start3A_354, %dma_start3A_355] : memref<4x64x128xf32, #tpu.memory_space<vmem>> -> memref<1x32x128xf32, #tpu.memory_space<vmem>>
    %dma_start3A_357 = tpu.memref_squeeze %dma_start3A_356 : memref<1x32x128xf32, #tpu.memory_space<vmem>> -> memref<32x128xf32, #tpu.memory_space<vmem>>
    %dma_start3A_358 = arith.constant 32 : i32
    %dma_start3A_359 = tpu.memref_slice %arg4[%dma_start3A_358, %mul3A_299] : memref<64x1000000xf32, #tpu.memory_space<hbm>> -> memref<32x128xf32, #tpu.memory_space<hbm>>
    %dma_start3A_360 = tpu.memref_slice %arg12[%dma_start3A_353] : memref<4x!tpu.dma_semaphore, #tpu.memory_space<semaphore_mem>> -> memref<1x!tpu.dma_semaphore, #tpu.memory_space<semaphore_mem>>
    %dma_start3A_361 = tpu.memref_squeeze %dma_start3A_360 : memref<1x!tpu.dma_semaphore, #tpu.memory_space<semaphore_mem>> -> memref<!tpu.dma_semaphore, #tpu.memory_space<semaphore_mem>>
    %dma_start3A_362 = arith.constant 32 : i32
    %dma_start3A_363 = arith.constant 0 : i32
    %dma_start3A_364 = tpu.memref_slice %arg9[%dma_start3A_352, %dma_start3A_362, %dma_start3A_363] : memref<4x64x128xf32, #tpu.memory_space<vmem>> -> memref<1x32x128xf32, #tpu.memory_space<vmem>>
    %dma_start3A_365 = tpu.memref_squeeze %dma_start3A_364 : memref<1x32x128xf32, #tpu.memory_space<vmem>> -> memref<32x128xf32, #tpu.memory_space<vmem>>
    %dma_start3A_366 = arith.constant 32 : i32
    %dma_start3A_367 = tpu.memref_slice %arg4[%dma_start3A_366, %mul3A_299] : memref<64x1000000xf32, #tpu.memory_space<hbm>> -> memref<32x128xf32, #tpu.memory_space<hbm>>
    tpu.enqueue_dma source(%dma_start3A_367 : memref<32x128xf32, #tpu.memory_space<hbm>>) target(%dma_start3A_365 : memref<32x128xf32, #tpu.memory_space<vmem>>) target_semaphore(%dma_start3A_361 : memref<!tpu.dma_semaphore, #tpu.memory_space<semaphore_mem>>)
    %dma_start3A_368 = arith.constant 2 : i32
    %dma_start3A_369 = arith.constant 2 : i32
    %dma_start3A_370 = arith.constant 0 : i32
    %dma_start3A_371 = arith.constant 0 : i32
    %dma_start3A_372 = tpu.memref_slice %arg10[%dma_start3A_368, %dma_start3A_370, %dma_start3A_371] : memref<4x64x128xf32, #tpu.memory_space<vmem>> -> memref<1x32x128xf32, #tpu.memory_space<vmem>>
    %dma_start3A_373 = tpu.memref_squeeze %dma_start3A_372 : memref<1x32x128xf32, #tpu.memory_space<vmem>> -> memref<32x128xf32, #tpu.memory_space<vmem>>
    %dma_start3A_374 = arith.constant 0 : i32
    %dma_start3A_375 = tpu.memref_slice %arg5[%dma_start3A_374, %mul3A_335] : memref<64x1000000xf32, #tpu.memory_space<hbm>> -> memref<32x128xf32, #tpu.memory_space<hbm>>
    %dma_start3A_376 = tpu.memref_slice %arg13[%dma_start3A_369] : memref<4x!tpu.dma_semaphore, #tpu.memory_space<semaphore_mem>> -> memref<1x!tpu.dma_semaphore, #tpu.memory_space<semaphore_mem>>
    %dma_start3A_377 = tpu.memref_squeeze %dma_start3A_376 : memref<1x!tpu.dma_semaphore, #tpu.memory_space<semaphore_mem>> -> memref<!tpu.dma_semaphore, #tpu.memory_space<semaphore_mem>>
    %dma_start3A_378 = arith.constant 0 : i32
    %dma_start3A_379 = arith.constant 0 : i32
    %dma_start3A_380 = tpu.memref_slice %arg10[%dma_start3A_368, %dma_start3A_378, %dma_start3A_379] : memref<4x64x128xf32, #tpu.memory_space<vmem>> -> memref<1x32x128xf32, #tpu.memory_space<vmem>>
    %dma_start3A_381 = tpu.memref_squeeze %dma_start3A_380 : memref<1x32x128xf32, #tpu.memory_space<vmem>> -> memref<32x128xf32, #tpu.memory_space<vmem>>
    %dma_start3A_382 = arith.constant 0 : i32
    %dma_start3A_383 = tpu.memref_slice %arg5[%dma_start3A_382, %mul3A_335] : memref<64x1000000xf32, #tpu.memory_space<hbm>> -> memref<32x128xf32, #tpu.memory_space<hbm>>
    tpu.enqueue_dma source(%dma_start3A_383 : memref<32x128xf32, #tpu.memory_space<hbm>>) target(%dma_start3A_381 : memref<32x128xf32, #tpu.memory_space<vmem>>) target_semaphore(%dma_start3A_377 : memref<!tpu.dma_semaphore, #tpu.memory_space<semaphore_mem>>)
    %dma_start3A_384 = arith.constant 2 : i32
    %dma_start3A_385 = arith.constant 2 : i32
    %dma_start3A_386 = arith.constant 32 : i32
    %dma_start3A_387 = arith.constant 0 : i32
    %dma_start3A_388 = tpu.memref_slice %arg10[%dma_start3A_384, %dma_start3A_386, %dma_start3A_387] : memref<4x64x128xf32, #tpu.memory_space<vmem>> -> memref<1x32x128xf32, #tpu.memory_space<vmem>>
    %dma_start3A_389 = tpu.memref_squeeze %dma_start3A_388 : memref<1x32x128xf32, #tpu.memory_space<vmem>> -> memref<32x128xf32, #tpu.memory_space<vmem>>
    %dma_start3A_390 = arith.constant 32 : i32
    %dma_start3A_391 = tpu.memref_slice %arg5[%dma_start3A_390, %mul3A_335] : memref<64x1000000xf32, #tpu.memory_space<hbm>> -> memref<32x128xf32, #tpu.memory_space<hbm>>
    %dma_start3A_392 = tpu.memref_slice %arg13[%dma_start3A_385] : memref<4x!tpu.dma_semaphore, #tpu.memory_space<semaphore_mem>> -> memref<1x!tpu.dma_semaphore, #tpu.memory_space<semaphore_mem>>
    %dma_start3A_393 = tpu.memref_squeeze %dma_start3A_392 : memref<1x!tpu.dma_semaphore, #tpu.memory_space<semaphore_mem>> -> memref<!tpu.dma_semaphore, #tpu.memory_space<semaphore_mem>>
    %dma_start3A_394 = arith.constant 32 : i32
    %dma_start3A_395 = arith.constant 0 : i32
    %dma_start3A_396 = tpu.memref_slice %arg10[%dma_start3A_384, %dma_start3A_394, %dma_start3A_395] : memref<4x64x128xf32, #tpu.memory_space<vmem>> -> memref<1x32x128xf32, #tpu.memory_space<vmem>>
    %dma_start3A_397 = tpu.memref_squeeze %dma_start3A_396 : memref<1x32x128xf32, #tpu.memory_space<vmem>> -> memref<32x128xf32, #tpu.memory_space<vmem>>
    %dma_start3A_398 = arith.constant 32 : i32
    %dma_start3A_399 = tpu.memref_slice %arg5[%dma_start3A_398, %mul3A_335] : memref<64x1000000xf32, #tpu.memory_space<hbm>> -> memref<32x128xf32, #tpu.memory_space<hbm>>
    tpu.enqueue_dma source(%dma_start3A_399 : memref<32x128xf32, #tpu.memory_space<hbm>>) target(%dma_start3A_397 : memref<32x128xf32, #tpu.memory_space<vmem>>) target_semaphore(%dma_start3A_393 : memref<!tpu.dma_semaphore, #tpu.memory_space<semaphore_mem>>)
    %get3A_400 = arith.constant 0 : index
    %get3A_401 = tpu.vector_load %arg7[%get3A_400] {strides = array<i32>} : memref<512xi32, #tpu.memory_space<vmem>>, vector<16xi32>,
    %eq3A_402 = arith.constant 3 : i32
    %eq3A_403 = vector.broadcast %eq3A_402 : i32 to vector<16xi32>
    %eq3A_404 = arith.cmpi eq, %iota3A, %eq3A_403 : vector<16xi32>
    %select_n3A_405 = arith.select %eq3A_404, %get3A_401, %broadcast_in_dim3A_3 : vector<16xi1>, vector<16xi32>
    %reduce_sum3A_406 = arith.constant true
    %reduce_sum3A_407 = vector.broadcast %reduce_sum3A_406 : i1 to vector<16xi1>
    %reduce_sum3A_408 = tpu.scan <sum>, %select_n3A_405 masked %reduce_sum3A_407 : vector<16xi32>, vector<16xi1> -> vector<16xi32>
    %reduce_sum3A_409 = vector.extract %reduce_sum3A_408[15] : i32 from vector<16xi32>
    %jit3A_410 = arith.constant 128 : i32
    %div3A_411 = arith.divsi %reduce_sum3A_409, %jit3A_410 : i32
    %sign3A_412 = arith.constant 0 : i32
    %sign3A_413 = arith.cmpi sgt, %reduce_sum3A_409, %sign3A_412 : i32
    %sign3A_414 = arith.extui %sign3A_413 : i1 to i32
    %sign3A_415 = arith.constant 0 : i32
    %sign3A_416 = arith.cmpi slt, %reduce_sum3A_409, %sign3A_415 : i32
    %sign3A_417 = arith.extui %sign3A_416 : i1 to i32
    %sign3A_418 = arith.subi %sign3A_414, %sign3A_417 : i32
    %sign3A_419 = arith.constant 0 : i32
    %sign3A_420 = arith.cmpi sgt, %jit3A_410, %sign3A_419 : i32
    %sign3A_421 = arith.extui %sign3A_420 : i1 to i32
    %sign3A_422 = arith.constant 0 : i32
    %sign3A_423 = arith.cmpi slt, %jit3A_410, %sign3A_422 : i32
    %sign3A_424 = arith.extui %sign3A_423 : i1 to i32
    %sign3A_425 = arith.subi %sign3A_421, %sign3A_424 : i32
    %ne3A_426 = arith.cmpi ne, %sign3A_418, %sign3A_425 : i32
    %rem3A_427 = arith.remsi %reduce_sum3A_409, %jit3A_410 : i32
    %ne3A_428 = arith.constant 0 : i32
    %ne3A_429 = arith.cmpi ne, %rem3A_427, %ne3A_428 : i32
    %and3A_430 = arith.andi %ne3A_426, %ne3A_429 : i1
    %sub3A_431 = arith.constant 1 : i32
    %sub3A_432 = arith.subi %div3A_411, %sub3A_431 : i32
    %select_n3A_433 = arith.select %and3A_430, %sub3A_432, %div3A_411 : i32
    %mul3A_434 = arith.constant 128 : i32
    %mul3A_435 = arith.muli %select_n3A_433, %mul3A_434 : i32
    %get3A_436 = arith.constant 0 : index
    %get3A_437 = tpu.vector_load %arg8[%get3A_436] {strides = array<i32>} : memref<512xi32, #tpu.memory_space<vmem>>, vector<16xi32>,
    %eq3A_438 = arith.constant 3 : i32
    %eq3A_439 = vector.broadcast %eq3A_438 : i32 to vector<16xi32>
    %eq3A_440 = arith.cmpi eq, %iota3A, %eq3A_439 : vector<16xi32>
    %select_n3A_441 = arith.select %eq3A_440, %get3A_437, %broadcast_in_dim3A_3 : vector<16xi1>, vector<16xi32>
    %reduce_sum3A_442 = arith.constant true
    %reduce_sum3A_443 = vector.broadcast %reduce_sum3A_442 : i1 to vector<16xi1>
    %reduce_sum3A_444 = tpu.scan <sum>, %select_n3A_441 masked %reduce_sum3A_443 : vector<16xi32>, vector<16xi1> -> vector<16xi32>
    %reduce_sum3A_445 = vector.extract %reduce_sum3A_444[15] : i32 from vector<16xi32>
    %jit3A_446 = arith.constant 128 : i32
    %div3A_447 = arith.divsi %reduce_sum3A_445, %jit3A_446 : i32
    %sign3A_448 = arith.constant 0 : i32
    %sign3A_449 = arith.cmpi sgt, %reduce_sum3A_445, %sign3A_448 : i32
    %sign3A_450 = arith.extui %sign3A_449 : i1 to i32
    %sign3A_451 = arith.constant 0 : i32
    %sign3A_452 = arith.cmpi slt, %reduce_sum3A_445, %sign3A_451 : i32
    %sign3A_453 = arith.extui %sign3A_452 : i1 to i32
    %sign3A_454 = arith.subi %sign3A_450, %sign3A_453 : i32
    %sign3A_455 = arith.constant 0 : i32
    %sign3A_456 = arith.cmpi sgt, %jit3A_446, %sign3A_455 : i32
    %sign3A_457 = arith.extui %sign3A_456 : i1 to i32
    %sign3A_458 = arith.constant 0 : i32
    %sign3A_459 = arith.cmpi slt, %jit3A_446, %sign3A_458 : i32
    %sign3A_460 = arith.extui %sign3A_459 : i1 to i32
    %sign3A_461 = arith.subi %sign3A_457, %sign3A_460 : i32
    %ne3A_462 = arith.cmpi ne, %sign3A_454, %sign3A_461 : i32
    %rem3A_463 = arith.remsi %reduce_sum3A_445, %jit3A_446 : i32
    %ne3A_464 = arith.constant 0 : i32
    %ne3A_465 = arith.cmpi ne, %rem3A_463, %ne3A_464 : i32
    %and3A_466 = arith.andi %ne3A_462, %ne3A_465 : i1
    %sub3A_467 = arith.constant 1 : i32
    %sub3A_468 = arith.subi %div3A_447, %sub3A_467 : i32
    %select_n3A_469 = arith.select %and3A_466, %sub3A_468, %div3A_447 : i32
    %mul3A_470 = arith.constant 128 : i32
    %mul3A_471 = arith.muli %select_n3A_469, %mul3A_470 : i32
    %dma_start3A_472 = arith.constant 3 : i32
    %dma_start3A_473 = arith.constant 3 : i32
    %dma_start3A_474 = arith.constant 0 : i32
    %dma_start3A_475 = arith.constant 0 : i32
    %dma_start3A_476 = tpu.memref_slice %arg9[%dma_start3A_472, %dma_start3A_474, %dma_start3A_475] : memref<4x64x128xf32, #tpu.memory_space<vmem>> -> memref<1x32x128xf32, #tpu.memory_space<vmem>>
    %dma_start3A_477 = tpu.memref_squeeze %dma_start3A_476 : memref<1x32x128xf32, #tpu.memory_space<vmem>> -> memref<32x128xf32, #tpu.memory_space<vmem>>
    %dma_start3A_478 = arith.constant 0 : i32
    %dma_start3A_479 = tpu.memref_slice %arg4[%dma_start3A_478, %mul3A_435] : memref<64x1000000xf32, #tpu.memory_space<hbm>> -> memref<32x128xf32, #tpu.memory_space<hbm>>
    %dma_start3A_480 = tpu.memref_slice %arg12[%dma_start3A_473] : memref<4x!tpu.dma_semaphore, #tpu.memory_space<semaphore_mem>> -> memref<1x!tpu.dma_semaphore, #tpu.memory_space<semaphore_mem>>
    %dma_start3A_481 = tpu.memref_squeeze %dma_start3A_480 : memref<1x!tpu.dma_semaphore, #tpu.memory_space<semaphore_mem>> -> memref<!tpu.dma_semaphore, #tpu.memory_space<semaphore_mem>>
    %dma_start3A_482 = arith.constant 0 : i32
    %dma_start3A_483 = arith.constant 0 : i32
    %dma_start3A_484 = tpu.memref_slice %arg9[%dma_start3A_472, %dma_start3A_482, %dma_start3A_483] : memref<4x64x128xf32, #tpu.memory_space<vmem>> -> memref<1x32x128xf32, #tpu.memory_space<vmem>>
    %dma_start3A_485 = tpu.memref_squeeze %dma_start3A_484 : memref<1x32x128xf32, #tpu.memory_space<vmem>> -> memref<32x128xf32, #tpu.memory_space<vmem>>
    %dma_start3A_486 = arith.constant 0 : i32
    %dma_start3A_487 = tpu.memref_slice %arg4[%dma_start3A_486, %mul3A_435] : memref<64x1000000xf32, #tpu.memory_space<hbm>> -> memref<32x128xf32, #tpu.memory_space<hbm>>
    tpu.enqueue_dma source(%dma_start3A_487 : memref<32x128xf32, #tpu.memory_space<hbm>>) target(%dma_start3A_485 : memref<32x128xf32, #tpu.memory_space<vmem>>) target_semaphore(%dma_start3A_481 : memref<!tpu.dma_semaphore, #tpu.memory_space<semaphore_mem>>)
    %dma_start3A_488 = arith.constant 3 : i32
    %dma_start3A_489 = arith.constant 3 : i32
    %dma_start3A_490 = arith.constant 32 : i32
    %dma_start3A_491 = arith.constant 0 : i32
    %dma_start3A_492 = tpu.memref_slice %arg9[%dma_start3A_488, %dma_start3A_490, %dma_start3A_491] : memref<4x64x128xf32, #tpu.memory_space<vmem>> -> memref<1x32x128xf32, #tpu.memory_space<vmem>>
    %dma_start3A_493 = tpu.memref_squeeze %dma_start3A_492 : memref<1x32x128xf32, #tpu.memory_space<vmem>> -> memref<32x128xf32, #tpu.memory_space<vmem>>
    %dma_start3A_494 = arith.constant 32 : i32
    %dma_start3A_495 = tpu.memref_slice %arg4[%dma_start3A_494, %mul3A_435] : memref<64x1000000xf32, #tpu.memory_space<hbm>> -> memref<32x128xf32, #tpu.memory_space<hbm>>
    %dma_start3A_496 = tpu.memref_slice %arg12[%dma_start3A_489] : memref<4x!tpu.dma_semaphore, #tpu.memory_space<semaphore_mem>> -> memref<1x!tpu.dma_semaphore, #tpu.memory_space<semaphore_mem>>
    %dma_start3A_497 = tpu.memref_squeeze %dma_start3A_496 : memref<1x!tpu.dma_semaphore, #tpu.memory_space<semaphore_mem>> -> memref<!tpu.dma_semaphore, #tpu.memory_space<semaphore_mem>>
    %dma_start3A_498 = arith.constant 32 : i32
    %dma_start3A_499 = arith.constant 0 : i32
    %dma_start3A_500 = tpu.memref_slice %arg9[%dma_start3A_488, %dma_start3A_498, %dma_start3A_499] : memref<4x64x128xf32, #tpu.memory_space<vmem>> -> memref<1x32x128xf32, #tpu.memory_space<vmem>>
    %dma_start3A_501 = tpu.memref_squeeze %dma_start3A_500 : memref<1x32x128xf32, #tpu.memory_space<vmem>> -> memref<32x128xf32, #tpu.memory_space<vmem>>
    %dma_start3A_502 = arith.constant 32 : i32
    %dma_start3A_503 = tpu.memref_slice %arg4[%dma_start3A_502, %mul3A_435] : memref<64x1000000xf32, #tpu.memory_space<hbm>> -> memref<32x128xf32, #tpu.memory_space<hbm>>
    tpu.enqueue_dma source(%dma_start3A_503 : memref<32x128xf32, #tpu.memory_space<hbm>>) target(%dma_start3A_501 : memref<32x128xf32, #tpu.memory_space<vmem>>) target_semaphore(%dma_start3A_497 : memref<!tpu.dma_semaphore, #tpu.memory_space<semaphore_mem>>)
    %dma_start3A_504 = arith.constant 3 : i32
    %dma_start3A_505 = arith.constant 3 : i32
    %dma_start3A_506 = arith.constant 0 : i32
    %dma_start3A_507 = arith.constant 0 : i32
    %dma_start3A_508 = tpu.memref_slice %arg10[%dma_start3A_504, %dma_start3A_506, %dma_start3A_507] : memref<4x64x128xf32, #tpu.memory_space<vmem>> -> memref<1x32x128xf32, #tpu.memory_space<vmem>>
    %dma_start3A_509 = tpu.memref_squeeze %dma_start3A_508 : memref<1x32x128xf32, #tpu.memory_space<vmem>> -> memref<32x128xf32, #tpu.memory_space<vmem>>
    %dma_start3A_510 = arith.constant 0 : i32
    %dma_start3A_511 = tpu.memref_slice %arg5[%dma_start3A_510, %mul3A_471] : memref<64x1000000xf32, #tpu.memory_space<hbm>> -> memref<32x128xf32, #tpu.memory_space<hbm>>
    %dma_start3A_512 = tpu.memref_slice %arg13[%dma_start3A_505] : memref<4x!tpu.dma_semaphore, #tpu.memory_space<semaphore_mem>> -> memref<1x!tpu.dma_semaphore, #tpu.memory_space<semaphore_mem>>
    %dma_start3A_513 = tpu.memref_squeeze %dma_start3A_512 : memref<1x!tpu.dma_semaphore, #tpu.memory_space<semaphore_mem>> -> memref<!tpu.dma_semaphore, #tpu.memory_space<semaphore_mem>>
    %dma_start3A_514 = arith.constant 0 : i32
    %dma_start3A_515 = arith.constant 0 : i32
    %dma_start3A_516 = tpu.memref_slice %arg10[%dma_start3A_504, %dma_start3A_514, %dma_start3A_515] : memref<4x64x128xf32, #tpu.memory_space<vmem>> -> memref<1x32x128xf32, #tpu.memory_space<vmem>>
    %dma_start3A_517 = tpu.memref_squeeze %dma_start3A_516 : memref<1x32x128xf32, #tpu.memory_space<vmem>> -> memref<32x128xf32, #tpu.memory_space<vmem>>
    %dma_start3A_518 = arith.constant 0 : i32
    %dma_start3A_519 = tpu.memref_slice %arg5[%dma_start3A_518, %mul3A_471] : memref<64x1000000xf32, #tpu.memory_space<hbm>> -> memref<32x128xf32, #tpu.memory_space<hbm>>
    tpu.enqueue_dma source(%dma_start3A_519 : memref<32x128xf32, #tpu.memory_space<hbm>>) target(%dma_start3A_517 : memref<32x128xf32, #tpu.memory_space<vmem>>) target_semaphore(%dma_start3A_513 : memref<!tpu.dma_semaphore, #tpu.memory_space<semaphore_mem>>)
    %dma_start3A_520 = arith.constant 3 : i32
    %dma_start3A_521 = arith.constant 3 : i32
    %dma_start3A_522 = arith.constant 32 : i32
    %dma_start3A_523 = arith.constant 0 : i32
    %dma_start3A_524 = tpu.memref_slice %arg10[%dma_start3A_520, %dma_start3A_522, %dma_start3A_523] : memref<4x64x128xf32, #tpu.memory_space<vmem>> -> memref<1x32x128xf32, #tpu.memory_space<vmem>>
    %dma_start3A_525 = tpu.memref_squeeze %dma_start3A_524 : memref<1x32x128xf32, #tpu.memory_space<vmem>> -> memref<32x128xf32, #tpu.memory_space<vmem>>
    %dma_start3A_526 = arith.constant 32 : i32
    %dma_start3A_527 = tpu.memref_slice %arg5[%dma_start3A_526, %mul3A_471] : memref<64x1000000xf32, #tpu.memory_space<hbm>> -> memref<32x128xf32, #tpu.memory_space<hbm>>
    %dma_start3A_528 = tpu.memref_slice %arg13[%dma_start3A_521] : memref<4x!tpu.dma_semaphore, #tpu.memory_space<semaphore_mem>> -> memref<1x!tpu.dma_semaphore, #tpu.memory_space<semaphore_mem>>
    %dma_start3A_529 = tpu.memref_squeeze %dma_start3A_528 : memref<1x!tpu.dma_semaphore, #tpu.memory_space<semaphore_mem>> -> memref<!tpu.dma_semaphore, #tpu.memory_space<semaphore_mem>>
    %dma_start3A_530 = arith.constant 32 : i32
    %dma_start3A_531 = arith.constant 0 : i32
    %dma_start3A_532 = tpu.memref_slice %arg10[%dma_start3A_520, %dma_start3A_530, %dma_start3A_531] : memref<4x64x128xf32, #tpu.memory_space<vmem>> -> memref<1x32x128xf32, #tpu.memory_space<vmem>>
    %dma_start3A_533 = tpu.memref_squeeze %dma_start3A_532 : memref<1x32x128xf32, #tpu.memory_space<vmem>> -> memref<32x128xf32, #tpu.memory_space<vmem>>
    %dma_start3A_534 = arith.constant 32 : i32
    %dma_start3A_535 = tpu.memref_slice %arg5[%dma_start3A_534, %mul3A_471] : memref<64x1000000xf32, #tpu.memory_space<hbm>> -> memref<32x128xf32, #tpu.memory_space<hbm>>
    tpu.enqueue_dma source(%dma_start3A_535 : memref<32x128xf32, #tpu.memory_space<hbm>>) target(%dma_start3A_533 : memref<32x128xf32, #tpu.memory_space<vmem>>) target_semaphore(%dma_start3A_529 : memref<!tpu.dma_semaphore, #tpu.memory_space<semaphore_mem>>)
    %scan3A = arith.constant 0 : i32
    %scan3A_536 = arith.constant 0 : i32
    %scan3A_537 = arith.constant 128 : i32
    %scan3A_538 = arith.addi %scan3A_536, %scan3A_537 : i32
    %scan3A_539 = arith.constant 1 : i32
    scf.for %scan3A_541 = %scan3A_536 to %scan3A_538 step %scan3A_539  : i32 {
      %mul3A_542 = arith.constant 4 : i32
      %mul3A_543 = arith.muli %scan3A_541, %mul3A_542 : i32
      %add3A_544 = arith.constant 0 : i32
      %add3A_545 = arith.addi %mul3A_543, %add3A_544 : i32
      %dma_wait3A = arith.constant 0 : i32
      %dma_wait3A_546 = arith.constant 0 : i32
      %dma_wait3A_547 = arith.constant 0 : i32
      %dma_wait3A_548 = arith.constant 0 : i32
      %dma_wait3A_549 = tpu.memref_slice %arg9[%dma_wait3A, %dma_wait3A_547, %dma_wait3A_548] : memref<4x64x128xf32, #tpu.memory_space<vmem>> -> memref<1x64x128xf32, #tpu.memory_space<vmem>>
      %dma_wait3A_550 = tpu.memref_squeeze %dma_wait3A_549 : memref<1x64x128xf32, #tpu.memory_space<vmem>> -> memref<64x128xf32, #tpu.memory_space<vmem>>
      %dma_wait3A_551 = arith.constant 0 : i32
      %dma_wait3A_552 = arith.constant 0 : i32
      %dma_wait3A_553 = tpu.memref_slice %arg4[%dma_wait3A_551, %dma_wait3A_552] : memref<64x1000000xf32, #tpu.memory_space<hbm>> -> memref<64x128xf32, #tpu.memory_space<hbm>>
      %dma_wait3A_554 = tpu.memref_slice %arg12[%dma_wait3A_546] : memref<4x!tpu.dma_semaphore, #tpu.memory_space<semaphore_mem>> -> memref<1x!tpu.dma_semaphore, #tpu.memory_space<semaphore_mem>>
      %dma_wait3A_555 = tpu.memref_squeeze %dma_wait3A_554 : memref<1x!tpu.dma_semaphore, #tpu.memory_space<semaphore_mem>> -> memref<!tpu.dma_semaphore, #tpu.memory_space<semaphore_mem>>
      %dma_wait3A_556 = arith.constant 0 : i32
      %dma_wait3A_557 = arith.constant 0 : i32
      %dma_wait3A_558 = tpu.memref_slice %arg9[%dma_wait3A, %dma_wait3A_556, %dma_wait3A_557] : memref<4x64x128xf32, #tpu.memory_space<vmem>> -> memref<1x64x128xf32, #tpu.memory_space<vmem>>
      %dma_wait3A_559 = tpu.memref_squeeze %dma_wait3A_558 : memref<1x64x128xf32, #tpu.memory_space<vmem>> -> memref<64x128xf32, #tpu.memory_space<vmem>>
      %dma_wait3A_560 = arith.constant 0 : i32
      %dma_wait3A_561 = arith.constant 0 : i32
      %dma_wait3A_562 = tpu.memref_slice %arg4[%dma_wait3A_560, %dma_wait3A_561] : memref<64x1000000xf32, #tpu.memory_space<hbm>> -> memref<64x128xf32, #tpu.memory_space<hbm>>
      tpu.wait_dma2 semaphore(%dma_wait3A_555 : memref<!tpu.dma_semaphore, #tpu.memory_space<semaphore_mem>>) src(%dma_wait3A_562 : memref<64x128xf32, #tpu.memory_space<hbm>>) dst(%dma_wait3A_559 : memref<64x128xf32, #tpu.memory_space<vmem>>)
      %dma_wait3A_563 = arith.constant 0 : i32
      %dma_wait3A_564 = arith.constant 0 : i32
      %dma_wait3A_565 = arith.constant 0 : i32
      %dma_wait3A_566 = arith.constant 0 : i32
      %dma_wait3A_567 = tpu.memref_slice %arg10[%dma_wait3A_563, %dma_wait3A_565, %dma_wait3A_566] : memref<4x64x128xf32, #tpu.memory_space<vmem>> -> memref<1x64x128xf32, #tpu.memory_space<vmem>>
      %dma_wait3A_568 = tpu.memref_squeeze %dma_wait3A_567 : memref<1x64x128xf32, #tpu.memory_space<vmem>> -> memref<64x128xf32, #tpu.memory_space<vmem>>
      %dma_wait3A_569 = arith.constant 0 : i32
      %dma_wait3A_570 = arith.constant 0 : i32
      %dma_wait3A_571 = tpu.memref_slice %arg5[%dma_wait3A_569, %dma_wait3A_570] : memref<64x1000000xf32, #tpu.memory_space<hbm>> -> memref<64x128xf32, #tpu.memory_space<hbm>>
      %dma_wait3A_572 = tpu.memref_slice %arg13[%dma_wait3A_564] : memref<4x!tpu.dma_semaphore, #tpu.memory_space<semaphore_mem>> -> memref<1x!tpu.dma_semaphore, #tpu.memory_space<semaphore_mem>>
      %dma_wait3A_573 = tpu.memref_squeeze %dma_wait3A_572 : memref<1x!tpu.dma_semaphore, #tpu.memory_space<semaphore_mem>> -> memref<!tpu.dma_semaphore, #tpu.memory_space<semaphore_mem>>
      %dma_wait3A_574 = arith.constant 0 : i32
      %dma_wait3A_575 = arith.constant 0 : i32
      %dma_wait3A_576 = tpu.memref_slice %arg10[%dma_wait3A_563, %dma_wait3A_574, %dma_wait3A_575] : memref<4x64x128xf32, #tpu.memory_space<vmem>> -> memref<1x64x128xf32, #tpu.memory_space<vmem>>
      %dma_wait3A_577 = tpu.memref_squeeze %dma_wait3A_576 : memref<1x64x128xf32, #tpu.memory_space<vmem>> -> memref<64x128xf32, #tpu.memory_space<vmem>>
      %dma_wait3A_578 = arith.constant 0 : i32
      %dma_wait3A_579 = arith.constant 0 : i32
      %dma_wait3A_580 = tpu.memref_slice %arg5[%dma_wait3A_578, %dma_wait3A_579] : memref<64x1000000xf32, #tpu.memory_space<hbm>> -> memref<64x128xf32, #tpu.memory_space<hbm>>
      tpu.wait_dma2 semaphore(%dma_wait3A_573 : memref<!tpu.dma_semaphore, #tpu.memory_space<semaphore_mem>>) src(%dma_wait3A_580 : memref<64x128xf32, #tpu.memory_space<hbm>>) dst(%dma_wait3A_577 : memref<64x128xf32, #tpu.memory_space<vmem>>)
      %jit3A_581 = arith.constant 16 : i32
      %div3A_582 = arith.divsi %add3A_545, %jit3A_581 : i32
      %sign3A_583 = arith.constant 0 : i32
      %sign3A_584 = arith.cmpi sgt, %add3A_545, %sign3A_583 : i32
      %sign3A_585 = arith.extui %sign3A_584 : i1 to i32
      %sign3A_586 = arith.constant 0 : i32
      %sign3A_587 = arith.cmpi slt, %add3A_545, %sign3A_586 : i32
      %sign3A_588 = arith.extui %sign3A_587 : i1 to i32
      %sign3A_589 = arith.subi %sign3A_585, %sign3A_588 : i32
      %sign3A_590 = arith.constant 0 : i32
      %sign3A_591 = arith.cmpi sgt, %jit3A_581, %sign3A_590 : i32
      %sign3A_592 = arith.extui %sign3A_591 : i1 to i32
      %sign3A_593 = arith.constant 0 : i32
      %sign3A_594 = arith.cmpi slt, %jit3A_581, %sign3A_593 : i32
      %sign3A_595 = arith.extui %sign3A_594 : i1 to i32
      %sign3A_596 = arith.subi %sign3A_592, %sign3A_595 : i32
      %ne3A_597 = arith.cmpi ne, %sign3A_589, %sign3A_596 : i32
      %rem3A_598 = arith.remsi %add3A_545, %jit3A_581 : i32
      %ne3A_599 = arith.constant 0 : i32
      %ne3A_600 = arith.cmpi ne, %rem3A_598, %ne3A_599 : i32
      %and3A_601 = arith.andi %ne3A_597, %ne3A_600 : i1
      %sub3A_602 = arith.constant 1 : i32
      %sub3A_603 = arith.subi %div3A_582, %sub3A_602 : i32
      %select_n3A_604 = arith.select %and3A_601, %sub3A_603, %div3A_582 : i32
      %mul3A_605 = arith.constant 16 : i32
      %mul3A_606 = arith.muli %select_n3A_604, %mul3A_605 : i32
      %get3A_607 = arith.index_cast %mul3A_606 : i32 to index
      %get3A_608 = tpu.vector_load %arg7[%get3A_607] {strides = array<i32>} : memref<512xi32, #tpu.memory_space<vmem>>, vector<16xi32>,
      %jit3A_609 = arith.constant 16 : i32
      %eq3A_610 = arith.constant 0 : i32
      %eq3A_611 = arith.cmpi eq, %jit3A_609, %eq3A_610 : i32
      %jit3A_612 = arith.constant 1 : i32
      %select_n3A_613 = arith.select %eq3A_611, %jit3A_612, %jit3A_609 : i32
      %rem3A_614 = arith.remsi %add3A_545, %select_n3A_613 : i32
      %ne3A_615 = arith.constant 0 : i32
      %ne3A_616 = arith.cmpi ne, %rem3A_614, %ne3A_615 : i32
      %lt3A = arith.constant 0 : i32
      %lt3A_617 = arith.cmpi slt, %rem3A_614, %lt3A : i32
      %lt3A_618 = arith.constant 0 : i32
      %lt3A_619 = arith.cmpi slt, %select_n3A_613, %lt3A_618 : i32
      %ne3A_620 = arith.xori %lt3A_617, %lt3A_619 : i1
      %and3A_621 = arith.andi %ne3A_620, %ne3A_616 : i1
      %add3A_622 = arith.addi %rem3A_614, %select_n3A_613 : i32
      %select_n3A_623 = arith.select %and3A_621, %add3A_622, %rem3A_614 : i32
      %eq3A_624 = vector.broadcast %select_n3A_623 : i32 to vector<16xi32>
      %eq3A_625 = arith.cmpi eq, %iota3A, %eq3A_624 : vector<16xi32>
      %select_n3A_626 = arith.select %eq3A_625, %get3A_608, %broadcast_in_dim3A_3 : vector<16xi1>, vector<16xi32>
      %reduce_sum3A_627 = arith.constant true
      %reduce_sum3A_628 = vector.broadcast %reduce_sum3A_627 : i1 to vector<16xi1>
      %reduce_sum3A_629 = tpu.scan <sum>, %select_n3A_626 masked %reduce_sum3A_628 : vector<16xi32>, vector<16xi1> -> vector<16xi32>
      %reduce_sum3A_630 = vector.extract %reduce_sum3A_629[15] : i32 from vector<16xi32>
      %jit3A_631 = arith.constant 128 : i32
      %eq3A_632 = arith.constant 0 : i32
      %eq3A_633 = arith.cmpi eq, %jit3A_631, %eq3A_632 : i32
      %jit3A_634 = arith.constant 1 : i32
      %select_n3A_635 = arith.select %eq3A_633, %jit3A_634, %jit3A_631 : i32
      %rem3A_636 = arith.remsi %reduce_sum3A_630, %select_n3A_635 : i32
      %ne3A_637 = arith.constant 0 : i32
      %ne3A_638 = arith.cmpi ne, %rem3A_636, %ne3A_637 : i32
      %lt3A_639 = arith.constant 0 : i32
      %lt3A_640 = arith.cmpi slt, %rem3A_636, %lt3A_639 : i32
      %lt3A_641 = arith.constant 0 : i32
      %lt3A_642 = arith.cmpi slt, %select_n3A_635, %lt3A_641 : i32
      %ne3A_643 = arith.xori %lt3A_640, %lt3A_642 : i1
      %and3A_644 = arith.andi %ne3A_643, %ne3A_638 : i1
      %add3A_645 = arith.addi %rem3A_636, %select_n3A_635 : i32
      %select_n3A_646 = arith.select %and3A_644, %add3A_645, %rem3A_636 : i32
      %broadcast_in_dim3A_647 = vector.broadcast %select_n3A_646 : i32 to vector<16xi32>
      %jit3A_648 = arith.constant 16 : i32
      %div3A_649 = arith.divsi %add3A_545, %jit3A_648 : i32
      %sign3A_650 = arith.constant 0 : i32
      %sign3A_651 = arith.cmpi sgt, %add3A_545, %sign3A_650 : i32
      %sign3A_652 = arith.extui %sign3A_651 : i1 to i32
      %sign3A_653 = arith.constant 0 : i32
      %sign3A_654 = arith.cmpi slt, %add3A_545, %sign3A_653 : i32
      %sign3A_655 = arith.extui %sign3A_654 : i1 to i32
      %sign3A_656 = arith.subi %sign3A_652, %sign3A_655 : i32
      %sign3A_657 = arith.constant 0 : i32
      %sign3A_658 = arith.cmpi sgt, %jit3A_648, %sign3A_657 : i32
      %sign3A_659 = arith.extui %sign3A_658 : i1 to i32
      %sign3A_660 = arith.constant 0 : i32
      %sign3A_661 = arith.cmpi slt, %jit3A_648, %sign3A_660 : i32
      %sign3A_662 = arith.extui %sign3A_661 : i1 to i32
      %sign3A_663 = arith.subi %sign3A_659, %sign3A_662 : i32
      %ne3A_664 = arith.cmpi ne, %sign3A_656, %sign3A_663 : i32
      %rem3A_665 = arith.remsi %add3A_545, %jit3A_648 : i32
      %ne3A_666 = arith.constant 0 : i32
      %ne3A_667 = arith.cmpi ne, %rem3A_665, %ne3A_666 : i32
      %and3A_668 = arith.andi %ne3A_664, %ne3A_667 : i1
      %sub3A_669 = arith.constant 1 : i32
      %sub3A_670 = arith.subi %div3A_649, %sub3A_669 : i32
      %select_n3A_671 = arith.select %and3A_668, %sub3A_670, %div3A_649 : i32
      %mul3A_672 = arith.constant 16 : i32
      %mul3A_673 = arith.muli %select_n3A_671, %mul3A_672 : i32
      %get3A_674 = arith.index_cast %mul3A_673 : i32 to index
      %get3A_675 = tpu.vector_load %arg8[%get3A_674] {strides = array<i32>} : memref<512xi32, #tpu.memory_space<vmem>>, vector<16xi32>,
      %jit3A_676 = arith.constant 16 : i32
      %eq3A_677 = arith.constant 0 : i32
      %eq3A_678 = arith.cmpi eq, %jit3A_676, %eq3A_677 : i32
      %jit3A_679 = arith.constant 1 : i32
      %select_n3A_680 = arith.select %eq3A_678, %jit3A_679, %jit3A_676 : i32
      %rem3A_681 = arith.remsi %add3A_545, %select_n3A_680 : i32
      %ne3A_682 = arith.constant 0 : i32
      %ne3A_683 = arith.cmpi ne, %rem3A_681, %ne3A_682 : i32
      %lt3A_684 = arith.constant 0 : i32
      %lt3A_685 = arith.cmpi slt, %rem3A_681, %lt3A_684 : i32
      %lt3A_686 = arith.constant 0 : i32
      %lt3A_687 = arith.cmpi slt, %select_n3A_680, %lt3A_686 : i32
      %ne3A_688 = arith.xori %lt3A_685, %lt3A_687 : i1
      %and3A_689 = arith.andi %ne3A_688, %ne3A_683 : i1
      %add3A_690 = arith.addi %rem3A_681, %select_n3A_680 : i32
      %select_n3A_691 = arith.select %and3A_689, %add3A_690, %rem3A_681 : i32
      %eq3A_692 = vector.broadcast %select_n3A_691 : i32 to vector<16xi32>
      %eq3A_693 = arith.cmpi eq, %iota3A, %eq3A_692 : vector<16xi32>
      %select_n3A_694 = arith.select %eq3A_693, %get3A_675, %broadcast_in_dim3A_3 : vector<16xi1>, vector<16xi32>
      %reduce_sum3A_695 = arith.constant true
      %reduce_sum3A_696 = vector.broadcast %reduce_sum3A_695 : i1 to vector<16xi1>
      %reduce_sum3A_697 = tpu.scan <sum>, %select_n3A_694 masked %reduce_sum3A_696 : vector<16xi32>, vector<16xi1> -> vector<16xi32>
      %reduce_sum3A_698 = vector.extract %reduce_sum3A_697[15] : i32 from vector<16xi32>
      %jit3A_699 = arith.constant 128 : i32
      %eq3A_700 = arith.constant 0 : i32
      %eq3A_701 = arith.cmpi eq, %jit3A_699, %eq3A_700 : i32
      %jit3A_702 = arith.constant 1 : i32
      %select_n3A_703 = arith.select %eq3A_701, %jit3A_702, %jit3A_699 : i32
      %rem3A_704 = arith.remsi %reduce_sum3A_698, %select_n3A_703 : i32
      %ne3A_705 = arith.constant 0 : i32
      %ne3A_706 = arith.cmpi ne, %rem3A_704, %ne3A_705 : i32
      %lt3A_707 = arith.constant 0 : i32
      %lt3A_708 = arith.cmpi slt, %rem3A_704, %lt3A_707 : i32
      %lt3A_709 = arith.constant 0 : i32
      %lt3A_710 = arith.cmpi slt, %select_n3A_703, %lt3A_709 : i32
      %ne3A_711 = arith.xori %lt3A_708, %lt3A_710 : i1
      %and3A_712 = arith.andi %ne3A_711, %ne3A_706 : i1
      %add3A_713 = arith.addi %rem3A_704, %select_n3A_703 : i32
      %select_n3A_714 = arith.select %and3A_712, %add3A_713, %rem3A_704 : i32
      %broadcast_in_dim3A_715 = vector.broadcast %select_n3A_714 : i32 to vector<16xi32>
      %add3A_716 = arith.constant 0 : i32
      %add3A_717 = vector.broadcast %add3A_716 : i32 to vector<16xi32>
      %add3A_718 = arith.addi %add3A_717, %iota3A : vector<16xi32>
      %gather3A = arith.constant 0 : i32
      %gather3A_719 = arith.constant 0 : i32
      %gather3A_720 = arith.constant 0 : i32
      %gather3A_721 = tpu.memref_slice %arg9[%gather3A, %gather3A_719, %gather3A_720] : memref<4x64x128xf32, #tpu.memory_space<vmem>> -> memref<1x64x128xf32, #tpu.memory_space<vmem>>
      %gather3A_722 = tpu.memref_squeeze %gather3A_721 : memref<1x64x128xf32, #tpu.memory_space<vmem>> -> memref<64x128xf32, #tpu.memory_space<vmem>>
      %gather3A_723 = tpu.vector_load_idx %gather3A_722[%add3A_718, %broadcast_in_dim3A_647] : memref<64x128xf32, #tpu.memory_space<vmem>>[vector<16xi32>, vector<16xi32>], vector<16xf32>,
      %gather3A_724 = arith.constant 0 : i32
      %gather3A_725 = arith.constant 0 : i32
      %gather3A_726 = arith.constant 0 : i32
      %gather3A_727 = tpu.memref_slice %arg10[%gather3A_724, %gather3A_725, %gather3A_726] : memref<4x64x128xf32, #tpu.memory_space<vmem>> -> memref<1x64x128xf32, #tpu.memory_space<vmem>>
      %gather3A_728 = tpu.memref_squeeze %gather3A_727 : memref<1x64x128xf32, #tpu.memory_space<vmem>> -> memref<64x128xf32, #tpu.memory_space<vmem>>
      %gather3A_729 = tpu.vector_load_idx %gather3A_728[%add3A_718, %broadcast_in_dim3A_715] : memref<64x128xf32, #tpu.memory_space<vmem>>[vector<16xi32>, vector<16xi32>], vector<16xf32>,
      %mul3A_730 = arith.mulf %gather3A_723, %gather3A_729 : vector<16xf32>
      %add3A_731 = arith.constant 16 : i32
      %add3A_732 = vector.broadcast %add3A_731 : i32 to vector<16xi32>
      %add3A_733 = arith.addi %add3A_732, %iota3A : vector<16xi32>
      %gather3A_734 = arith.constant 0 : i32
      %gather3A_735 = arith.constant 0 : i32
      %gather3A_736 = arith.constant 0 : i32
      %gather3A_737 = tpu.memref_slice %arg9[%gather3A_734, %gather3A_735, %gather3A_736] : memref<4x64x128xf32, #tpu.memory_space<vmem>> -> memref<1x64x128xf32, #tpu.memory_space<vmem>>
      %gather3A_738 = tpu.memref_squeeze %gather3A_737 : memref<1x64x128xf32, #tpu.memory_space<vmem>> -> memref<64x128xf32, #tpu.memory_space<vmem>>
      %gather3A_739 = tpu.vector_load_idx %gather3A_738[%add3A_733, %broadcast_in_dim3A_647] : memref<64x128xf32, #tpu.memory_space<vmem>>[vector<16xi32>, vector<16xi32>], vector<16xf32>,
      %gather3A_740 = arith.constant 0 : i32
      %gather3A_741 = arith.constant 0 : i32
      %gather3A_742 = arith.constant 0 : i32
      %gather3A_743 = tpu.memref_slice %arg10[%gather3A_740, %gather3A_741, %gather3A_742] : memref<4x64x128xf32, #tpu.memory_space<vmem>> -> memref<1x64x128xf32, #tpu.memory_space<vmem>>
      %gather3A_744 = tpu.memref_squeeze %gather3A_743 : memref<1x64x128xf32, #tpu.memory_space<vmem>> -> memref<64x128xf32, #tpu.memory_space<vmem>>
      %gather3A_745 = tpu.vector_load_idx %gather3A_744[%add3A_733, %broadcast_in_dim3A_715] : memref<64x128xf32, #tpu.memory_space<vmem>>[vector<16xi32>, vector<16xi32>], vector<16xf32>,
      %mul3A_746 = arith.mulf %gather3A_739, %gather3A_745 : vector<16xf32>
      %add3A_747 = arith.addf %mul3A_730, %mul3A_746 : vector<16xf32>
      %add3A_748 = arith.constant 32 : i32
      %add3A_749 = vector.broadcast %add3A_748 : i32 to vector<16xi32>
      %add3A_750 = arith.addi %add3A_749, %iota3A : vector<16xi32>
      %gather3A_751 = arith.constant 0 : i32
      %gather3A_752 = arith.constant 0 : i32
      %gather3A_753 = arith.constant 0 : i32
      %gather3A_754 = tpu.memref_slice %arg9[%gather3A_751, %gather3A_752, %gather3A_753] : memref<4x64x128xf32, #tpu.memory_space<vmem>> -> memref<1x64x128xf32, #tpu.memory_space<vmem>>
      %gather3A_755 = tpu.memref_squeeze %gather3A_754 : memref<1x64x128xf32, #tpu.memory_space<vmem>> -> memref<64x128xf32, #tpu.memory_space<vmem>>
      %gather3A_756 = tpu.vector_load_idx %gather3A_755[%add3A_750, %broadcast_in_dim3A_647] : memref<64x128xf32, #tpu.memory_space<vmem>>[vector<16xi32>, vector<16xi32>], vector<16xf32>,
      %gather3A_757 = arith.constant 0 : i32
      %gather3A_758 = arith.constant 0 : i32
      %gather3A_759 = arith.constant 0 : i32
      %gather3A_760 = tpu.memref_slice %arg10[%gather3A_757, %gather3A_758, %gather3A_759] : memref<4x64x128xf32, #tpu.memory_space<vmem>> -> memref<1x64x128xf32, #tpu.memory_space<vmem>>
      %gather3A_761 = tpu.memref_squeeze %gather3A_760 : memref<1x64x128xf32, #tpu.memory_space<vmem>> -> memref<64x128xf32, #tpu.memory_space<vmem>>
      %gather3A_762 = tpu.vector_load_idx %gather3A_761[%add3A_750, %broadcast_in_dim3A_715] : memref<64x128xf32, #tpu.memory_space<vmem>>[vector<16xi32>, vector<16xi32>], vector<16xf32>,
      %mul3A_763 = arith.mulf %gather3A_756, %gather3A_762 : vector<16xf32>
      %add3A_764 = arith.addf %add3A_747, %mul3A_763 : vector<16xf32>
      %add3A_765 = arith.constant 48 : i32
      %add3A_766 = vector.broadcast %add3A_765 : i32 to vector<16xi32>
      %add3A_767 = arith.addi %add3A_766, %iota3A : vector<16xi32>
      %gather3A_768 = arith.constant 0 : i32
      %gather3A_769 = arith.constant 0 : i32
      %gather3A_770 = arith.constant 0 : i32
      %gather3A_771 = tpu.memref_slice %arg9[%gather3A_768, %gather3A_769, %gather3A_770] : memref<4x64x128xf32, #tpu.memory_space<vmem>> -> memref<1x64x128xf32, #tpu.memory_space<vmem>>
      %gather3A_772 = tpu.memref_squeeze %gather3A_771 : memref<1x64x128xf32, #tpu.memory_space<vmem>> -> memref<64x128xf32, #tpu.memory_space<vmem>>
      %gather3A_773 = tpu.vector_load_idx %gather3A_772[%add3A_767, %broadcast_in_dim3A_647] : memref<64x128xf32, #tpu.memory_space<vmem>>[vector<16xi32>, vector<16xi32>], vector<16xf32>,
      %gather3A_774 = arith.constant 0 : i32
      %gather3A_775 = arith.constant 0 : i32
      %gather3A_776 = arith.constant 0 : i32
      %gather3A_777 = tpu.memref_slice %arg10[%gather3A_774, %gather3A_775, %gather3A_776] : memref<4x64x128xf32, #tpu.memory_space<vmem>> -> memref<1x64x128xf32, #tpu.memory_space<vmem>>
      %gather3A_778 = tpu.memref_squeeze %gather3A_777 : memref<1x64x128xf32, #tpu.memory_space<vmem>> -> memref<64x128xf32, #tpu.memory_space<vmem>>
      %gather3A_779 = tpu.vector_load_idx %gather3A_778[%add3A_767, %broadcast_in_dim3A_715] : memref<64x128xf32, #tpu.memory_space<vmem>>[vector<16xi32>, vector<16xi32>], vector<16xf32>,
      %mul3A_780 = arith.mulf %gather3A_773, %gather3A_779 : vector<16xf32>
      %add3A_781 = arith.addf %add3A_764, %mul3A_780 : vector<16xf32>
      %reduce_sum3A_782 = arith.constant true
      %reduce_sum3A_783 = vector.broadcast %reduce_sum3A_782 : i1 to vector<16xi1>
      %reduce_sum3A_784 = tpu.scan <sum>, %add3A_781 masked %reduce_sum3A_783 : vector<16xf32>, vector<16xi1> -> vector<16xf32>
      %reduce_sum3A_785 = vector.extract %reduce_sum3A_784[15] : f32 from vector<16xf32>
      %broadcast_in_dim3A_786 = vector.broadcast %reduce_sum3A_785 : f32 to vector<16xf32>
      %add3A_787 = arith.constant 4 : i32
      %add3A_788 = arith.addi %add3A_545, %add3A_787 : i32
      %lt3A_789 = arith.constant 512 : i32
      %lt3A_790 = arith.cmpi slt, %add3A_788, %lt3A_789 : i32
      %convert_element_type3A = arith.extui %lt3A_790 : i1 to i32
      %cond3A = arith.constant 0 : i32
      %cond3A_791 = arith.cmpi ne, %convert_element_type3A, %cond3A : i32
      scf.if %cond3A_791 {
        %jit3A_1752 = arith.constant 16 : i32
        %div3A_1753 = arith.divsi %add3A_788, %jit3A_1752 : i32
        %sign3A_1754 = arith.constant 0 : i32
        %sign3A_1755 = arith.cmpi sgt, %add3A_788, %sign3A_1754 : i32
        %sign3A_1756 = arith.extui %sign3A_1755 : i1 to i32
        %sign3A_1757 = arith.constant 0 : i32
        %sign3A_1758 = arith.cmpi slt, %add3A_788, %sign3A_1757 : i32
        %sign3A_1759 = arith.extui %sign3A_1758 : i1 to i32
        %sign3A_1760 = arith.subi %sign3A_1756, %sign3A_1759 : i32
        %sign3A_1761 = arith.constant 0 : i32
        %sign3A_1762 = arith.cmpi sgt, %jit3A_1752, %sign3A_1761 : i32
        %sign3A_1763 = arith.extui %sign3A_1762 : i1 to i32
        %sign3A_1764 = arith.constant 0 : i32
        %sign3A_1765 = arith.cmpi slt, %jit3A_1752, %sign3A_1764 : i32
        %sign3A_1766 = arith.extui %sign3A_1765 : i1 to i32
        %sign3A_1767 = arith.subi %sign3A_1763, %sign3A_1766 : i32
        %ne3A_1768 = arith.cmpi ne, %sign3A_1760, %sign3A_1767 : i32
        %rem3A_1769 = arith.remsi %add3A_788, %jit3A_1752 : i32
        %ne3A_1770 = arith.constant 0 : i32
        %ne3A_1771 = arith.cmpi ne, %rem3A_1769, %ne3A_1770 : i32
        %and3A_1772 = arith.andi %ne3A_1768, %ne3A_1771 : i1
        %sub3A_1773 = arith.constant 1 : i32
        %sub3A_1774 = arith.subi %div3A_1753, %sub3A_1773 : i32
        %select_n3A_1775 = arith.select %and3A_1772, %sub3A_1774, %div3A_1753 : i32
        %mul3A_1776 = arith.constant 16 : i32
        %mul3A_1777 = arith.muli %select_n3A_1775, %mul3A_1776 : i32
        %get3A_1778 = arith.index_cast %mul3A_1777 : i32 to index
        %get3A_1779 = tpu.vector_load %arg7[%get3A_1778] {strides = array<i32>} : memref<512xi32, #tpu.memory_space<vmem>>, vector<16xi32>,
        %jit3A_1780 = arith.constant 16 : i32
        %eq3A_1781 = arith.constant 0 : i32
        %eq3A_1782 = arith.cmpi eq, %jit3A_1780, %eq3A_1781 : i32
        %jit3A_1783 = arith.constant 1 : i32
        %select_n3A_1784 = arith.select %eq3A_1782, %jit3A_1783, %jit3A_1780 : i32
        %rem3A_1785 = arith.remsi %add3A_788, %select_n3A_1784 : i32
        %ne3A_1786 = arith.constant 0 : i32
        %ne3A_1787 = arith.cmpi ne, %rem3A_1785, %ne3A_1786 : i32
        %lt3A_1788 = arith.constant 0 : i32
        %lt3A_1789 = arith.cmpi slt, %rem3A_1785, %lt3A_1788 : i32
        %lt3A_1790 = arith.constant 0 : i32
        %lt3A_1791 = arith.cmpi slt, %select_n3A_1784, %lt3A_1790 : i32
        %ne3A_1792 = arith.xori %lt3A_1789, %lt3A_1791 : i1
        %and3A_1793 = arith.andi %ne3A_1792, %ne3A_1787 : i1
        %add3A_1794 = arith.addi %rem3A_1785, %select_n3A_1784 : i32
        %select_n3A_1795 = arith.select %and3A_1793, %add3A_1794, %rem3A_1785 : i32
        %eq3A_1796 = vector.broadcast %select_n3A_1795 : i32 to vector<16xi32>
        %eq3A_1797 = arith.cmpi eq, %iota3A, %eq3A_1796 : vector<16xi32>
        %select_n3A_1798 = arith.select %eq3A_1797, %get3A_1779, %broadcast_in_dim3A_3 : vector<16xi1>, vector<16xi32>
        %reduce_sum3A_1799 = arith.constant true
        %reduce_sum3A_1800 = vector.broadcast %reduce_sum3A_1799 : i1 to vector<16xi1>
        %reduce_sum3A_1801 = tpu.scan <sum>, %select_n3A_1798 masked %reduce_sum3A_1800 : vector<16xi32>, vector<16xi1> -> vector<16xi32>
        %reduce_sum3A_1802 = vector.extract %reduce_sum3A_1801[15] : i32 from vector<16xi32>
        %jit3A_1803 = arith.constant 128 : i32
        %div3A_1804 = arith.divsi %reduce_sum3A_1802, %jit3A_1803 : i32
        %sign3A_1805 = arith.constant 0 : i32
        %sign3A_1806 = arith.cmpi sgt, %reduce_sum3A_1802, %sign3A_1805 : i32
        %sign3A_1807 = arith.extui %sign3A_1806 : i1 to i32
        %sign3A_1808 = arith.constant 0 : i32
        %sign3A_1809 = arith.cmpi slt, %reduce_sum3A_1802, %sign3A_1808 : i32
        %sign3A_1810 = arith.extui %sign3A_1809 : i1 to i32
        %sign3A_1811 = arith.subi %sign3A_1807, %sign3A_1810 : i32
        %sign3A_1812 = arith.constant 0 : i32
        %sign3A_1813 = arith.cmpi sgt, %jit3A_1803, %sign3A_1812 : i32
        %sign3A_1814 = arith.extui %sign3A_1813 : i1 to i32
        %sign3A_1815 = arith.constant 0 : i32
        %sign3A_1816 = arith.cmpi slt, %jit3A_1803, %sign3A_1815 : i32
        %sign3A_1817 = arith.extui %sign3A_1816 : i1 to i32
        %sign3A_1818 = arith.subi %sign3A_1814, %sign3A_1817 : i32
        %ne3A_1819 = arith.cmpi ne, %sign3A_1811, %sign3A_1818 : i32
        %rem3A_1820 = arith.remsi %reduce_sum3A_1802, %jit3A_1803 : i32
        %ne3A_1821 = arith.constant 0 : i32
        %ne3A_1822 = arith.cmpi ne, %rem3A_1820, %ne3A_1821 : i32
        %and3A_1823 = arith.andi %ne3A_1819, %ne3A_1822 : i1
        %sub3A_1824 = arith.constant 1 : i32
        %sub3A_1825 = arith.subi %div3A_1804, %sub3A_1824 : i32
        %select_n3A_1826 = arith.select %and3A_1823, %sub3A_1825, %div3A_1804 : i32
        %mul3A_1827 = arith.constant 128 : i32
        %mul3A_1828 = arith.muli %select_n3A_1826, %mul3A_1827 : i32
        %jit3A_1829 = arith.constant 16 : i32
        %div3A_1830 = arith.divsi %add3A_788, %jit3A_1829 : i32
        %sign3A_1831 = arith.constant 0 : i32
        %sign3A_1832 = arith.cmpi sgt, %add3A_788, %sign3A_1831 : i32
        %sign3A_1833 = arith.extui %sign3A_1832 : i1 to i32
        %sign3A_1834 = arith.constant 0 : i32
        %sign3A_1835 = arith.cmpi slt, %add3A_788, %sign3A_1834 : i32
        %sign3A_1836 = arith.extui %sign3A_1835 : i1 to i32
        %sign3A_1837 = arith.subi %sign3A_1833, %sign3A_1836 : i32
        %sign3A_1838 = arith.constant 0 : i32
        %sign3A_1839 = arith.cmpi sgt, %jit3A_1829, %sign3A_1838 : i32
        %sign3A_1840 = arith.extui %sign3A_1839 : i1 to i32
        %sign3A_1841 = arith.constant 0 : i32
        %sign3A_1842 = arith.cmpi slt, %jit3A_1829, %sign3A_1841 : i32
        %sign3A_1843 = arith.extui %sign3A_1842 : i1 to i32
        %sign3A_1844 = arith.subi %sign3A_1840, %sign3A_1843 : i32
        %ne3A_1845 = arith.cmpi ne, %sign3A_1837, %sign3A_1844 : i32
        %rem3A_1846 = arith.remsi %add3A_788, %jit3A_1829 : i32
        %ne3A_1847 = arith.constant 0 : i32
        %ne3A_1848 = arith.cmpi ne, %rem3A_1846, %ne3A_1847 : i32
        %and3A_1849 = arith.andi %ne3A_1845, %ne3A_1848 : i1
        %sub3A_1850 = arith.constant 1 : i32
        %sub3A_1851 = arith.subi %div3A_1830, %sub3A_1850 : i32
        %select_n3A_1852 = arith.select %and3A_1849, %sub3A_1851, %div3A_1830 : i32
        %mul3A_1853 = arith.constant 16 : i32
        %mul3A_1854 = arith.muli %select_n3A_1852, %mul3A_1853 : i32
        %get3A_1855 = arith.index_cast %mul3A_1854 : i32 to index
        %get3A_1856 = tpu.vector_load %arg8[%get3A_1855] {strides = array<i32>} : memref<512xi32, #tpu.memory_space<vmem>>, vector<16xi32>,
        %jit3A_1857 = arith.constant 16 : i32
        %eq3A_1858 = arith.constant 0 : i32
        %eq3A_1859 = arith.cmpi eq, %jit3A_1857, %eq3A_1858 : i32
        %jit3A_1860 = arith.constant 1 : i32
        %select_n3A_1861 = arith.select %eq3A_1859, %jit3A_1860, %jit3A_1857 : i32
        %rem3A_1862 = arith.remsi %add3A_788, %select_n3A_1861 : i32
        %ne3A_1863 = arith.constant 0 : i32
        %ne3A_1864 = arith.cmpi ne, %rem3A_1862, %ne3A_1863 : i32
        %lt3A_1865 = arith.constant 0 : i32
        %lt3A_1866 = arith.cmpi slt, %rem3A_1862, %lt3A_1865 : i32
        %lt3A_1867 = arith.constant 0 : i32
        %lt3A_1868 = arith.cmpi slt, %select_n3A_1861, %lt3A_1867 : i32
        %ne3A_1869 = arith.xori %lt3A_1866, %lt3A_1868 : i1
        %and3A_1870 = arith.andi %ne3A_1869, %ne3A_1864 : i1
        %add3A_1871 = arith.addi %rem3A_1862, %select_n3A_1861 : i32
        %select_n3A_1872 = arith.select %and3A_1870, %add3A_1871, %rem3A_1862 : i32
        %eq3A_1873 = vector.broadcast %select_n3A_1872 : i32 to vector<16xi32>
        %eq3A_1874 = arith.cmpi eq, %iota3A, %eq3A_1873 : vector<16xi32>
        %select_n3A_1875 = arith.select %eq3A_1874, %get3A_1856, %broadcast_in_dim3A_3 : vector<16xi1>, vector<16xi32>
        %reduce_sum3A_1876 = arith.constant true
        %reduce_sum3A_1877 = vector.broadcast %reduce_sum3A_1876 : i1 to vector<16xi1>
        %reduce_sum3A_1878 = tpu.scan <sum>, %select_n3A_1875 masked %reduce_sum3A_1877 : vector<16xi32>, vector<16xi1> -> vector<16xi32>
        %reduce_sum3A_1879 = vector.extract %reduce_sum3A_1878[15] : i32 from vector<16xi32>
        %jit3A_1880 = arith.constant 128 : i32
        %div3A_1881 = arith.divsi %reduce_sum3A_1879, %jit3A_1880 : i32
        %sign3A_1882 = arith.constant 0 : i32
        %sign3A_1883 = arith.cmpi sgt, %reduce_sum3A_1879, %sign3A_1882 : i32
        %sign3A_1884 = arith.extui %sign3A_1883 : i1 to i32
        %sign3A_1885 = arith.constant 0 : i32
        %sign3A_1886 = arith.cmpi slt, %reduce_sum3A_1879, %sign3A_1885 : i32
        %sign3A_1887 = arith.extui %sign3A_1886 : i1 to i32
        %sign3A_1888 = arith.subi %sign3A_1884, %sign3A_1887 : i32
        %sign3A_1889 = arith.constant 0 : i32
        %sign3A_1890 = arith.cmpi sgt, %jit3A_1880, %sign3A_1889 : i32
        %sign3A_1891 = arith.extui %sign3A_1890 : i1 to i32
        %sign3A_1892 = arith.constant 0 : i32
        %sign3A_1893 = arith.cmpi slt, %jit3A_1880, %sign3A_1892 : i32
        %sign3A_1894 = arith.extui %sign3A_1893 : i1 to i32
        %sign3A_1895 = arith.subi %sign3A_1891, %sign3A_1894 : i32
        %ne3A_1896 = arith.cmpi ne, %sign3A_1888, %sign3A_1895 : i32
        %rem3A_1897 = arith.remsi %reduce_sum3A_1879, %jit3A_1880 : i32
        %ne3A_1898 = arith.constant 0 : i32
        %ne3A_1899 = arith.cmpi ne, %rem3A_1897, %ne3A_1898 : i32
        %and3A_1900 = arith.andi %ne3A_1896, %ne3A_1899 : i1
        %sub3A_1901 = arith.constant 1 : i32
        %sub3A_1902 = arith.subi %div3A_1881, %sub3A_1901 : i32
        %select_n3A_1903 = arith.select %and3A_1900, %sub3A_1902, %div3A_1881 : i32
        %mul3A_1904 = arith.constant 128 : i32
        %mul3A_1905 = arith.muli %select_n3A_1903, %mul3A_1904 : i32
        %dma_start3A_1906 = arith.constant 0 : i32
        %dma_start3A_1907 = arith.constant 0 : i32
        %dma_start3A_1908 = arith.constant 0 : i32
        %dma_start3A_1909 = arith.constant 0 : i32
        %dma_start3A_1910 = tpu.memref_slice %arg9[%dma_start3A_1906, %dma_start3A_1908, %dma_start3A_1909] : memref<4x64x128xf32, #tpu.memory_space<vmem>> -> memref<1x32x128xf32, #tpu.memory_space<vmem>>
        %dma_start3A_1911 = tpu.memref_squeeze %dma_start3A_1910 : memref<1x32x128xf32, #tpu.memory_space<vmem>> -> memref<32x128xf32, #tpu.memory_space<vmem>>
        %dma_start3A_1912 = arith.constant 0 : i32
        %dma_start3A_1913 = tpu.memref_slice %arg4[%dma_start3A_1912, %mul3A_1828] : memref<64x1000000xf32, #tpu.memory_space<hbm>> -> memref<32x128xf32, #tpu.memory_space<hbm>>
        %dma_start3A_1914 = tpu.memref_slice %arg12[%dma_start3A_1907] : memref<4x!tpu.dma_semaphore, #tpu.memory_space<semaphore_mem>> -> memref<1x!tpu.dma_semaphore, #tpu.memory_space<semaphore_mem>>
        %dma_start3A_1915 = tpu.memref_squeeze %dma_start3A_1914 : memref<1x!tpu.dma_semaphore, #tpu.memory_space<semaphore_mem>> -> memref<!tpu.dma_semaphore, #tpu.memory_space<semaphore_mem>>
        %dma_start3A_1916 = arith.constant 0 : i32
        %dma_start3A_1917 = arith.constant 0 : i32
        %dma_start3A_1918 = tpu.memref_slice %arg9[%dma_start3A_1906, %dma_start3A_1916, %dma_start3A_1917] : memref<4x64x128xf32, #tpu.memory_space<vmem>> -> memref<1x32x128xf32, #tpu.memory_space<vmem>>
        %dma_start3A_1919 = tpu.memref_squeeze %dma_start3A_1918 : memref<1x32x128xf32, #tpu.memory_space<vmem>> -> memref<32x128xf32, #tpu.memory_space<vmem>>
        %dma_start3A_1920 = arith.constant 0 : i32
        %dma_start3A_1921 = tpu.memref_slice %arg4[%dma_start3A_1920, %mul3A_1828] : memref<64x1000000xf32, #tpu.memory_space<hbm>> -> memref<32x128xf32, #tpu.memory_space<hbm>>
        tpu.enqueue_dma source(%dma_start3A_1921 : memref<32x128xf32, #tpu.memory_space<hbm>>) target(%dma_start3A_1919 : memref<32x128xf32, #tpu.memory_space<vmem>>) target_semaphore(%dma_start3A_1915 : memref<!tpu.dma_semaphore, #tpu.memory_space<semaphore_mem>>)
        %dma_start3A_1922 = arith.constant 0 : i32
        %dma_start3A_1923 = arith.constant 0 : i32
        %dma_start3A_1924 = arith.constant 32 : i32
        %dma_start3A_1925 = arith.constant 0 : i32
        %dma_start3A_1926 = tpu.memref_slice %arg9[%dma_start3A_1922, %dma_start3A_1924, %dma_start3A_1925] : memref<4x64x128xf32, #tpu.memory_space<vmem>> -> memref<1x32x128xf32, #tpu.memory_space<vmem>>
        %dma_start3A_1927 = tpu.memref_squeeze %dma_start3A_1926 : memref<1x32x128xf32, #tpu.memory_space<vmem>> -> memref<32x128xf32, #tpu.memory_space<vmem>>
        %dma_start3A_1928 = arith.constant 32 : i32
        %dma_start3A_1929 = tpu.memref_slice %arg4[%dma_start3A_1928, %mul3A_1828] : memref<64x1000000xf32, #tpu.memory_space<hbm>> -> memref<32x128xf32, #tpu.memory_space<hbm>>
        %dma_start3A_1930 = tpu.memref_slice %arg12[%dma_start3A_1923] : memref<4x!tpu.dma_semaphore, #tpu.memory_space<semaphore_mem>> -> memref<1x!tpu.dma_semaphore, #tpu.memory_space<semaphore_mem>>
        %dma_start3A_1931 = tpu.memref_squeeze %dma_start3A_1930 : memref<1x!tpu.dma_semaphore, #tpu.memory_space<semaphore_mem>> -> memref<!tpu.dma_semaphore, #tpu.memory_space<semaphore_mem>>
        %dma_start3A_1932 = arith.constant 32 : i32
        %dma_start3A_1933 = arith.constant 0 : i32
        %dma_start3A_1934 = tpu.memref_slice %arg9[%dma_start3A_1922, %dma_start3A_1932, %dma_start3A_1933] : memref<4x64x128xf32, #tpu.memory_space<vmem>> -> memref<1x32x128xf32, #tpu.memory_space<vmem>>
        %dma_start3A_1935 = tpu.memref_squeeze %dma_start3A_1934 : memref<1x32x128xf32, #tpu.memory_space<vmem>> -> memref<32x128xf32, #tpu.memory_space<vmem>>
        %dma_start3A_1936 = arith.constant 32 : i32
        %dma_start3A_1937 = tpu.memref_slice %arg4[%dma_start3A_1936, %mul3A_1828] : memref<64x1000000xf32, #tpu.memory_space<hbm>> -> memref<32x128xf32, #tpu.memory_space<hbm>>
        tpu.enqueue_dma source(%dma_start3A_1937 : memref<32x128xf32, #tpu.memory_space<hbm>>) target(%dma_start3A_1935 : memref<32x128xf32, #tpu.memory_space<vmem>>) target_semaphore(%dma_start3A_1931 : memref<!tpu.dma_semaphore, #tpu.memory_space<semaphore_mem>>)
        %dma_start3A_1938 = arith.constant 0 : i32
        %dma_start3A_1939 = arith.constant 0 : i32
        %dma_start3A_1940 = arith.constant 0 : i32
        %dma_start3A_1941 = arith.constant 0 : i32
        %dma_start3A_1942 = tpu.memref_slice %arg10[%dma_start3A_1938, %dma_start3A_1940, %dma_start3A_1941] : memref<4x64x128xf32, #tpu.memory_space<vmem>> -> memref<1x32x128xf32, #tpu.memory_space<vmem>>
        %dma_start3A_1943 = tpu.memref_squeeze %dma_start3A_1942 : memref<1x32x128xf32, #tpu.memory_space<vmem>> -> memref<32x128xf32, #tpu.memory_space<vmem>>
        %dma_start3A_1944 = arith.constant 0 : i32
        %dma_start3A_1945 = tpu.memref_slice %arg5[%dma_start3A_1944, %mul3A_1905] : memref<64x1000000xf32, #tpu.memory_space<hbm>> -> memref<32x128xf32, #tpu.memory_space<hbm>>
        %dma_start3A_1946 = tpu.memref_slice %arg13[%dma_start3A_1939] : memref<4x!tpu.dma_semaphore, #tpu.memory_space<semaphore_mem>> -> memref<1x!tpu.dma_semaphore, #tpu.memory_space<semaphore_mem>>
        %dma_start3A_1947 = tpu.memref_squeeze %dma_start3A_1946 : memref<1x!tpu.dma_semaphore, #tpu.memory_space<semaphore_mem>> -> memref<!tpu.dma_semaphore, #tpu.memory_space<semaphore_mem>>
        %dma_start3A_1948 = arith.constant 0 : i32
        %dma_start3A_1949 = arith.constant 0 : i32
        %dma_start3A_1950 = tpu.memref_slice %arg10[%dma_start3A_1938, %dma_start3A_1948, %dma_start3A_1949] : memref<4x64x128xf32, #tpu.memory_space<vmem>> -> memref<1x32x128xf32, #tpu.memory_space<vmem>>
        %dma_start3A_1951 = tpu.memref_squeeze %dma_start3A_1950 : memref<1x32x128xf32, #tpu.memory_space<vmem>> -> memref<32x128xf32, #tpu.memory_space<vmem>>
        %dma_start3A_1952 = arith.constant 0 : i32
        %dma_start3A_1953 = tpu.memref_slice %arg5[%dma_start3A_1952, %mul3A_1905] : memref<64x1000000xf32, #tpu.memory_space<hbm>> -> memref<32x128xf32, #tpu.memory_space<hbm>>
        tpu.enqueue_dma source(%dma_start3A_1953 : memref<32x128xf32, #tpu.memory_space<hbm>>) target(%dma_start3A_1951 : memref<32x128xf32, #tpu.memory_space<vmem>>) target_semaphore(%dma_start3A_1947 : memref<!tpu.dma_semaphore, #tpu.memory_space<semaphore_mem>>)
        %dma_start3A_1954 = arith.constant 0 : i32
        %dma_start3A_1955 = arith.constant 0 : i32
        %dma_start3A_1956 = arith.constant 32 : i32
        %dma_start3A_1957 = arith.constant 0 : i32
        %dma_start3A_1958 = tpu.memref_slice %arg10[%dma_start3A_1954, %dma_start3A_1956, %dma_start3A_1957] : memref<4x64x128xf32, #tpu.memory_space<vmem>> -> memref<1x32x128xf32, #tpu.memory_space<vmem>>
        %dma_start3A_1959 = tpu.memref_squeeze %dma_start3A_1958 : memref<1x32x128xf32, #tpu.memory_space<vmem>> -> memref<32x128xf32, #tpu.memory_space<vmem>>
        %dma_start3A_1960 = arith.constant 32 : i32
        %dma_start3A_1961 = tpu.memref_slice %arg5[%dma_start3A_1960, %mul3A_1905] : memref<64x1000000xf32, #tpu.memory_space<hbm>> -> memref<32x128xf32, #tpu.memory_space<hbm>>
        %dma_start3A_1962 = tpu.memref_slice %arg13[%dma_start3A_1955] : memref<4x!tpu.dma_semaphore, #tpu.memory_space<semaphore_mem>> -> memref<1x!tpu.dma_semaphore, #tpu.memory_space<semaphore_mem>>
        %dma_start3A_1963 = tpu.memref_squeeze %dma_start3A_1962 : memref<1x!tpu.dma_semaphore, #tpu.memory_space<semaphore_mem>> -> memref<!tpu.dma_semaphore, #tpu.memory_space<semaphore_mem>>
        %dma_start3A_1964 = arith.constant 32 : i32
        %dma_start3A_1965 = arith.constant 0 : i32
        %dma_start3A_1966 = tpu.memref_slice %arg10[%dma_start3A_1954, %dma_start3A_1964, %dma_start3A_1965] : memref<4x64x128xf32, #tpu.memory_space<vmem>> -> memref<1x32x128xf32, #tpu.memory_space<vmem>>
        %dma_start3A_1967 = tpu.memref_squeeze %dma_start3A_1966 : memref<1x32x128xf32, #tpu.memory_space<vmem>> -> memref<32x128xf32, #tpu.memory_space<vmem>>
        %dma_start3A_1968 = arith.constant 32 : i32
        %dma_start3A_1969 = tpu.memref_slice %arg5[%dma_start3A_1968, %mul3A_1905] : memref<64x1000000xf32, #tpu.memory_space<hbm>> -> memref<32x128xf32, #tpu.memory_space<hbm>>
        tpu.enqueue_dma source(%dma_start3A_1969 : memref<32x128xf32, #tpu.memory_space<hbm>>) target(%dma_start3A_1967 : memref<32x128xf32, #tpu.memory_space<vmem>>) target_semaphore(%dma_start3A_1963 : memref<!tpu.dma_semaphore, #tpu.memory_space<semaphore_mem>>)
      } else {
      }
      %jit3A_792 = arith.constant 16 : i32
      %div3A_793 = arith.divsi %add3A_545, %jit3A_792 : i32
      %sign3A_794 = arith.constant 0 : i32
      %sign3A_795 = arith.cmpi sgt, %add3A_545, %sign3A_794 : i32
      %sign3A_796 = arith.extui %sign3A_795 : i1 to i32
      %sign3A_797 = arith.constant 0 : i32
      %sign3A_798 = arith.cmpi slt, %add3A_545, %sign3A_797 : i32
      %sign3A_799 = arith.extui %sign3A_798 : i1 to i32
      %sign3A_800 = arith.subi %sign3A_796, %sign3A_799 : i32
      %sign3A_801 = arith.constant 0 : i32
      %sign3A_802 = arith.cmpi sgt, %jit3A_792, %sign3A_801 : i32
      %sign3A_803 = arith.extui %sign3A_802 : i1 to i32
      %sign3A_804 = arith.constant 0 : i32
      %sign3A_805 = arith.cmpi slt, %jit3A_792, %sign3A_804 : i32
      %sign3A_806 = arith.extui %sign3A_805 : i1 to i32
      %sign3A_807 = arith.subi %sign3A_803, %sign3A_806 : i32
      %ne3A_808 = arith.cmpi ne, %sign3A_800, %sign3A_807 : i32
      %rem3A_809 = arith.remsi %add3A_545, %jit3A_792 : i32
      %ne3A_810 = arith.constant 0 : i32
      %ne3A_811 = arith.cmpi ne, %rem3A_809, %ne3A_810 : i32
      %and3A_812 = arith.andi %ne3A_808, %ne3A_811 : i1
      %sub3A_813 = arith.constant 1 : i32
      %sub3A_814 = arith.subi %div3A_793, %sub3A_813 : i32
      %select_n3A_815 = arith.select %and3A_812, %sub3A_814, %div3A_793 : i32
      %mul3A_816 = arith.constant 16 : i32
      %mul3A_817 = arith.muli %select_n3A_815, %mul3A_816 : i32
      %get3A_818 = arith.index_cast %mul3A_817 : i32 to index
      %get3A_819 = tpu.vector_load %arg11[%get3A_818] {strides = array<i32>} : memref<512xf32, #tpu.memory_space<vmem>>, vector<16xf32>,
      %jit3A_820 = arith.constant 16 : i32
      %eq3A_821 = arith.constant 0 : i32
      %eq3A_822 = arith.cmpi eq, %jit3A_820, %eq3A_821 : i32
      %jit3A_823 = arith.constant 1 : i32
      %select_n3A_824 = arith.select %eq3A_822, %jit3A_823, %jit3A_820 : i32
      %rem3A_825 = arith.remsi %add3A_545, %select_n3A_824 : i32
      %ne3A_826 = arith.constant 0 : i32
      %ne3A_827 = arith.cmpi ne, %rem3A_825, %ne3A_826 : i32
      %lt3A_828 = arith.constant 0 : i32
      %lt3A_829 = arith.cmpi slt, %rem3A_825, %lt3A_828 : i32
      %lt3A_830 = arith.constant 0 : i32
      %lt3A_831 = arith.cmpi slt, %select_n3A_824, %lt3A_830 : i32
      %ne3A_832 = arith.xori %lt3A_829, %lt3A_831 : i1
      %and3A_833 = arith.andi %ne3A_832, %ne3A_827 : i1
      %add3A_834 = arith.addi %rem3A_825, %select_n3A_824 : i32
      %select_n3A_835 = arith.select %and3A_833, %add3A_834, %rem3A_825 : i32
      %eq3A_836 = vector.broadcast %select_n3A_835 : i32 to vector<16xi32>
      %eq3A_837 = arith.cmpi eq, %iota3A, %eq3A_836 : vector<16xi32>
      %select_n3A_838 = arith.select %eq3A_837, %broadcast_in_dim3A_786, %get3A_819 : vector<16xi1>, vector<16xf32>
      %swap3A = arith.index_cast %mul3A_817 : i32 to index
      %swap3A_839 = tpu.vector_load %arg11[%swap3A] {strides = array<i32>} : memref<512xf32, #tpu.memory_space<vmem>>, vector<16xf32>,
      tpu.vector_store %arg11[%swap3A], %select_n3A_838 {strides = array<i32>} : memref<512xf32, #tpu.memory_space<vmem>>, vector<16xf32>,
      %mul3A_840 = arith.constant 4 : i32
      %mul3A_841 = arith.muli %scan3A_541, %mul3A_840 : i32
      %add3A_842 = arith.constant 1 : i32
      %add3A_843 = arith.addi %mul3A_841, %add3A_842 : i32
      %dma_wait3A_844 = arith.constant 1 : i32
      %dma_wait3A_845 = arith.constant 1 : i32
      %dma_wait3A_846 = arith.constant 0 : i32
      %dma_wait3A_847 = arith.constant 0 : i32
      %dma_wait3A_848 = tpu.memref_slice %arg9[%dma_wait3A_844, %dma_wait3A_846, %dma_wait3A_847] : memref<4x64x128xf32, #tpu.memory_space<vmem>> -> memref<1x64x128xf32, #tpu.memory_space<vmem>>
      %dma_wait3A_849 = tpu.memref_squeeze %dma_wait3A_848 : memref<1x64x128xf32, #tpu.memory_space<vmem>> -> memref<64x128xf32, #tpu.memory_space<vmem>>
      %dma_wait3A_850 = arith.constant 0 : i32
      %dma_wait3A_851 = arith.constant 0 : i32
      %dma_wait3A_852 = tpu.memref_slice %arg4[%dma_wait3A_850, %dma_wait3A_851] : memref<64x1000000xf32, #tpu.memory_space<hbm>> -> memref<64x128xf32, #tpu.memory_space<hbm>>
      %dma_wait3A_853 = tpu.memref_slice %arg12[%dma_wait3A_845] : memref<4x!tpu.dma_semaphore, #tpu.memory_space<semaphore_mem>> -> memref<1x!tpu.dma_semaphore, #tpu.memory_space<semaphore_mem>>
      %dma_wait3A_854 = tpu.memref_squeeze %dma_wait3A_853 : memref<1x!tpu.dma_semaphore, #tpu.memory_space<semaphore_mem>> -> memref<!tpu.dma_semaphore, #tpu.memory_space<semaphore_mem>>
      %dma_wait3A_855 = arith.constant 0 : i32
      %dma_wait3A_856 = arith.constant 0 : i32
      %dma_wait3A_857 = tpu.memref_slice %arg9[%dma_wait3A_844, %dma_wait3A_855, %dma_wait3A_856] : memref<4x64x128xf32, #tpu.memory_space<vmem>> -> memref<1x64x128xf32, #tpu.memory_space<vmem>>
      %dma_wait3A_858 = tpu.memref_squeeze %dma_wait3A_857 : memref<1x64x128xf32, #tpu.memory_space<vmem>> -> memref<64x128xf32, #tpu.memory_space<vmem>>
      %dma_wait3A_859 = arith.constant 0 : i32
      %dma_wait3A_860 = arith.constant 0 : i32
      %dma_wait3A_861 = tpu.memref_slice %arg4[%dma_wait3A_859, %dma_wait3A_860] : memref<64x1000000xf32, #tpu.memory_space<hbm>> -> memref<64x128xf32, #tpu.memory_space<hbm>>
      tpu.wait_dma2 semaphore(%dma_wait3A_854 : memref<!tpu.dma_semaphore, #tpu.memory_space<semaphore_mem>>) src(%dma_wait3A_861 : memref<64x128xf32, #tpu.memory_space<hbm>>) dst(%dma_wait3A_858 : memref<64x128xf32, #tpu.memory_space<vmem>>)
      %dma_wait3A_862 = arith.constant 1 : i32
      %dma_wait3A_863 = arith.constant 1 : i32
      %dma_wait3A_864 = arith.constant 0 : i32
      %dma_wait3A_865 = arith.constant 0 : i32
      %dma_wait3A_866 = tpu.memref_slice %arg10[%dma_wait3A_862, %dma_wait3A_864, %dma_wait3A_865] : memref<4x64x128xf32, #tpu.memory_space<vmem>> -> memref<1x64x128xf32, #tpu.memory_space<vmem>>
      %dma_wait3A_867 = tpu.memref_squeeze %dma_wait3A_866 : memref<1x64x128xf32, #tpu.memory_space<vmem>> -> memref<64x128xf32, #tpu.memory_space<vmem>>
      %dma_wait3A_868 = arith.constant 0 : i32
      %dma_wait3A_869 = arith.constant 0 : i32
      %dma_wait3A_870 = tpu.memref_slice %arg5[%dma_wait3A_868, %dma_wait3A_869] : memref<64x1000000xf32, #tpu.memory_space<hbm>> -> memref<64x128xf32, #tpu.memory_space<hbm>>
      %dma_wait3A_871 = tpu.memref_slice %arg13[%dma_wait3A_863] : memref<4x!tpu.dma_semaphore, #tpu.memory_space<semaphore_mem>> -> memref<1x!tpu.dma_semaphore, #tpu.memory_space<semaphore_mem>>
      %dma_wait3A_872 = tpu.memref_squeeze %dma_wait3A_871 : memref<1x!tpu.dma_semaphore, #tpu.memory_space<semaphore_mem>> -> memref<!tpu.dma_semaphore, #tpu.memory_space<semaphore_mem>>
      %dma_wait3A_873 = arith.constant 0 : i32
      %dma_wait3A_874 = arith.constant 0 : i32
      %dma_wait3A_875 = tpu.memref_slice %arg10[%dma_wait3A_862, %dma_wait3A_873, %dma_wait3A_874] : memref<4x64x128xf32, #tpu.memory_space<vmem>> -> memref<1x64x128xf32, #tpu.memory_space<vmem>>
      %dma_wait3A_876 = tpu.memref_squeeze %dma_wait3A_875 : memref<1x64x128xf32, #tpu.memory_space<vmem>> -> memref<64x128xf32, #tpu.memory_space<vmem>>
      %dma_wait3A_877 = arith.constant 0 : i32
      %dma_wait3A_878 = arith.constant 0 : i32
      %dma_wait3A_879 = tpu.memref_slice %arg5[%dma_wait3A_877, %dma_wait3A_878] : memref<64x1000000xf32, #tpu.memory_space<hbm>> -> memref<64x128xf32, #tpu.memory_space<hbm>>
      tpu.wait_dma2 semaphore(%dma_wait3A_872 : memref<!tpu.dma_semaphore, #tpu.memory_space<semaphore_mem>>) src(%dma_wait3A_879 : memref<64x128xf32, #tpu.memory_space<hbm>>) dst(%dma_wait3A_876 : memref<64x128xf32, #tpu.memory_space<vmem>>)
      %jit3A_880 = arith.constant 16 : i32
      %div3A_881 = arith.divsi %add3A_843, %jit3A_880 : i32
      %sign3A_882 = arith.constant 0 : i32
      %sign3A_883 = arith.cmpi sgt, %add3A_843, %sign3A_882 : i32
      %sign3A_884 = arith.extui %sign3A_883 : i1 to i32
      %sign3A_885 = arith.constant 0 : i32
      %sign3A_886 = arith.cmpi slt, %add3A_843, %sign3A_885 : i32
      %sign3A_887 = arith.extui %sign3A_886 : i1 to i32
      %sign3A_888 = arith.subi %sign3A_884, %sign3A_887 : i32
      %sign3A_889 = arith.constant 0 : i32
      %sign3A_890 = arith.cmpi sgt, %jit3A_880, %sign3A_889 : i32
      %sign3A_891 = arith.extui %sign3A_890 : i1 to i32
      %sign3A_892 = arith.constant 0 : i32
      %sign3A_893 = arith.cmpi slt, %jit3A_880, %sign3A_892 : i32
      %sign3A_894 = arith.extui %sign3A_893 : i1 to i32
      %sign3A_895 = arith.subi %sign3A_891, %sign3A_894 : i32
      %ne3A_896 = arith.cmpi ne, %sign3A_888, %sign3A_895 : i32
      %rem3A_897 = arith.remsi %add3A_843, %jit3A_880 : i32
      %ne3A_898 = arith.constant 0 : i32
      %ne3A_899 = arith.cmpi ne, %rem3A_897, %ne3A_898 : i32
      %and3A_900 = arith.andi %ne3A_896, %ne3A_899 : i1
      %sub3A_901 = arith.constant 1 : i32
      %sub3A_902 = arith.subi %div3A_881, %sub3A_901 : i32
      %select_n3A_903 = arith.select %and3A_900, %sub3A_902, %div3A_881 : i32
      %mul3A_904 = arith.constant 16 : i32
      %mul3A_905 = arith.muli %select_n3A_903, %mul3A_904 : i32
      %get3A_906 = arith.index_cast %mul3A_905 : i32 to index
      %get3A_907 = tpu.vector_load %arg7[%get3A_906] {strides = array<i32>} : memref<512xi32, #tpu.memory_space<vmem>>, vector<16xi32>,
      %jit3A_908 = arith.constant 16 : i32
      %eq3A_909 = arith.constant 0 : i32
      %eq3A_910 = arith.cmpi eq, %jit3A_908, %eq3A_909 : i32
      %jit3A_911 = arith.constant 1 : i32
      %select_n3A_912 = arith.select %eq3A_910, %jit3A_911, %jit3A_908 : i32
      %rem3A_913 = arith.remsi %add3A_843, %select_n3A_912 : i32
      %ne3A_914 = arith.constant 0 : i32
      %ne3A_915 = arith.cmpi ne, %rem3A_913, %ne3A_914 : i32
      %lt3A_916 = arith.constant 0 : i32
      %lt3A_917 = arith.cmpi slt, %rem3A_913, %lt3A_916 : i32
      %lt3A_918 = arith.constant 0 : i32
      %lt3A_919 = arith.cmpi slt, %select_n3A_912, %lt3A_918 : i32
      %ne3A_920 = arith.xori %lt3A_917, %lt3A_919 : i1
      %and3A_921 = arith.andi %ne3A_920, %ne3A_915 : i1
      %add3A_922 = arith.addi %rem3A_913, %select_n3A_912 : i32
      %select_n3A_923 = arith.select %and3A_921, %add3A_922, %rem3A_913 : i32
      %eq3A_924 = vector.broadcast %select_n3A_923 : i32 to vector<16xi32>
      %eq3A_925 = arith.cmpi eq, %iota3A, %eq3A_924 : vector<16xi32>
      %select_n3A_926 = arith.select %eq3A_925, %get3A_907, %broadcast_in_dim3A_3 : vector<16xi1>, vector<16xi32>
      %reduce_sum3A_927 = arith.constant true
      %reduce_sum3A_928 = vector.broadcast %reduce_sum3A_927 : i1 to vector<16xi1>
      %reduce_sum3A_929 = tpu.scan <sum>, %select_n3A_926 masked %reduce_sum3A_928 : vector<16xi32>, vector<16xi1> -> vector<16xi32>
      %reduce_sum3A_930 = vector.extract %reduce_sum3A_929[15] : i32 from vector<16xi32>
      %jit3A_931 = arith.constant 128 : i32
      %eq3A_932 = arith.constant 0 : i32
      %eq3A_933 = arith.cmpi eq, %jit3A_931, %eq3A_932 : i32
      %jit3A_934 = arith.constant 1 : i32
      %select_n3A_935 = arith.select %eq3A_933, %jit3A_934, %jit3A_931 : i32
      %rem3A_936 = arith.remsi %reduce_sum3A_930, %select_n3A_935 : i32
      %ne3A_937 = arith.constant 0 : i32
      %ne3A_938 = arith.cmpi ne, %rem3A_936, %ne3A_937 : i32
      %lt3A_939 = arith.constant 0 : i32
      %lt3A_940 = arith.cmpi slt, %rem3A_936, %lt3A_939 : i32
      %lt3A_941 = arith.constant 0 : i32
      %lt3A_942 = arith.cmpi slt, %select_n3A_935, %lt3A_941 : i32
      %ne3A_943 = arith.xori %lt3A_940, %lt3A_942 : i1
      %and3A_944 = arith.andi %ne3A_943, %ne3A_938 : i1
      %add3A_945 = arith.addi %rem3A_936, %select_n3A_935 : i32
      %select_n3A_946 = arith.select %and3A_944, %add3A_945, %rem3A_936 : i32
      %broadcast_in_dim3A_947 = vector.broadcast %select_n3A_946 : i32 to vector<16xi32>
      %jit3A_948 = arith.constant 16 : i32
      %div3A_949 = arith.divsi %add3A_843, %jit3A_948 : i32
      %sign3A_950 = arith.constant 0 : i32
      %sign3A_951 = arith.cmpi sgt, %add3A_843, %sign3A_950 : i32
      %sign3A_952 = arith.extui %sign3A_951 : i1 to i32
      %sign3A_953 = arith.constant 0 : i32
      %sign3A_954 = arith.cmpi slt, %add3A_843, %sign3A_953 : i32
      %sign3A_955 = arith.extui %sign3A_954 : i1 to i32
      %sign3A_956 = arith.subi %sign3A_952, %sign3A_955 : i32
      %sign3A_957 = arith.constant 0 : i32
      %sign3A_958 = arith.cmpi sgt, %jit3A_948, %sign3A_957 : i32
      %sign3A_959 = arith.extui %sign3A_958 : i1 to i32
      %sign3A_960 = arith.constant 0 : i32
      %sign3A_961 = arith.cmpi slt, %jit3A_948, %sign3A_960 : i32
      %sign3A_962 = arith.extui %sign3A_961 : i1 to i32
      %sign3A_963 = arith.subi %sign3A_959, %sign3A_962 : i32
      %ne3A_964 = arith.cmpi ne, %sign3A_956, %sign3A_963 : i32
      %rem3A_965 = arith.remsi %add3A_843, %jit3A_948 : i32
      %ne3A_966 = arith.constant 0 : i32
      %ne3A_967 = arith.cmpi ne, %rem3A_965, %ne3A_966 : i32
      %and3A_968 = arith.andi %ne3A_964, %ne3A_967 : i1
      %sub3A_969 = arith.constant 1 : i32
      %sub3A_970 = arith.subi %div3A_949, %sub3A_969 : i32
      %select_n3A_971 = arith.select %and3A_968, %sub3A_970, %div3A_949 : i32
      %mul3A_972 = arith.constant 16 : i32
      %mul3A_973 = arith.muli %select_n3A_971, %mul3A_972 : i32
      %get3A_974 = arith.index_cast %mul3A_973 : i32 to index
      %get3A_975 = tpu.vector_load %arg8[%get3A_974] {strides = array<i32>} : memref<512xi32, #tpu.memory_space<vmem>>, vector<16xi32>,
      %jit3A_976 = arith.constant 16 : i32
      %eq3A_977 = arith.constant 0 : i32
      %eq3A_978 = arith.cmpi eq, %jit3A_976, %eq3A_977 : i32
      %jit3A_979 = arith.constant 1 : i32
      %select_n3A_980 = arith.select %eq3A_978, %jit3A_979, %jit3A_976 : i32
      %rem3A_981 = arith.remsi %add3A_843, %select_n3A_980 : i32
      %ne3A_982 = arith.constant 0 : i32
      %ne3A_983 = arith.cmpi ne, %rem3A_981, %ne3A_982 : i32
      %lt3A_984 = arith.constant 0 : i32
      %lt3A_985 = arith.cmpi slt, %rem3A_981, %lt3A_984 : i32
      %lt3A_986 = arith.constant 0 : i32
      %lt3A_987 = arith.cmpi slt, %select_n3A_980, %lt3A_986 : i32
      %ne3A_988 = arith.xori %lt3A_985, %lt3A_987 : i1
      %and3A_989 = arith.andi %ne3A_988, %ne3A_983 : i1
      %add3A_990 = arith.addi %rem3A_981, %select_n3A_980 : i32
      %select_n3A_991 = arith.select %and3A_989, %add3A_990, %rem3A_981 : i32
      %eq3A_992 = vector.broadcast %select_n3A_991 : i32 to vector<16xi32>
      %eq3A_993 = arith.cmpi eq, %iota3A, %eq3A_992 : vector<16xi32>
      %select_n3A_994 = arith.select %eq3A_993, %get3A_975, %broadcast_in_dim3A_3 : vector<16xi1>, vector<16xi32>
      %reduce_sum3A_995 = arith.constant true
      %reduce_sum3A_996 = vector.broadcast %reduce_sum3A_995 : i1 to vector<16xi1>
      %reduce_sum3A_997 = tpu.scan <sum>, %select_n3A_994 masked %reduce_sum3A_996 : vector<16xi32>, vector<16xi1> -> vector<16xi32>
      %reduce_sum3A_998 = vector.extract %reduce_sum3A_997[15] : i32 from vector<16xi32>
      %jit3A_999 = arith.constant 128 : i32
      %eq3A_1000 = arith.constant 0 : i32
      %eq3A_1001 = arith.cmpi eq, %jit3A_999, %eq3A_1000 : i32
      %jit3A_1002 = arith.constant 1 : i32
      %select_n3A_1003 = arith.select %eq3A_1001, %jit3A_1002, %jit3A_999 : i32
      %rem3A_1004 = arith.remsi %reduce_sum3A_998, %select_n3A_1003 : i32
      %ne3A_1005 = arith.constant 0 : i32
      %ne3A_1006 = arith.cmpi ne, %rem3A_1004, %ne3A_1005 : i32
      %lt3A_1007 = arith.constant 0 : i32
      %lt3A_1008 = arith.cmpi slt, %rem3A_1004, %lt3A_1007 : i32
      %lt3A_1009 = arith.constant 0 : i32
      %lt3A_1010 = arith.cmpi slt, %select_n3A_1003, %lt3A_1009 : i32
      %ne3A_1011 = arith.xori %lt3A_1008, %lt3A_1010 : i1
      %and3A_1012 = arith.andi %ne3A_1011, %ne3A_1006 : i1
      %add3A_1013 = arith.addi %rem3A_1004, %select_n3A_1003 : i32
      %select_n3A_1014 = arith.select %and3A_1012, %add3A_1013, %rem3A_1004 : i32
      %broadcast_in_dim3A_1015 = vector.broadcast %select_n3A_1014 : i32 to vector<16xi32>
      %add3A_1016 = arith.constant 0 : i32
      %add3A_1017 = vector.broadcast %add3A_1016 : i32 to vector<16xi32>
      %add3A_1018 = arith.addi %add3A_1017, %iota3A : vector<16xi32>
      %gather3A_1019 = arith.constant 1 : i32
      %gather3A_1020 = arith.constant 0 : i32
      %gather3A_1021 = arith.constant 0 : i32
      %gather3A_1022 = tpu.memref_slice %arg9[%gather3A_1019, %gather3A_1020, %gather3A_1021] : memref<4x64x128xf32, #tpu.memory_space<vmem>> -> memref<1x64x128xf32, #tpu.memory_space<vmem>>
      %gather3A_1023 = tpu.memref_squeeze %gather3A_1022 : memref<1x64x128xf32, #tpu.memory_space<vmem>> -> memref<64x128xf32, #tpu.memory_space<vmem>>
      %gather3A_1024 = tpu.vector_load_idx %gather3A_1023[%add3A_1018, %broadcast_in_dim3A_947] : memref<64x128xf32, #tpu.memory_space<vmem>>[vector<16xi32>, vector<16xi32>], vector<16xf32>,
      %gather3A_1025 = arith.constant 1 : i32
      %gather3A_1026 = arith.constant 0 : i32
      %gather3A_1027 = arith.constant 0 : i32
      %gather3A_1028 = tpu.memref_slice %arg10[%gather3A_1025, %gather3A_1026, %gather3A_1027] : memref<4x64x128xf32, #tpu.memory_space<vmem>> -> memref<1x64x128xf32, #tpu.memory_space<vmem>>
      %gather3A_1029 = tpu.memref_squeeze %gather3A_1028 : memref<1x64x128xf32, #tpu.memory_space<vmem>> -> memref<64x128xf32, #tpu.memory_space<vmem>>
      %gather3A_1030 = tpu.vector_load_idx %gather3A_1029[%add3A_1018, %broadcast_in_dim3A_1015] : memref<64x128xf32, #tpu.memory_space<vmem>>[vector<16xi32>, vector<16xi32>], vector<16xf32>,
      %mul3A_1031 = arith.mulf %gather3A_1024, %gather3A_1030 : vector<16xf32>
      %add3A_1032 = arith.constant 16 : i32
      %add3A_1033 = vector.broadcast %add3A_1032 : i32 to vector<16xi32>
      %add3A_1034 = arith.addi %add3A_1033, %iota3A : vector<16xi32>
      %gather3A_1035 = arith.constant 1 : i32
      %gather3A_1036 = arith.constant 0 : i32
      %gather3A_1037 = arith.constant 0 : i32
      %gather3A_1038 = tpu.memref_slice %arg9[%gather3A_1035, %gather3A_1036, %gather3A_1037] : memref<4x64x128xf32, #tpu.memory_space<vmem>> -> memref<1x64x128xf32, #tpu.memory_space<vmem>>
      %gather3A_1039 = tpu.memref_squeeze %gather3A_1038 : memref<1x64x128xf32, #tpu.memory_space<vmem>> -> memref<64x128xf32, #tpu.memory_space<vmem>>
      %gather3A_1040 = tpu.vector_load_idx %gather3A_1039[%add3A_1034, %broadcast_in_dim3A_947] : memref<64x128xf32, #tpu.memory_space<vmem>>[vector<16xi32>, vector<16xi32>], vector<16xf32>,
      %gather3A_1041 = arith.constant 1 : i32
      %gather3A_1042 = arith.constant 0 : i32
      %gather3A_1043 = arith.constant 0 : i32
      %gather3A_1044 = tpu.memref_slice %arg10[%gather3A_1041, %gather3A_1042, %gather3A_1043] : memref<4x64x128xf32, #tpu.memory_space<vmem>> -> memref<1x64x128xf32, #tpu.memory_space<vmem>>
      %gather3A_1045 = tpu.memref_squeeze %gather3A_1044 : memref<1x64x128xf32, #tpu.memory_space<vmem>> -> memref<64x128xf32, #tpu.memory_space<vmem>>
      %gather3A_1046 = tpu.vector_load_idx %gather3A_1045[%add3A_1034, %broadcast_in_dim3A_1015] : memref<64x128xf32, #tpu.memory_space<vmem>>[vector<16xi32>, vector<16xi32>], vector<16xf32>,
      %mul3A_1047 = arith.mulf %gather3A_1040, %gather3A_1046 : vector<16xf32>
      %add3A_1048 = arith.addf %mul3A_1031, %mul3A_1047 : vector<16xf32>
      %add3A_1049 = arith.constant 32 : i32
      %add3A_1050 = vector.broadcast %add3A_1049 : i32 to vector<16xi32>
      %add3A_1051 = arith.addi %add3A_1050, %iota3A : vector<16xi32>
      %gather3A_1052 = arith.constant 1 : i32
      %gather3A_1053 = arith.constant 0 : i32
      %gather3A_1054 = arith.constant 0 : i32
      %gather3A_1055 = tpu.memref_slice %arg9[%gather3A_1052, %gather3A_1053, %gather3A_1054] : memref<4x64x128xf32, #tpu.memory_space<vmem>> -> memref<1x64x128xf32, #tpu.memory_space<vmem>>
      %gather3A_1056 = tpu.memref_squeeze %gather3A_1055 : memref<1x64x128xf32, #tpu.memory_space<vmem>> -> memref<64x128xf32, #tpu.memory_space<vmem>>
      %gather3A_1057 = tpu.vector_load_idx %gather3A_1056[%add3A_1051, %broadcast_in_dim3A_947] : memref<64x128xf32, #tpu.memory_space<vmem>>[vector<16xi32>, vector<16xi32>], vector<16xf32>,
      %gather3A_1058 = arith.constant 1 : i32
      %gather3A_1059 = arith.constant 0 : i32
      %gather3A_1060 = arith.constant 0 : i32
      %gather3A_1061 = tpu.memref_slice %arg10[%gather3A_1058, %gather3A_1059, %gather3A_1060] : memref<4x64x128xf32, #tpu.memory_space<vmem>> -> memref<1x64x128xf32, #tpu.memory_space<vmem>>
      %gather3A_1062 = tpu.memref_squeeze %gather3A_1061 : memref<1x64x128xf32, #tpu.memory_space<vmem>> -> memref<64x128xf32, #tpu.memory_space<vmem>>
      %gather3A_1063 = tpu.vector_load_idx %gather3A_1062[%add3A_1051, %broadcast_in_dim3A_1015] : memref<64x128xf32, #tpu.memory_space<vmem>>[vector<16xi32>, vector<16xi32>], vector<16xf32>,
      %mul3A_1064 = arith.mulf %gather3A_1057, %gather3A_1063 : vector<16xf32>
      %add3A_1065 = arith.addf %add3A_1048, %mul3A_1064 : vector<16xf32>
      %add3A_1066 = arith.constant 48 : i32
      %add3A_1067 = vector.broadcast %add3A_1066 : i32 to vector<16xi32>
      %add3A_1068 = arith.addi %add3A_1067, %iota3A : vector<16xi32>
      %gather3A_1069 = arith.constant 1 : i32
      %gather3A_1070 = arith.constant 0 : i32
      %gather3A_1071 = arith.constant 0 : i32
      %gather3A_1072 = tpu.memref_slice %arg9[%gather3A_1069, %gather3A_1070, %gather3A_1071] : memref<4x64x128xf32, #tpu.memory_space<vmem>> -> memref<1x64x128xf32, #tpu.memory_space<vmem>>
      %gather3A_1073 = tpu.memref_squeeze %gather3A_1072 : memref<1x64x128xf32, #tpu.memory_space<vmem>> -> memref<64x128xf32, #tpu.memory_space<vmem>>
      %gather3A_1074 = tpu.vector_load_idx %gather3A_1073[%add3A_1068, %broadcast_in_dim3A_947] : memref<64x128xf32, #tpu.memory_space<vmem>>[vector<16xi32>, vector<16xi32>], vector<16xf32>,
      %gather3A_1075 = arith.constant 1 : i32
      %gather3A_1076 = arith.constant 0 : i32
      %gather3A_1077 = arith.constant 0 : i32
      %gather3A_1078 = tpu.memref_slice %arg10[%gather3A_1075, %gather3A_1076, %gather3A_1077] : memref<4x64x128xf32, #tpu.memory_space<vmem>> -> memref<1x64x128xf32, #tpu.memory_space<vmem>>
      %gather3A_1079 = tpu.memref_squeeze %gather3A_1078 : memref<1x64x128xf32, #tpu.memory_space<vmem>> -> memref<64x128xf32, #tpu.memory_space<vmem>>
      %gather3A_1080 = tpu.vector_load_idx %gather3A_1079[%add3A_1068, %broadcast_in_dim3A_1015] : memref<64x128xf32, #tpu.memory_space<vmem>>[vector<16xi32>, vector<16xi32>], vector<16xf32>,
      %mul3A_1081 = arith.mulf %gather3A_1074, %gather3A_1080 : vector<16xf32>
      %add3A_1082 = arith.addf %add3A_1065, %mul3A_1081 : vector<16xf32>
      %reduce_sum3A_1083 = arith.constant true
      %reduce_sum3A_1084 = vector.broadcast %reduce_sum3A_1083 : i1 to vector<16xi1>
      %reduce_sum3A_1085 = tpu.scan <sum>, %add3A_1082 masked %reduce_sum3A_1084 : vector<16xf32>, vector<16xi1> -> vector<16xf32>
      %reduce_sum3A_1086 = vector.extract %reduce_sum3A_1085[15] : f32 from vector<16xf32>
      %broadcast_in_dim3A_1087 = vector.broadcast %reduce_sum3A_1086 : f32 to vector<16xf32>
      %add3A_1088 = arith.constant 4 : i32
      %add3A_1089 = arith.addi %add3A_843, %add3A_1088 : i32
      %lt3A_1090 = arith.constant 512 : i32
      %lt3A_1091 = arith.cmpi slt, %add3A_1089, %lt3A_1090 : i32
      %convert_element_type3A_1092 = arith.extui %lt3A_1091 : i1 to i32
      %cond3A_1093 = arith.constant 0 : i32
      %cond3A_1094 = arith.cmpi ne, %convert_element_type3A_1092, %cond3A_1093 : i32
      scf.if %cond3A_1094 {
        %jit3A_1752 = arith.constant 16 : i32
        %div3A_1753 = arith.divsi %add3A_1089, %jit3A_1752 : i32
        %sign3A_1754 = arith.constant 0 : i32
        %sign3A_1755 = arith.cmpi sgt, %add3A_1089, %sign3A_1754 : i32
        %sign3A_1756 = arith.extui %sign3A_1755 : i1 to i32
        %sign3A_1757 = arith.constant 0 : i32
        %sign3A_1758 = arith.cmpi slt, %add3A_1089, %sign3A_1757 : i32
        %sign3A_1759 = arith.extui %sign3A_1758 : i1 to i32
        %sign3A_1760 = arith.subi %sign3A_1756, %sign3A_1759 : i32
        %sign3A_1761 = arith.constant 0 : i32
        %sign3A_1762 = arith.cmpi sgt, %jit3A_1752, %sign3A_1761 : i32
        %sign3A_1763 = arith.extui %sign3A_1762 : i1 to i32
        %sign3A_1764 = arith.constant 0 : i32
        %sign3A_1765 = arith.cmpi slt, %jit3A_1752, %sign3A_1764 : i32
        %sign3A_1766 = arith.extui %sign3A_1765 : i1 to i32
        %sign3A_1767 = arith.subi %sign3A_1763, %sign3A_1766 : i32
        %ne3A_1768 = arith.cmpi ne, %sign3A_1760, %sign3A_1767 : i32
        %rem3A_1769 = arith.remsi %add3A_1089, %jit3A_1752 : i32
        %ne3A_1770 = arith.constant 0 : i32
        %ne3A_1771 = arith.cmpi ne, %rem3A_1769, %ne3A_1770 : i32
        %and3A_1772 = arith.andi %ne3A_1768, %ne3A_1771 : i1
        %sub3A_1773 = arith.constant 1 : i32
        %sub3A_1774 = arith.subi %div3A_1753, %sub3A_1773 : i32
        %select_n3A_1775 = arith.select %and3A_1772, %sub3A_1774, %div3A_1753 : i32
        %mul3A_1776 = arith.constant 16 : i32
        %mul3A_1777 = arith.muli %select_n3A_1775, %mul3A_1776 : i32
        %get3A_1778 = arith.index_cast %mul3A_1777 : i32 to index
        %get3A_1779 = tpu.vector_load %arg7[%get3A_1778] {strides = array<i32>} : memref<512xi32, #tpu.memory_space<vmem>>, vector<16xi32>,
        %jit3A_1780 = arith.constant 16 : i32
        %eq3A_1781 = arith.constant 0 : i32
        %eq3A_1782 = arith.cmpi eq, %jit3A_1780, %eq3A_1781 : i32
        %jit3A_1783 = arith.constant 1 : i32
        %select_n3A_1784 = arith.select %eq3A_1782, %jit3A_1783, %jit3A_1780 : i32
        %rem3A_1785 = arith.remsi %add3A_1089, %select_n3A_1784 : i32
        %ne3A_1786 = arith.constant 0 : i32
        %ne3A_1787 = arith.cmpi ne, %rem3A_1785, %ne3A_1786 : i32
        %lt3A_1788 = arith.constant 0 : i32
        %lt3A_1789 = arith.cmpi slt, %rem3A_1785, %lt3A_1788 : i32
        %lt3A_1790 = arith.constant 0 : i32
        %lt3A_1791 = arith.cmpi slt, %select_n3A_1784, %lt3A_1790 : i32
        %ne3A_1792 = arith.xori %lt3A_1789, %lt3A_1791 : i1
        %and3A_1793 = arith.andi %ne3A_1792, %ne3A_1787 : i1
        %add3A_1794 = arith.addi %rem3A_1785, %select_n3A_1784 : i32
        %select_n3A_1795 = arith.select %and3A_1793, %add3A_1794, %rem3A_1785 : i32
        %eq3A_1796 = vector.broadcast %select_n3A_1795 : i32 to vector<16xi32>
        %eq3A_1797 = arith.cmpi eq, %iota3A, %eq3A_1796 : vector<16xi32>
        %select_n3A_1798 = arith.select %eq3A_1797, %get3A_1779, %broadcast_in_dim3A_3 : vector<16xi1>, vector<16xi32>
        %reduce_sum3A_1799 = arith.constant true
        %reduce_sum3A_1800 = vector.broadcast %reduce_sum3A_1799 : i1 to vector<16xi1>
        %reduce_sum3A_1801 = tpu.scan <sum>, %select_n3A_1798 masked %reduce_sum3A_1800 : vector<16xi32>, vector<16xi1> -> vector<16xi32>
        %reduce_sum3A_1802 = vector.extract %reduce_sum3A_1801[15] : i32 from vector<16xi32>
        %jit3A_1803 = arith.constant 128 : i32
        %div3A_1804 = arith.divsi %reduce_sum3A_1802, %jit3A_1803 : i32
        %sign3A_1805 = arith.constant 0 : i32
        %sign3A_1806 = arith.cmpi sgt, %reduce_sum3A_1802, %sign3A_1805 : i32
        %sign3A_1807 = arith.extui %sign3A_1806 : i1 to i32
        %sign3A_1808 = arith.constant 0 : i32
        %sign3A_1809 = arith.cmpi slt, %reduce_sum3A_1802, %sign3A_1808 : i32
        %sign3A_1810 = arith.extui %sign3A_1809 : i1 to i32
        %sign3A_1811 = arith.subi %sign3A_1807, %sign3A_1810 : i32
        %sign3A_1812 = arith.constant 0 : i32
        %sign3A_1813 = arith.cmpi sgt, %jit3A_1803, %sign3A_1812 : i32
        %sign3A_1814 = arith.extui %sign3A_1813 : i1 to i32
        %sign3A_1815 = arith.constant 0 : i32
        %sign3A_1816 = arith.cmpi slt, %jit3A_1803, %sign3A_1815 : i32
        %sign3A_1817 = arith.extui %sign3A_1816 : i1 to i32
        %sign3A_1818 = arith.subi %sign3A_1814, %sign3A_1817 : i32
        %ne3A_1819 = arith.cmpi ne, %sign3A_1811, %sign3A_1818 : i32
        %rem3A_1820 = arith.remsi %reduce_sum3A_1802, %jit3A_1803 : i32
        %ne3A_1821 = arith.constant 0 : i32
        %ne3A_1822 = arith.cmpi ne, %rem3A_1820, %ne3A_1821 : i32
        %and3A_1823 = arith.andi %ne3A_1819, %ne3A_1822 : i1
        %sub3A_1824 = arith.constant 1 : i32
        %sub3A_1825 = arith.subi %div3A_1804, %sub3A_1824 : i32
        %select_n3A_1826 = arith.select %and3A_1823, %sub3A_1825, %div3A_1804 : i32
        %mul3A_1827 = arith.constant 128 : i32
        %mul3A_1828 = arith.muli %select_n3A_1826, %mul3A_1827 : i32
        %jit3A_1829 = arith.constant 16 : i32
        %div3A_1830 = arith.divsi %add3A_1089, %jit3A_1829 : i32
        %sign3A_1831 = arith.constant 0 : i32
        %sign3A_1832 = arith.cmpi sgt, %add3A_1089, %sign3A_1831 : i32
        %sign3A_1833 = arith.extui %sign3A_1832 : i1 to i32
        %sign3A_1834 = arith.constant 0 : i32
        %sign3A_1835 = arith.cmpi slt, %add3A_1089, %sign3A_1834 : i32
        %sign3A_1836 = arith.extui %sign3A_1835 : i1 to i32
        %sign3A_1837 = arith.subi %sign3A_1833, %sign3A_1836 : i32
        %sign3A_1838 = arith.constant 0 : i32
        %sign3A_1839 = arith.cmpi sgt, %jit3A_1829, %sign3A_1838 : i32
        %sign3A_1840 = arith.extui %sign3A_1839 : i1 to i32
        %sign3A_1841 = arith.constant 0 : i32
        %sign3A_1842 = arith.cmpi slt, %jit3A_1829, %sign3A_1841 : i32
        %sign3A_1843 = arith.extui %sign3A_1842 : i1 to i32
        %sign3A_1844 = arith.subi %sign3A_1840, %sign3A_1843 : i32
        %ne3A_1845 = arith.cmpi ne, %sign3A_1837, %sign3A_1844 : i32
        %rem3A_1846 = arith.remsi %add3A_1089, %jit3A_1829 : i32
        %ne3A_1847 = arith.constant 0 : i32
        %ne3A_1848 = arith.cmpi ne, %rem3A_1846, %ne3A_1847 : i32
        %and3A_1849 = arith.andi %ne3A_1845, %ne3A_1848 : i1
        %sub3A_1850 = arith.constant 1 : i32
        %sub3A_1851 = arith.subi %div3A_1830, %sub3A_1850 : i32
        %select_n3A_1852 = arith.select %and3A_1849, %sub3A_1851, %div3A_1830 : i32
        %mul3A_1853 = arith.constant 16 : i32
        %mul3A_1854 = arith.muli %select_n3A_1852, %mul3A_1853 : i32
        %get3A_1855 = arith.index_cast %mul3A_1854 : i32 to index
        %get3A_1856 = tpu.vector_load %arg8[%get3A_1855] {strides = array<i32>} : memref<512xi32, #tpu.memory_space<vmem>>, vector<16xi32>,
        %jit3A_1857 = arith.constant 16 : i32
        %eq3A_1858 = arith.constant 0 : i32
        %eq3A_1859 = arith.cmpi eq, %jit3A_1857, %eq3A_1858 : i32
        %jit3A_1860 = arith.constant 1 : i32
        %select_n3A_1861 = arith.select %eq3A_1859, %jit3A_1860, %jit3A_1857 : i32
        %rem3A_1862 = arith.remsi %add3A_1089, %select_n3A_1861 : i32
        %ne3A_1863 = arith.constant 0 : i32
        %ne3A_1864 = arith.cmpi ne, %rem3A_1862, %ne3A_1863 : i32
        %lt3A_1865 = arith.constant 0 : i32
        %lt3A_1866 = arith.cmpi slt, %rem3A_1862, %lt3A_1865 : i32
        %lt3A_1867 = arith.constant 0 : i32
        %lt3A_1868 = arith.cmpi slt, %select_n3A_1861, %lt3A_1867 : i32
        %ne3A_1869 = arith.xori %lt3A_1866, %lt3A_1868 : i1
        %and3A_1870 = arith.andi %ne3A_1869, %ne3A_1864 : i1
        %add3A_1871 = arith.addi %rem3A_1862, %select_n3A_1861 : i32
        %select_n3A_1872 = arith.select %and3A_1870, %add3A_1871, %rem3A_1862 : i32
        %eq3A_1873 = vector.broadcast %select_n3A_1872 : i32 to vector<16xi32>
        %eq3A_1874 = arith.cmpi eq, %iota3A, %eq3A_1873 : vector<16xi32>
        %select_n3A_1875 = arith.select %eq3A_1874, %get3A_1856, %broadcast_in_dim3A_3 : vector<16xi1>, vector<16xi32>
        %reduce_sum3A_1876 = arith.constant true
        %reduce_sum3A_1877 = vector.broadcast %reduce_sum3A_1876 : i1 to vector<16xi1>
        %reduce_sum3A_1878 = tpu.scan <sum>, %select_n3A_1875 masked %reduce_sum3A_1877 : vector<16xi32>, vector<16xi1> -> vector<16xi32>
        %reduce_sum3A_1879 = vector.extract %reduce_sum3A_1878[15] : i32 from vector<16xi32>
        %jit3A_1880 = arith.constant 128 : i32
        %div3A_1881 = arith.divsi %reduce_sum3A_1879, %jit3A_1880 : i32
        %sign3A_1882 = arith.constant 0 : i32
        %sign3A_1883 = arith.cmpi sgt, %reduce_sum3A_1879, %sign3A_1882 : i32
        %sign3A_1884 = arith.extui %sign3A_1883 : i1 to i32
        %sign3A_1885 = arith.constant 0 : i32
        %sign3A_1886 = arith.cmpi slt, %reduce_sum3A_1879, %sign3A_1885 : i32
        %sign3A_1887 = arith.extui %sign3A_1886 : i1 to i32
        %sign3A_1888 = arith.subi %sign3A_1884, %sign3A_1887 : i32
        %sign3A_1889 = arith.constant 0 : i32
        %sign3A_1890 = arith.cmpi sgt, %jit3A_1880, %sign3A_1889 : i32
        %sign3A_1891 = arith.extui %sign3A_1890 : i1 to i32
        %sign3A_1892 = arith.constant 0 : i32
        %sign3A_1893 = arith.cmpi slt, %jit3A_1880, %sign3A_1892 : i32
        %sign3A_1894 = arith.extui %sign3A_1893 : i1 to i32
        %sign3A_1895 = arith.subi %sign3A_1891, %sign3A_1894 : i32
        %ne3A_1896 = arith.cmpi ne, %sign3A_1888, %sign3A_1895 : i32
        %rem3A_1897 = arith.remsi %reduce_sum3A_1879, %jit3A_1880 : i32
        %ne3A_1898 = arith.constant 0 : i32
        %ne3A_1899 = arith.cmpi ne, %rem3A_1897, %ne3A_1898 : i32
        %and3A_1900 = arith.andi %ne3A_1896, %ne3A_1899 : i1
        %sub3A_1901 = arith.constant 1 : i32
        %sub3A_1902 = arith.subi %div3A_1881, %sub3A_1901 : i32
        %select_n3A_1903 = arith.select %and3A_1900, %sub3A_1902, %div3A_1881 : i32
        %mul3A_1904 = arith.constant 128 : i32
        %mul3A_1905 = arith.muli %select_n3A_1903, %mul3A_1904 : i32
        %dma_start3A_1906 = arith.constant 1 : i32
        %dma_start3A_1907 = arith.constant 1 : i32
        %dma_start3A_1908 = arith.constant 0 : i32
        %dma_start3A_1909 = arith.constant 0 : i32
        %dma_start3A_1910 = tpu.memref_slice %arg9[%dma_start3A_1906, %dma_start3A_1908, %dma_start3A_1909] : memref<4x64x128xf32, #tpu.memory_space<vmem>> -> memref<1x32x128xf32, #tpu.memory_space<vmem>>
        %dma_start3A_1911 = tpu.memref_squeeze %dma_start3A_1910 : memref<1x32x128xf32, #tpu.memory_space<vmem>> -> memref<32x128xf32, #tpu.memory_space<vmem>>
        %dma_start3A_1912 = arith.constant 0 : i32
        %dma_start3A_1913 = tpu.memref_slice %arg4[%dma_start3A_1912, %mul3A_1828] : memref<64x1000000xf32, #tpu.memory_space<hbm>> -> memref<32x128xf32, #tpu.memory_space<hbm>>
        %dma_start3A_1914 = tpu.memref_slice %arg12[%dma_start3A_1907] : memref<4x!tpu.dma_semaphore, #tpu.memory_space<semaphore_mem>> -> memref<1x!tpu.dma_semaphore, #tpu.memory_space<semaphore_mem>>
        %dma_start3A_1915 = tpu.memref_squeeze %dma_start3A_1914 : memref<1x!tpu.dma_semaphore, #tpu.memory_space<semaphore_mem>> -> memref<!tpu.dma_semaphore, #tpu.memory_space<semaphore_mem>>
        %dma_start3A_1916 = arith.constant 0 : i32
        %dma_start3A_1917 = arith.constant 0 : i32
        %dma_start3A_1918 = tpu.memref_slice %arg9[%dma_start3A_1906, %dma_start3A_1916, %dma_start3A_1917] : memref<4x64x128xf32, #tpu.memory_space<vmem>> -> memref<1x32x128xf32, #tpu.memory_space<vmem>>
        %dma_start3A_1919 = tpu.memref_squeeze %dma_start3A_1918 : memref<1x32x128xf32, #tpu.memory_space<vmem>> -> memref<32x128xf32, #tpu.memory_space<vmem>>
        %dma_start3A_1920 = arith.constant 0 : i32
        %dma_start3A_1921 = tpu.memref_slice %arg4[%dma_start3A_1920, %mul3A_1828] : memref<64x1000000xf32, #tpu.memory_space<hbm>> -> memref<32x128xf32, #tpu.memory_space<hbm>>
        tpu.enqueue_dma source(%dma_start3A_1921 : memref<32x128xf32, #tpu.memory_space<hbm>>) target(%dma_start3A_1919 : memref<32x128xf32, #tpu.memory_space<vmem>>) target_semaphore(%dma_start3A_1915 : memref<!tpu.dma_semaphore, #tpu.memory_space<semaphore_mem>>)
        %dma_start3A_1922 = arith.constant 1 : i32
        %dma_start3A_1923 = arith.constant 1 : i32
        %dma_start3A_1924 = arith.constant 32 : i32
        %dma_start3A_1925 = arith.constant 0 : i32
        %dma_start3A_1926 = tpu.memref_slice %arg9[%dma_start3A_1922, %dma_start3A_1924, %dma_start3A_1925] : memref<4x64x128xf32, #tpu.memory_space<vmem>> -> memref<1x32x128xf32, #tpu.memory_space<vmem>>
        %dma_start3A_1927 = tpu.memref_squeeze %dma_start3A_1926 : memref<1x32x128xf32, #tpu.memory_space<vmem>> -> memref<32x128xf32, #tpu.memory_space<vmem>>
        %dma_start3A_1928 = arith.constant 32 : i32
        %dma_start3A_1929 = tpu.memref_slice %arg4[%dma_start3A_1928, %mul3A_1828] : memref<64x1000000xf32, #tpu.memory_space<hbm>> -> memref<32x128xf32, #tpu.memory_space<hbm>>
        %dma_start3A_1930 = tpu.memref_slice %arg12[%dma_start3A_1923] : memref<4x!tpu.dma_semaphore, #tpu.memory_space<semaphore_mem>> -> memref<1x!tpu.dma_semaphore, #tpu.memory_space<semaphore_mem>>
        %dma_start3A_1931 = tpu.memref_squeeze %dma_start3A_1930 : memref<1x!tpu.dma_semaphore, #tpu.memory_space<semaphore_mem>> -> memref<!tpu.dma_semaphore, #tpu.memory_space<semaphore_mem>>
        %dma_start3A_1932 = arith.constant 32 : i32
        %dma_start3A_1933 = arith.constant 0 : i32
        %dma_start3A_1934 = tpu.memref_slice %arg9[%dma_start3A_1922, %dma_start3A_1932, %dma_start3A_1933] : memref<4x64x128xf32, #tpu.memory_space<vmem>> -> memref<1x32x128xf32, #tpu.memory_space<vmem>>
        %dma_start3A_1935 = tpu.memref_squeeze %dma_start3A_1934 : memref<1x32x128xf32, #tpu.memory_space<vmem>> -> memref<32x128xf32, #tpu.memory_space<vmem>>
        %dma_start3A_1936 = arith.constant 32 : i32
        %dma_start3A_1937 = tpu.memref_slice %arg4[%dma_start3A_1936, %mul3A_1828] : memref<64x1000000xf32, #tpu.memory_space<hbm>> -> memref<32x128xf32, #tpu.memory_space<hbm>>
        tpu.enqueue_dma source(%dma_start3A_1937 : memref<32x128xf32, #tpu.memory_space<hbm>>) target(%dma_start3A_1935 : memref<32x128xf32, #tpu.memory_space<vmem>>) target_semaphore(%dma_start3A_1931 : memref<!tpu.dma_semaphore, #tpu.memory_space<semaphore_mem>>)
        %dma_start3A_1938 = arith.constant 1 : i32
        %dma_start3A_1939 = arith.constant 1 : i32
        %dma_start3A_1940 = arith.constant 0 : i32
        %dma_start3A_1941 = arith.constant 0 : i32
        %dma_start3A_1942 = tpu.memref_slice %arg10[%dma_start3A_1938, %dma_start3A_1940, %dma_start3A_1941] : memref<4x64x128xf32, #tpu.memory_space<vmem>> -> memref<1x32x128xf32, #tpu.memory_space<vmem>>
        %dma_start3A_1943 = tpu.memref_squeeze %dma_start3A_1942 : memref<1x32x128xf32, #tpu.memory_space<vmem>> -> memref<32x128xf32, #tpu.memory_space<vmem>>
        %dma_start3A_1944 = arith.constant 0 : i32
        %dma_start3A_1945 = tpu.memref_slice %arg5[%dma_start3A_1944, %mul3A_1905] : memref<64x1000000xf32, #tpu.memory_space<hbm>> -> memref<32x128xf32, #tpu.memory_space<hbm>>
        %dma_start3A_1946 = tpu.memref_slice %arg13[%dma_start3A_1939] : memref<4x!tpu.dma_semaphore, #tpu.memory_space<semaphore_mem>> -> memref<1x!tpu.dma_semaphore, #tpu.memory_space<semaphore_mem>>
        %dma_start3A_1947 = tpu.memref_squeeze %dma_start3A_1946 : memref<1x!tpu.dma_semaphore, #tpu.memory_space<semaphore_mem>> -> memref<!tpu.dma_semaphore, #tpu.memory_space<semaphore_mem>>
        %dma_start3A_1948 = arith.constant 0 : i32
        %dma_start3A_1949 = arith.constant 0 : i32
        %dma_start3A_1950 = tpu.memref_slice %arg10[%dma_start3A_1938, %dma_start3A_1948, %dma_start3A_1949] : memref<4x64x128xf32, #tpu.memory_space<vmem>> -> memref<1x32x128xf32, #tpu.memory_space<vmem>>
        %dma_start3A_1951 = tpu.memref_squeeze %dma_start3A_1950 : memref<1x32x128xf32, #tpu.memory_space<vmem>> -> memref<32x128xf32, #tpu.memory_space<vmem>>
        %dma_start3A_1952 = arith.constant 0 : i32
        %dma_start3A_1953 = tpu.memref_slice %arg5[%dma_start3A_1952, %mul3A_1905] : memref<64x1000000xf32, #tpu.memory_space<hbm>> -> memref<32x128xf32, #tpu.memory_space<hbm>>
        tpu.enqueue_dma source(%dma_start3A_1953 : memref<32x128xf32, #tpu.memory_space<hbm>>) target(%dma_start3A_1951 : memref<32x128xf32, #tpu.memory_space<vmem>>) target_semaphore(%dma_start3A_1947 : memref<!tpu.dma_semaphore, #tpu.memory_space<semaphore_mem>>)
        %dma_start3A_1954 = arith.constant 1 : i32
        %dma_start3A_1955 = arith.constant 1 : i32
        %dma_start3A_1956 = arith.constant 32 : i32
        %dma_start3A_1957 = arith.constant 0 : i32
        %dma_start3A_1958 = tpu.memref_slice %arg10[%dma_start3A_1954, %dma_start3A_1956, %dma_start3A_1957] : memref<4x64x128xf32, #tpu.memory_space<vmem>> -> memref<1x32x128xf32, #tpu.memory_space<vmem>>
        %dma_start3A_1959 = tpu.memref_squeeze %dma_start3A_1958 : memref<1x32x128xf32, #tpu.memory_space<vmem>> -> memref<32x128xf32, #tpu.memory_space<vmem>>
        %dma_start3A_1960 = arith.constant 32 : i32
        %dma_start3A_1961 = tpu.memref_slice %arg5[%dma_start3A_1960, %mul3A_1905] : memref<64x1000000xf32, #tpu.memory_space<hbm>> -> memref<32x128xf32, #tpu.memory_space<hbm>>
        %dma_start3A_1962 = tpu.memref_slice %arg13[%dma_start3A_1955] : memref<4x!tpu.dma_semaphore, #tpu.memory_space<semaphore_mem>> -> memref<1x!tpu.dma_semaphore, #tpu.memory_space<semaphore_mem>>
        %dma_start3A_1963 = tpu.memref_squeeze %dma_start3A_1962 : memref<1x!tpu.dma_semaphore, #tpu.memory_space<semaphore_mem>> -> memref<!tpu.dma_semaphore, #tpu.memory_space<semaphore_mem>>
        %dma_start3A_1964 = arith.constant 32 : i32
        %dma_start3A_1965 = arith.constant 0 : i32
        %dma_start3A_1966 = tpu.memref_slice %arg10[%dma_start3A_1954, %dma_start3A_1964, %dma_start3A_1965] : memref<4x64x128xf32, #tpu.memory_space<vmem>> -> memref<1x32x128xf32, #tpu.memory_space<vmem>>
        %dma_start3A_1967 = tpu.memref_squeeze %dma_start3A_1966 : memref<1x32x128xf32, #tpu.memory_space<vmem>> -> memref<32x128xf32, #tpu.memory_space<vmem>>
        %dma_start3A_1968 = arith.constant 32 : i32
        %dma_start3A_1969 = tpu.memref_slice %arg5[%dma_start3A_1968, %mul3A_1905] : memref<64x1000000xf32, #tpu.memory_space<hbm>> -> memref<32x128xf32, #tpu.memory_space<hbm>>
        tpu.enqueue_dma source(%dma_start3A_1969 : memref<32x128xf32, #tpu.memory_space<hbm>>) target(%dma_start3A_1967 : memref<32x128xf32, #tpu.memory_space<vmem>>) target_semaphore(%dma_start3A_1963 : memref<!tpu.dma_semaphore, #tpu.memory_space<semaphore_mem>>)
      } else {
      }
      %jit3A_1095 = arith.constant 16 : i32
      %div3A_1096 = arith.divsi %add3A_843, %jit3A_1095 : i32
      %sign3A_1097 = arith.constant 0 : i32
      %sign3A_1098 = arith.cmpi sgt, %add3A_843, %sign3A_1097 : i32
      %sign3A_1099 = arith.extui %sign3A_1098 : i1 to i32
      %sign3A_1100 = arith.constant 0 : i32
      %sign3A_1101 = arith.cmpi slt, %add3A_843, %sign3A_1100 : i32
      %sign3A_1102 = arith.extui %sign3A_1101 : i1 to i32
      %sign3A_1103 = arith.subi %sign3A_1099, %sign3A_1102 : i32
      %sign3A_1104 = arith.constant 0 : i32
      %sign3A_1105 = arith.cmpi sgt, %jit3A_1095, %sign3A_1104 : i32
      %sign3A_1106 = arith.extui %sign3A_1105 : i1 to i32
      %sign3A_1107 = arith.constant 0 : i32
      %sign3A_1108 = arith.cmpi slt, %jit3A_1095, %sign3A_1107 : i32
      %sign3A_1109 = arith.extui %sign3A_1108 : i1 to i32
      %sign3A_1110 = arith.subi %sign3A_1106, %sign3A_1109 : i32
      %ne3A_1111 = arith.cmpi ne, %sign3A_1103, %sign3A_1110 : i32
      %rem3A_1112 = arith.remsi %add3A_843, %jit3A_1095 : i32
      %ne3A_1113 = arith.constant 0 : i32
      %ne3A_1114 = arith.cmpi ne, %rem3A_1112, %ne3A_1113 : i32
      %and3A_1115 = arith.andi %ne3A_1111, %ne3A_1114 : i1
      %sub3A_1116 = arith.constant 1 : i32
      %sub3A_1117 = arith.subi %div3A_1096, %sub3A_1116 : i32
      %select_n3A_1118 = arith.select %and3A_1115, %sub3A_1117, %div3A_1096 : i32
      %mul3A_1119 = arith.constant 16 : i32
      %mul3A_1120 = arith.muli %select_n3A_1118, %mul3A_1119 : i32
      %get3A_1121 = arith.index_cast %mul3A_1120 : i32 to index
      %get3A_1122 = tpu.vector_load %arg11[%get3A_1121] {strides = array<i32>} : memref<512xf32, #tpu.memory_space<vmem>>, vector<16xf32>,
      %jit3A_1123 = arith.constant 16 : i32
      %eq3A_1124 = arith.constant 0 : i32
      %eq3A_1125 = arith.cmpi eq, %jit3A_1123, %eq3A_1124 : i32
      %jit3A_1126 = arith.constant 1 : i32
      %select_n3A_1127 = arith.select %eq3A_1125, %jit3A_1126, %jit3A_1123 : i32
      %rem3A_1128 = arith.remsi %add3A_843, %select_n3A_1127 : i32
      %ne3A_1129 = arith.constant 0 : i32
      %ne3A_1130 = arith.cmpi ne, %rem3A_1128, %ne3A_1129 : i32
      %lt3A_1131 = arith.constant 0 : i32
      %lt3A_1132 = arith.cmpi slt, %rem3A_1128, %lt3A_1131 : i32
      %lt3A_1133 = arith.constant 0 : i32
      %lt3A_1134 = arith.cmpi slt, %select_n3A_1127, %lt3A_1133 : i32
      %ne3A_1135 = arith.xori %lt3A_1132, %lt3A_1134 : i1
      %and3A_1136 = arith.andi %ne3A_1135, %ne3A_1130 : i1
      %add3A_1137 = arith.addi %rem3A_1128, %select_n3A_1127 : i32
      %select_n3A_1138 = arith.select %and3A_1136, %add3A_1137, %rem3A_1128 : i32
      %eq3A_1139 = vector.broadcast %select_n3A_1138 : i32 to vector<16xi32>
      %eq3A_1140 = arith.cmpi eq, %iota3A, %eq3A_1139 : vector<16xi32>
      %select_n3A_1141 = arith.select %eq3A_1140, %broadcast_in_dim3A_1087, %get3A_1122 : vector<16xi1>, vector<16xf32>
      %swap3A_1142 = arith.index_cast %mul3A_1120 : i32 to index
      %swap3A_1143 = tpu.vector_load %arg11[%swap3A_1142] {strides = array<i32>} : memref<512xf32, #tpu.memory_space<vmem>>, vector<16xf32>,
      tpu.vector_store %arg11[%swap3A_1142], %select_n3A_1141 {strides = array<i32>} : memref<512xf32, #tpu.memory_space<vmem>>, vector<16xf32>,
      %mul3A_1144 = arith.constant 4 : i32
      %mul3A_1145 = arith.muli %scan3A_541, %mul3A_1144 : i32
      %add3A_1146 = arith.constant 2 : i32
      %add3A_1147 = arith.addi %mul3A_1145, %add3A_1146 : i32
      %dma_wait3A_1148 = arith.constant 2 : i32
      %dma_wait3A_1149 = arith.constant 2 : i32
      %dma_wait3A_1150 = arith.constant 0 : i32
      %dma_wait3A_1151 = arith.constant 0 : i32
      %dma_wait3A_1152 = tpu.memref_slice %arg9[%dma_wait3A_1148, %dma_wait3A_1150, %dma_wait3A_1151] : memref<4x64x128xf32, #tpu.memory_space<vmem>> -> memref<1x64x128xf32, #tpu.memory_space<vmem>>
      %dma_wait3A_1153 = tpu.memref_squeeze %dma_wait3A_1152 : memref<1x64x128xf32, #tpu.memory_space<vmem>> -> memref<64x128xf32, #tpu.memory_space<vmem>>
      %dma_wait3A_1154 = arith.constant 0 : i32
      %dma_wait3A_1155 = arith.constant 0 : i32
      %dma_wait3A_1156 = tpu.memref_slice %arg4[%dma_wait3A_1154, %dma_wait3A_1155] : memref<64x1000000xf32, #tpu.memory_space<hbm>> -> memref<64x128xf32, #tpu.memory_space<hbm>>
      %dma_wait3A_1157 = tpu.memref_slice %arg12[%dma_wait3A_1149] : memref<4x!tpu.dma_semaphore, #tpu.memory_space<semaphore_mem>> -> memref<1x!tpu.dma_semaphore, #tpu.memory_space<semaphore_mem>>
      %dma_wait3A_1158 = tpu.memref_squeeze %dma_wait3A_1157 : memref<1x!tpu.dma_semaphore, #tpu.memory_space<semaphore_mem>> -> memref<!tpu.dma_semaphore, #tpu.memory_space<semaphore_mem>>
      %dma_wait3A_1159 = arith.constant 0 : i32
      %dma_wait3A_1160 = arith.constant 0 : i32
      %dma_wait3A_1161 = tpu.memref_slice %arg9[%dma_wait3A_1148, %dma_wait3A_1159, %dma_wait3A_1160] : memref<4x64x128xf32, #tpu.memory_space<vmem>> -> memref<1x64x128xf32, #tpu.memory_space<vmem>>
      %dma_wait3A_1162 = tpu.memref_squeeze %dma_wait3A_1161 : memref<1x64x128xf32, #tpu.memory_space<vmem>> -> memref<64x128xf32, #tpu.memory_space<vmem>>
      %dma_wait3A_1163 = arith.constant 0 : i32
      %dma_wait3A_1164 = arith.constant 0 : i32
      %dma_wait3A_1165 = tpu.memref_slice %arg4[%dma_wait3A_1163, %dma_wait3A_1164] : memref<64x1000000xf32, #tpu.memory_space<hbm>> -> memref<64x128xf32, #tpu.memory_space<hbm>>
      tpu.wait_dma2 semaphore(%dma_wait3A_1158 : memref<!tpu.dma_semaphore, #tpu.memory_space<semaphore_mem>>) src(%dma_wait3A_1165 : memref<64x128xf32, #tpu.memory_space<hbm>>) dst(%dma_wait3A_1162 : memref<64x128xf32, #tpu.memory_space<vmem>>)
      %dma_wait3A_1166 = arith.constant 2 : i32
      %dma_wait3A_1167 = arith.constant 2 : i32
      %dma_wait3A_1168 = arith.constant 0 : i32
      %dma_wait3A_1169 = arith.constant 0 : i32
      %dma_wait3A_1170 = tpu.memref_slice %arg10[%dma_wait3A_1166, %dma_wait3A_1168, %dma_wait3A_1169] : memref<4x64x128xf32, #tpu.memory_space<vmem>> -> memref<1x64x128xf32, #tpu.memory_space<vmem>>
      %dma_wait3A_1171 = tpu.memref_squeeze %dma_wait3A_1170 : memref<1x64x128xf32, #tpu.memory_space<vmem>> -> memref<64x128xf32, #tpu.memory_space<vmem>>
      %dma_wait3A_1172 = arith.constant 0 : i32
      %dma_wait3A_1173 = arith.constant 0 : i32
      %dma_wait3A_1174 = tpu.memref_slice %arg5[%dma_wait3A_1172, %dma_wait3A_1173] : memref<64x1000000xf32, #tpu.memory_space<hbm>> -> memref<64x128xf32, #tpu.memory_space<hbm>>
      %dma_wait3A_1175 = tpu.memref_slice %arg13[%dma_wait3A_1167] : memref<4x!tpu.dma_semaphore, #tpu.memory_space<semaphore_mem>> -> memref<1x!tpu.dma_semaphore, #tpu.memory_space<semaphore_mem>>
      %dma_wait3A_1176 = tpu.memref_squeeze %dma_wait3A_1175 : memref<1x!tpu.dma_semaphore, #tpu.memory_space<semaphore_mem>> -> memref<!tpu.dma_semaphore, #tpu.memory_space<semaphore_mem>>
      %dma_wait3A_1177 = arith.constant 0 : i32
      %dma_wait3A_1178 = arith.constant 0 : i32
      %dma_wait3A_1179 = tpu.memref_slice %arg10[%dma_wait3A_1166, %dma_wait3A_1177, %dma_wait3A_1178] : memref<4x64x128xf32, #tpu.memory_space<vmem>> -> memref<1x64x128xf32, #tpu.memory_space<vmem>>
      %dma_wait3A_1180 = tpu.memref_squeeze %dma_wait3A_1179 : memref<1x64x128xf32, #tpu.memory_space<vmem>> -> memref<64x128xf32, #tpu.memory_space<vmem>>
      %dma_wait3A_1181 = arith.constant 0 : i32
      %dma_wait3A_1182 = arith.constant 0 : i32
      %dma_wait3A_1183 = tpu.memref_slice %arg5[%dma_wait3A_1181, %dma_wait3A_1182] : memref<64x1000000xf32, #tpu.memory_space<hbm>> -> memref<64x128xf32, #tpu.memory_space<hbm>>
      tpu.wait_dma2 semaphore(%dma_wait3A_1176 : memref<!tpu.dma_semaphore, #tpu.memory_space<semaphore_mem>>) src(%dma_wait3A_1183 : memref<64x128xf32, #tpu.memory_space<hbm>>) dst(%dma_wait3A_1180 : memref<64x128xf32, #tpu.memory_space<vmem>>)
      %jit3A_1184 = arith.constant 16 : i32
      %div3A_1185 = arith.divsi %add3A_1147, %jit3A_1184 : i32
      %sign3A_1186 = arith.constant 0 : i32
      %sign3A_1187 = arith.cmpi sgt, %add3A_1147, %sign3A_1186 : i32
      %sign3A_1188 = arith.extui %sign3A_1187 : i1 to i32
      %sign3A_1189 = arith.constant 0 : i32
      %sign3A_1190 = arith.cmpi slt, %add3A_1147, %sign3A_1189 : i32
      %sign3A_1191 = arith.extui %sign3A_1190 : i1 to i32
      %sign3A_1192 = arith.subi %sign3A_1188, %sign3A_1191 : i32
      %sign3A_1193 = arith.constant 0 : i32
      %sign3A_1194 = arith.cmpi sgt, %jit3A_1184, %sign3A_1193 : i32
      %sign3A_1195 = arith.extui %sign3A_1194 : i1 to i32
      %sign3A_1196 = arith.constant 0 : i32
      %sign3A_1197 = arith.cmpi slt, %jit3A_1184, %sign3A_1196 : i32
      %sign3A_1198 = arith.extui %sign3A_1197 : i1 to i32
      %sign3A_1199 = arith.subi %sign3A_1195, %sign3A_1198 : i32
      %ne3A_1200 = arith.cmpi ne, %sign3A_1192, %sign3A_1199 : i32
      %rem3A_1201 = arith.remsi %add3A_1147, %jit3A_1184 : i32
      %ne3A_1202 = arith.constant 0 : i32
      %ne3A_1203 = arith.cmpi ne, %rem3A_1201, %ne3A_1202 : i32
      %and3A_1204 = arith.andi %ne3A_1200, %ne3A_1203 : i1
      %sub3A_1205 = arith.constant 1 : i32
      %sub3A_1206 = arith.subi %div3A_1185, %sub3A_1205 : i32
      %select_n3A_1207 = arith.select %and3A_1204, %sub3A_1206, %div3A_1185 : i32
      %mul3A_1208 = arith.constant 16 : i32
      %mul3A_1209 = arith.muli %select_n3A_1207, %mul3A_1208 : i32
      %get3A_1210 = arith.index_cast %mul3A_1209 : i32 to index
      %get3A_1211 = tpu.vector_load %arg7[%get3A_1210] {strides = array<i32>} : memref<512xi32, #tpu.memory_space<vmem>>, vector<16xi32>,
      %jit3A_1212 = arith.constant 16 : i32
      %eq3A_1213 = arith.constant 0 : i32
      %eq3A_1214 = arith.cmpi eq, %jit3A_1212, %eq3A_1213 : i32
      %jit3A_1215 = arith.constant 1 : i32
      %select_n3A_1216 = arith.select %eq3A_1214, %jit3A_1215, %jit3A_1212 : i32
      %rem3A_1217 = arith.remsi %add3A_1147, %select_n3A_1216 : i32
      %ne3A_1218 = arith.constant 0 : i32
      %ne3A_1219 = arith.cmpi ne, %rem3A_1217, %ne3A_1218 : i32
      %lt3A_1220 = arith.constant 0 : i32
      %lt3A_1221 = arith.cmpi slt, %rem3A_1217, %lt3A_1220 : i32
      %lt3A_1222 = arith.constant 0 : i32
      %lt3A_1223 = arith.cmpi slt, %select_n3A_1216, %lt3A_1222 : i32
      %ne3A_1224 = arith.xori %lt3A_1221, %lt3A_1223 : i1
      %and3A_1225 = arith.andi %ne3A_1224, %ne3A_1219 : i1
      %add3A_1226 = arith.addi %rem3A_1217, %select_n3A_1216 : i32
      %select_n3A_1227 = arith.select %and3A_1225, %add3A_1226, %rem3A_1217 : i32
      %eq3A_1228 = vector.broadcast %select_n3A_1227 : i32 to vector<16xi32>
      %eq3A_1229 = arith.cmpi eq, %iota3A, %eq3A_1228 : vector<16xi32>
      %select_n3A_1230 = arith.select %eq3A_1229, %get3A_1211, %broadcast_in_dim3A_3 : vector<16xi1>, vector<16xi32>
      %reduce_sum3A_1231 = arith.constant true
      %reduce_sum3A_1232 = vector.broadcast %reduce_sum3A_1231 : i1 to vector<16xi1>
      %reduce_sum3A_1233 = tpu.scan <sum>, %select_n3A_1230 masked %reduce_sum3A_1232 : vector<16xi32>, vector<16xi1> -> vector<16xi32>
      %reduce_sum3A_1234 = vector.extract %reduce_sum3A_1233[15] : i32 from vector<16xi32>
      %jit3A_1235 = arith.constant 128 : i32
      %eq3A_1236 = arith.constant 0 : i32
      %eq3A_1237 = arith.cmpi eq, %jit3A_1235, %eq3A_1236 : i32
      %jit3A_1238 = arith.constant 1 : i32
      %select_n3A_1239 = arith.select %eq3A_1237, %jit3A_1238, %jit3A_1235 : i32
      %rem3A_1240 = arith.remsi %reduce_sum3A_1234, %select_n3A_1239 : i32
      %ne3A_1241 = arith.constant 0 : i32
      %ne3A_1242 = arith.cmpi ne, %rem3A_1240, %ne3A_1241 : i32
      %lt3A_1243 = arith.constant 0 : i32
      %lt3A_1244 = arith.cmpi slt, %rem3A_1240, %lt3A_1243 : i32
      %lt3A_1245 = arith.constant 0 : i32
      %lt3A_1246 = arith.cmpi slt, %select_n3A_1239, %lt3A_1245 : i32
      %ne3A_1247 = arith.xori %lt3A_1244, %lt3A_1246 : i1
      %and3A_1248 = arith.andi %ne3A_1247, %ne3A_1242 : i1
      %add3A_1249 = arith.addi %rem3A_1240, %select_n3A_1239 : i32
      %select_n3A_1250 = arith.select %and3A_1248, %add3A_1249, %rem3A_1240 : i32
      %broadcast_in_dim3A_1251 = vector.broadcast %select_n3A_1250 : i32 to vector<16xi32>
      %jit3A_1252 = arith.constant 16 : i32
      %div3A_1253 = arith.divsi %add3A_1147, %jit3A_1252 : i32
      %sign3A_1254 = arith.constant 0 : i32
      %sign3A_1255 = arith.cmpi sgt, %add3A_1147, %sign3A_1254 : i32
      %sign3A_1256 = arith.extui %sign3A_1255 : i1 to i32
      %sign3A_1257 = arith.constant 0 : i32
      %sign3A_1258 = arith.cmpi slt, %add3A_1147, %sign3A_1257 : i32
      %sign3A_1259 = arith.extui %sign3A_1258 : i1 to i32
      %sign3A_1260 = arith.subi %sign3A_1256, %sign3A_1259 : i32
      %sign3A_1261 = arith.constant 0 : i32
      %sign3A_1262 = arith.cmpi sgt, %jit3A_1252, %sign3A_1261 : i32
      %sign3A_1263 = arith.extui %sign3A_1262 : i1 to i32
      %sign3A_1264 = arith.constant 0 : i32
      %sign3A_1265 = arith.cmpi slt, %jit3A_1252, %sign3A_1264 : i32
      %sign3A_1266 = arith.extui %sign3A_1265 : i1 to i32
      %sign3A_1267 = arith.subi %sign3A_1263, %sign3A_1266 : i32
      %ne3A_1268 = arith.cmpi ne, %sign3A_1260, %sign3A_1267 : i32
      %rem3A_1269 = arith.remsi %add3A_1147, %jit3A_1252 : i32
      %ne3A_1270 = arith.constant 0 : i32
      %ne3A_1271 = arith.cmpi ne, %rem3A_1269, %ne3A_1270 : i32
      %and3A_1272 = arith.andi %ne3A_1268, %ne3A_1271 : i1
      %sub3A_1273 = arith.constant 1 : i32
      %sub3A_1274 = arith.subi %div3A_1253, %sub3A_1273 : i32
      %select_n3A_1275 = arith.select %and3A_1272, %sub3A_1274, %div3A_1253 : i32
      %mul3A_1276 = arith.constant 16 : i32
      %mul3A_1277 = arith.muli %select_n3A_1275, %mul3A_1276 : i32
      %get3A_1278 = arith.index_cast %mul3A_1277 : i32 to index
      %get3A_1279 = tpu.vector_load %arg8[%get3A_1278] {strides = array<i32>} : memref<512xi32, #tpu.memory_space<vmem>>, vector<16xi32>,
      %jit3A_1280 = arith.constant 16 : i32
      %eq3A_1281 = arith.constant 0 : i32
      %eq3A_1282 = arith.cmpi eq, %jit3A_1280, %eq3A_1281 : i32
      %jit3A_1283 = arith.constant 1 : i32
      %select_n3A_1284 = arith.select %eq3A_1282, %jit3A_1283, %jit3A_1280 : i32
      %rem3A_1285 = arith.remsi %add3A_1147, %select_n3A_1284 : i32
      %ne3A_1286 = arith.constant 0 : i32
      %ne3A_1287 = arith.cmpi ne, %rem3A_1285, %ne3A_1286 : i32
      %lt3A_1288 = arith.constant 0 : i32
      %lt3A_1289 = arith.cmpi slt, %rem3A_1285, %lt3A_1288 : i32
      %lt3A_1290 = arith.constant 0 : i32
      %lt3A_1291 = arith.cmpi slt, %select_n3A_1284, %lt3A_1290 : i32
      %ne3A_1292 = arith.xori %lt3A_1289, %lt3A_1291 : i1
      %and3A_1293 = arith.andi %ne3A_1292, %ne3A_1287 : i1
      %add3A_1294 = arith.addi %rem3A_1285, %select_n3A_1284 : i32
      %select_n3A_1295 = arith.select %and3A_1293, %add3A_1294, %rem3A_1285 : i32
      %eq3A_1296 = vector.broadcast %select_n3A_1295 : i32 to vector<16xi32>
      %eq3A_1297 = arith.cmpi eq, %iota3A, %eq3A_1296 : vector<16xi32>
      %select_n3A_1298 = arith.select %eq3A_1297, %get3A_1279, %broadcast_in_dim3A_3 : vector<16xi1>, vector<16xi32>
      %reduce_sum3A_1299 = arith.constant true
      %reduce_sum3A_1300 = vector.broadcast %reduce_sum3A_1299 : i1 to vector<16xi1>
      %reduce_sum3A_1301 = tpu.scan <sum>, %select_n3A_1298 masked %reduce_sum3A_1300 : vector<16xi32>, vector<16xi1> -> vector<16xi32>
      %reduce_sum3A_1302 = vector.extract %reduce_sum3A_1301[15] : i32 from vector<16xi32>
      %jit3A_1303 = arith.constant 128 : i32
      %eq3A_1304 = arith.constant 0 : i32
      %eq3A_1305 = arith.cmpi eq, %jit3A_1303, %eq3A_1304 : i32
      %jit3A_1306 = arith.constant 1 : i32
      %select_n3A_1307 = arith.select %eq3A_1305, %jit3A_1306, %jit3A_1303 : i32
      %rem3A_1308 = arith.remsi %reduce_sum3A_1302, %select_n3A_1307 : i32
      %ne3A_1309 = arith.constant 0 : i32
      %ne3A_1310 = arith.cmpi ne, %rem3A_1308, %ne3A_1309 : i32
      %lt3A_1311 = arith.constant 0 : i32
      %lt3A_1312 = arith.cmpi slt, %rem3A_1308, %lt3A_1311 : i32
      %lt3A_1313 = arith.constant 0 : i32
      %lt3A_1314 = arith.cmpi slt, %select_n3A_1307, %lt3A_1313 : i32
      %ne3A_1315 = arith.xori %lt3A_1312, %lt3A_1314 : i1
      %and3A_1316 = arith.andi %ne3A_1315, %ne3A_1310 : i1
      %add3A_1317 = arith.addi %rem3A_1308, %select_n3A_1307 : i32
      %select_n3A_1318 = arith.select %and3A_1316, %add3A_1317, %rem3A_1308 : i32
      %broadcast_in_dim3A_1319 = vector.broadcast %select_n3A_1318 : i32 to vector<16xi32>
      %add3A_1320 = arith.constant 0 : i32
      %add3A_1321 = vector.broadcast %add3A_1320 : i32 to vector<16xi32>
      %add3A_1322 = arith.addi %add3A_1321, %iota3A : vector<16xi32>
      %gather3A_1323 = arith.constant 2 : i32
      %gather3A_1324 = arith.constant 0 : i32
      %gather3A_1325 = arith.constant 0 : i32
      %gather3A_1326 = tpu.memref_slice %arg9[%gather3A_1323, %gather3A_1324, %gather3A_1325] : memref<4x64x128xf32, #tpu.memory_space<vmem>> -> memref<1x64x128xf32, #tpu.memory_space<vmem>>
      %gather3A_1327 = tpu.memref_squeeze %gather3A_1326 : memref<1x64x128xf32, #tpu.memory_space<vmem>> -> memref<64x128xf32, #tpu.memory_space<vmem>>
      %gather3A_1328 = tpu.vector_load_idx %gather3A_1327[%add3A_1322, %broadcast_in_dim3A_1251] : memref<64x128xf32, #tpu.memory_space<vmem>>[vector<16xi32>, vector<16xi32>], vector<16xf32>,
      %gather3A_1329 = arith.constant 2 : i32
      %gather3A_1330 = arith.constant 0 : i32
      %gather3A_1331 = arith.constant 0 : i32
      %gather3A_1332 = tpu.memref_slice %arg10[%gather3A_1329, %gather3A_1330, %gather3A_1331] : memref<4x64x128xf32, #tpu.memory_space<vmem>> -> memref<1x64x128xf32, #tpu.memory_space<vmem>>
      %gather3A_1333 = tpu.memref_squeeze %gather3A_1332 : memref<1x64x128xf32, #tpu.memory_space<vmem>> -> memref<64x128xf32, #tpu.memory_space<vmem>>
      %gather3A_1334 = tpu.vector_load_idx %gather3A_1333[%add3A_1322, %broadcast_in_dim3A_1319] : memref<64x128xf32, #tpu.memory_space<vmem>>[vector<16xi32>, vector<16xi32>], vector<16xf32>,
      %mul3A_1335 = arith.mulf %gather3A_1328, %gather3A_1334 : vector<16xf32>
      %add3A_1336 = arith.constant 16 : i32
      %add3A_1337 = vector.broadcast %add3A_1336 : i32 to vector<16xi32>
      %add3A_1338 = arith.addi %add3A_1337, %iota3A : vector<16xi32>
      %gather3A_1339 = arith.constant 2 : i32
      %gather3A_1340 = arith.constant 0 : i32
      %gather3A_1341 = arith.constant 0 : i32
      %gather3A_1342 = tpu.memref_slice %arg9[%gather3A_1339, %gather3A_1340, %gather3A_1341] : memref<4x64x128xf32, #tpu.memory_space<vmem>> -> memref<1x64x128xf32, #tpu.memory_space<vmem>>
      %gather3A_1343 = tpu.memref_squeeze %gather3A_1342 : memref<1x64x128xf32, #tpu.memory_space<vmem>> -> memref<64x128xf32, #tpu.memory_space<vmem>>
      %gather3A_1344 = tpu.vector_load_idx %gather3A_1343[%add3A_1338, %broadcast_in_dim3A_1251] : memref<64x128xf32, #tpu.memory_space<vmem>>[vector<16xi32>, vector<16xi32>], vector<16xf32>,
      %gather3A_1345 = arith.constant 2 : i32
      %gather3A_1346 = arith.constant 0 : i32
      %gather3A_1347 = arith.constant 0 : i32
      %gather3A_1348 = tpu.memref_slice %arg10[%gather3A_1345, %gather3A_1346, %gather3A_1347] : memref<4x64x128xf32, #tpu.memory_space<vmem>> -> memref<1x64x128xf32, #tpu.memory_space<vmem>>
      %gather3A_1349 = tpu.memref_squeeze %gather3A_1348 : memref<1x64x128xf32, #tpu.memory_space<vmem>> -> memref<64x128xf32, #tpu.memory_space<vmem>>
      %gather3A_1350 = tpu.vector_load_idx %gather3A_1349[%add3A_1338, %broadcast_in_dim3A_1319] : memref<64x128xf32, #tpu.memory_space<vmem>>[vector<16xi32>, vector<16xi32>], vector<16xf32>,
      %mul3A_1351 = arith.mulf %gather3A_1344, %gather3A_1350 : vector<16xf32>
      %add3A_1352 = arith.addf %mul3A_1335, %mul3A_1351 : vector<16xf32>
      %add3A_1353 = arith.constant 32 : i32
      %add3A_1354 = vector.broadcast %add3A_1353 : i32 to vector<16xi32>
      %add3A_1355 = arith.addi %add3A_1354, %iota3A : vector<16xi32>
      %gather3A_1356 = arith.constant 2 : i32
      %gather3A_1357 = arith.constant 0 : i32
      %gather3A_1358 = arith.constant 0 : i32
      %gather3A_1359 = tpu.memref_slice %arg9[%gather3A_1356, %gather3A_1357, %gather3A_1358] : memref<4x64x128xf32, #tpu.memory_space<vmem>> -> memref<1x64x128xf32, #tpu.memory_space<vmem>>
      %gather3A_1360 = tpu.memref_squeeze %gather3A_1359 : memref<1x64x128xf32, #tpu.memory_space<vmem>> -> memref<64x128xf32, #tpu.memory_space<vmem>>
      %gather3A_1361 = tpu.vector_load_idx %gather3A_1360[%add3A_1355, %broadcast_in_dim3A_1251] : memref<64x128xf32, #tpu.memory_space<vmem>>[vector<16xi32>, vector<16xi32>], vector<16xf32>,
      %gather3A_1362 = arith.constant 2 : i32
      %gather3A_1363 = arith.constant 0 : i32
      %gather3A_1364 = arith.constant 0 : i32
      %gather3A_1365 = tpu.memref_slice %arg10[%gather3A_1362, %gather3A_1363, %gather3A_1364] : memref<4x64x128xf32, #tpu.memory_space<vmem>> -> memref<1x64x128xf32, #tpu.memory_space<vmem>>
      %gather3A_1366 = tpu.memref_squeeze %gather3A_1365 : memref<1x64x128xf32, #tpu.memory_space<vmem>> -> memref<64x128xf32, #tpu.memory_space<vmem>>
      %gather3A_1367 = tpu.vector_load_idx %gather3A_1366[%add3A_1355, %broadcast_in_dim3A_1319] : memref<64x128xf32, #tpu.memory_space<vmem>>[vector<16xi32>, vector<16xi32>], vector<16xf32>,
      %mul3A_1368 = arith.mulf %gather3A_1361, %gather3A_1367 : vector<16xf32>
      %add3A_1369 = arith.addf %add3A_1352, %mul3A_1368 : vector<16xf32>
      %add3A_1370 = arith.constant 48 : i32
      %add3A_1371 = vector.broadcast %add3A_1370 : i32 to vector<16xi32>
      %add3A_1372 = arith.addi %add3A_1371, %iota3A : vector<16xi32>
      %gather3A_1373 = arith.constant 2 : i32
      %gather3A_1374 = arith.constant 0 : i32
      %gather3A_1375 = arith.constant 0 : i32
      %gather3A_1376 = tpu.memref_slice %arg9[%gather3A_1373, %gather3A_1374, %gather3A_1375] : memref<4x64x128xf32, #tpu.memory_space<vmem>> -> memref<1x64x128xf32, #tpu.memory_space<vmem>>
      %gather3A_1377 = tpu.memref_squeeze %gather3A_1376 : memref<1x64x128xf32, #tpu.memory_space<vmem>> -> memref<64x128xf32, #tpu.memory_space<vmem>>
      %gather3A_1378 = tpu.vector_load_idx %gather3A_1377[%add3A_1372, %broadcast_in_dim3A_1251] : memref<64x128xf32, #tpu.memory_space<vmem>>[vector<16xi32>, vector<16xi32>], vector<16xf32>,
      %gather3A_1379 = arith.constant 2 : i32
      %gather3A_1380 = arith.constant 0 : i32
      %gather3A_1381 = arith.constant 0 : i32
      %gather3A_1382 = tpu.memref_slice %arg10[%gather3A_1379, %gather3A_1380, %gather3A_1381] : memref<4x64x128xf32, #tpu.memory_space<vmem>> -> memref<1x64x128xf32, #tpu.memory_space<vmem>>
      %gather3A_1383 = tpu.memref_squeeze %gather3A_1382 : memref<1x64x128xf32, #tpu.memory_space<vmem>> -> memref<64x128xf32, #tpu.memory_space<vmem>>
      %gather3A_1384 = tpu.vector_load_idx %gather3A_1383[%add3A_1372, %broadcast_in_dim3A_1319] : memref<64x128xf32, #tpu.memory_space<vmem>>[vector<16xi32>, vector<16xi32>], vector<16xf32>,
      %mul3A_1385 = arith.mulf %gather3A_1378, %gather3A_1384 : vector<16xf32>
      %add3A_1386 = arith.addf %add3A_1369, %mul3A_1385 : vector<16xf32>
      %reduce_sum3A_1387 = arith.constant true
      %reduce_sum3A_1388 = vector.broadcast %reduce_sum3A_1387 : i1 to vector<16xi1>
      %reduce_sum3A_1389 = tpu.scan <sum>, %add3A_1386 masked %reduce_sum3A_1388 : vector<16xf32>, vector<16xi1> -> vector<16xf32>
      %reduce_sum3A_1390 = vector.extract %reduce_sum3A_1389[15] : f32 from vector<16xf32>
      %broadcast_in_dim3A_1391 = vector.broadcast %reduce_sum3A_1390 : f32 to vector<16xf32>
      %add3A_1392 = arith.constant 4 : i32
      %add3A_1393 = arith.addi %add3A_1147, %add3A_1392 : i32
      %lt3A_1394 = arith.constant 512 : i32
      %lt3A_1395 = arith.cmpi slt, %add3A_1393, %lt3A_1394 : i32
      %convert_element_type3A_1396 = arith.extui %lt3A_1395 : i1 to i32
      %cond3A_1397 = arith.constant 0 : i32
      %cond3A_1398 = arith.cmpi ne, %convert_element_type3A_1396, %cond3A_1397 : i32
      scf.if %cond3A_1398 {
        %jit3A_1752 = arith.constant 16 : i32
        %div3A_1753 = arith.divsi %add3A_1393, %jit3A_1752 : i32
        %sign3A_1754 = arith.constant 0 : i32
        %sign3A_1755 = arith.cmpi sgt, %add3A_1393, %sign3A_1754 : i32
        %sign3A_1756 = arith.extui %sign3A_1755 : i1 to i32
        %sign3A_1757 = arith.constant 0 : i32
        %sign3A_1758 = arith.cmpi slt, %add3A_1393, %sign3A_1757 : i32
        %sign3A_1759 = arith.extui %sign3A_1758 : i1 to i32
        %sign3A_1760 = arith.subi %sign3A_1756, %sign3A_1759 : i32
        %sign3A_1761 = arith.constant 0 : i32
        %sign3A_1762 = arith.cmpi sgt, %jit3A_1752, %sign3A_1761 : i32
        %sign3A_1763 = arith.extui %sign3A_1762 : i1 to i32
        %sign3A_1764 = arith.constant 0 : i32
        %sign3A_1765 = arith.cmpi slt, %jit3A_1752, %sign3A_1764 : i32
        %sign3A_1766 = arith.extui %sign3A_1765 : i1 to i32
        %sign3A_1767 = arith.subi %sign3A_1763, %sign3A_1766 : i32
        %ne3A_1768 = arith.cmpi ne, %sign3A_1760, %sign3A_1767 : i32
        %rem3A_1769 = arith.remsi %add3A_1393, %jit3A_1752 : i32
        %ne3A_1770 = arith.constant 0 : i32
        %ne3A_1771 = arith.cmpi ne, %rem3A_1769, %ne3A_1770 : i32
        %and3A_1772 = arith.andi %ne3A_1768, %ne3A_1771 : i1
        %sub3A_1773 = arith.constant 1 : i32
        %sub3A_1774 = arith.subi %div3A_1753, %sub3A_1773 : i32
        %select_n3A_1775 = arith.select %and3A_1772, %sub3A_1774, %div3A_1753 : i32
        %mul3A_1776 = arith.constant 16 : i32
        %mul3A_1777 = arith.muli %select_n3A_1775, %mul3A_1776 : i32
        %get3A_1778 = arith.index_cast %mul3A_1777 : i32 to index
        %get3A_1779 = tpu.vector_load %arg7[%get3A_1778] {strides = array<i32>} : memref<512xi32, #tpu.memory_space<vmem>>, vector<16xi32>,
        %jit3A_1780 = arith.constant 16 : i32
        %eq3A_1781 = arith.constant 0 : i32
        %eq3A_1782 = arith.cmpi eq, %jit3A_1780, %eq3A_1781 : i32
        %jit3A_1783 = arith.constant 1 : i32
        %select_n3A_1784 = arith.select %eq3A_1782, %jit3A_1783, %jit3A_1780 : i32
        %rem3A_1785 = arith.remsi %add3A_1393, %select_n3A_1784 : i32
        %ne3A_1786 = arith.constant 0 : i32
        %ne3A_1787 = arith.cmpi ne, %rem3A_1785, %ne3A_1786 : i32
        %lt3A_1788 = arith.constant 0 : i32
        %lt3A_1789 = arith.cmpi slt, %rem3A_1785, %lt3A_1788 : i32
        %lt3A_1790 = arith.constant 0 : i32
        %lt3A_1791 = arith.cmpi slt, %select_n3A_1784, %lt3A_1790 : i32
        %ne3A_1792 = arith.xori %lt3A_1789, %lt3A_1791 : i1
        %and3A_1793 = arith.andi %ne3A_1792, %ne3A_1787 : i1
        %add3A_1794 = arith.addi %rem3A_1785, %select_n3A_1784 : i32
        %select_n3A_1795 = arith.select %and3A_1793, %add3A_1794, %rem3A_1785 : i32
        %eq3A_1796 = vector.broadcast %select_n3A_1795 : i32 to vector<16xi32>
        %eq3A_1797 = arith.cmpi eq, %iota3A, %eq3A_1796 : vector<16xi32>
        %select_n3A_1798 = arith.select %eq3A_1797, %get3A_1779, %broadcast_in_dim3A_3 : vector<16xi1>, vector<16xi32>
        %reduce_sum3A_1799 = arith.constant true
        %reduce_sum3A_1800 = vector.broadcast %reduce_sum3A_1799 : i1 to vector<16xi1>
        %reduce_sum3A_1801 = tpu.scan <sum>, %select_n3A_1798 masked %reduce_sum3A_1800 : vector<16xi32>, vector<16xi1> -> vector<16xi32>
        %reduce_sum3A_1802 = vector.extract %reduce_sum3A_1801[15] : i32 from vector<16xi32>
        %jit3A_1803 = arith.constant 128 : i32
        %div3A_1804 = arith.divsi %reduce_sum3A_1802, %jit3A_1803 : i32
        %sign3A_1805 = arith.constant 0 : i32
        %sign3A_1806 = arith.cmpi sgt, %reduce_sum3A_1802, %sign3A_1805 : i32
        %sign3A_1807 = arith.extui %sign3A_1806 : i1 to i32
        %sign3A_1808 = arith.constant 0 : i32
        %sign3A_1809 = arith.cmpi slt, %reduce_sum3A_1802, %sign3A_1808 : i32
        %sign3A_1810 = arith.extui %sign3A_1809 : i1 to i32
        %sign3A_1811 = arith.subi %sign3A_1807, %sign3A_1810 : i32
        %sign3A_1812 = arith.constant 0 : i32
        %sign3A_1813 = arith.cmpi sgt, %jit3A_1803, %sign3A_1812 : i32
        %sign3A_1814 = arith.extui %sign3A_1813 : i1 to i32
        %sign3A_1815 = arith.constant 0 : i32
        %sign3A_1816 = arith.cmpi slt, %jit3A_1803, %sign3A_1815 : i32
        %sign3A_1817 = arith.extui %sign3A_1816 : i1 to i32
        %sign3A_1818 = arith.subi %sign3A_1814, %sign3A_1817 : i32
        %ne3A_1819 = arith.cmpi ne, %sign3A_1811, %sign3A_1818 : i32
        %rem3A_1820 = arith.remsi %reduce_sum3A_1802, %jit3A_1803 : i32
        %ne3A_1821 = arith.constant 0 : i32
        %ne3A_1822 = arith.cmpi ne, %rem3A_1820, %ne3A_1821 : i32
        %and3A_1823 = arith.andi %ne3A_1819, %ne3A_1822 : i1
        %sub3A_1824 = arith.constant 1 : i32
        %sub3A_1825 = arith.subi %div3A_1804, %sub3A_1824 : i32
        %select_n3A_1826 = arith.select %and3A_1823, %sub3A_1825, %div3A_1804 : i32
        %mul3A_1827 = arith.constant 128 : i32
        %mul3A_1828 = arith.muli %select_n3A_1826, %mul3A_1827 : i32
        %jit3A_1829 = arith.constant 16 : i32
        %div3A_1830 = arith.divsi %add3A_1393, %jit3A_1829 : i32
        %sign3A_1831 = arith.constant 0 : i32
        %sign3A_1832 = arith.cmpi sgt, %add3A_1393, %sign3A_1831 : i32
        %sign3A_1833 = arith.extui %sign3A_1832 : i1 to i32
        %sign3A_1834 = arith.constant 0 : i32
        %sign3A_1835 = arith.cmpi slt, %add3A_1393, %sign3A_1834 : i32
        %sign3A_1836 = arith.extui %sign3A_1835 : i1 to i32
        %sign3A_1837 = arith.subi %sign3A_1833, %sign3A_1836 : i32
        %sign3A_1838 = arith.constant 0 : i32
        %sign3A_1839 = arith.cmpi sgt, %jit3A_1829, %sign3A_1838 : i32
        %sign3A_1840 = arith.extui %sign3A_1839 : i1 to i32
        %sign3A_1841 = arith.constant 0 : i32
        %sign3A_1842 = arith.cmpi slt, %jit3A_1829, %sign3A_1841 : i32
        %sign3A_1843 = arith.extui %sign3A_1842 : i1 to i32
        %sign3A_1844 = arith.subi %sign3A_1840, %sign3A_1843 : i32
        %ne3A_1845 = arith.cmpi ne, %sign3A_1837, %sign3A_1844 : i32
        %rem3A_1846 = arith.remsi %add3A_1393, %jit3A_1829 : i32
        %ne3A_1847 = arith.constant 0 : i32
        %ne3A_1848 = arith.cmpi ne, %rem3A_1846, %ne3A_1847 : i32
        %and3A_1849 = arith.andi %ne3A_1845, %ne3A_1848 : i1
        %sub3A_1850 = arith.constant 1 : i32
        %sub3A_1851 = arith.subi %div3A_1830, %sub3A_1850 : i32
        %select_n3A_1852 = arith.select %and3A_1849, %sub3A_1851, %div3A_1830 : i32
        %mul3A_1853 = arith.constant 16 : i32
        %mul3A_1854 = arith.muli %select_n3A_1852, %mul3A_1853 : i32
        %get3A_1855 = arith.index_cast %mul3A_1854 : i32 to index
        %get3A_1856 = tpu.vector_load %arg8[%get3A_1855] {strides = array<i32>} : memref<512xi32, #tpu.memory_space<vmem>>, vector<16xi32>,
        %jit3A_1857 = arith.constant 16 : i32
        %eq3A_1858 = arith.constant 0 : i32
        %eq3A_1859 = arith.cmpi eq, %jit3A_1857, %eq3A_1858 : i32
        %jit3A_1860 = arith.constant 1 : i32
        %select_n3A_1861 = arith.select %eq3A_1859, %jit3A_1860, %jit3A_1857 : i32
        %rem3A_1862 = arith.remsi %add3A_1393, %select_n3A_1861 : i32
        %ne3A_1863 = arith.constant 0 : i32
        %ne3A_1864 = arith.cmpi ne, %rem3A_1862, %ne3A_1863 : i32
        %lt3A_1865 = arith.constant 0 : i32
        %lt3A_1866 = arith.cmpi slt, %rem3A_1862, %lt3A_1865 : i32
        %lt3A_1867 = arith.constant 0 : i32
        %lt3A_1868 = arith.cmpi slt, %select_n3A_1861, %lt3A_1867 : i32
        %ne3A_1869 = arith.xori %lt3A_1866, %lt3A_1868 : i1
        %and3A_1870 = arith.andi %ne3A_1869, %ne3A_1864 : i1
        %add3A_1871 = arith.addi %rem3A_1862, %select_n3A_1861 : i32
        %select_n3A_1872 = arith.select %and3A_1870, %add3A_1871, %rem3A_1862 : i32
        %eq3A_1873 = vector.broadcast %select_n3A_1872 : i32 to vector<16xi32>
        %eq3A_1874 = arith.cmpi eq, %iota3A, %eq3A_1873 : vector<16xi32>
        %select_n3A_1875 = arith.select %eq3A_1874, %get3A_1856, %broadcast_in_dim3A_3 : vector<16xi1>, vector<16xi32>
        %reduce_sum3A_1876 = arith.constant true
        %reduce_sum3A_1877 = vector.broadcast %reduce_sum3A_1876 : i1 to vector<16xi1>
        %reduce_sum3A_1878 = tpu.scan <sum>, %select_n3A_1875 masked %reduce_sum3A_1877 : vector<16xi32>, vector<16xi1> -> vector<16xi32>
        %reduce_sum3A_1879 = vector.extract %reduce_sum3A_1878[15] : i32 from vector<16xi32>
        %jit3A_1880 = arith.constant 128 : i32
        %div3A_1881 = arith.divsi %reduce_sum3A_1879, %jit3A_1880 : i32
        %sign3A_1882 = arith.constant 0 : i32
        %sign3A_1883 = arith.cmpi sgt, %reduce_sum3A_1879, %sign3A_1882 : i32
        %sign3A_1884 = arith.extui %sign3A_1883 : i1 to i32
        %sign3A_1885 = arith.constant 0 : i32
        %sign3A_1886 = arith.cmpi slt, %reduce_sum3A_1879, %sign3A_1885 : i32
        %sign3A_1887 = arith.extui %sign3A_1886 : i1 to i32
        %sign3A_1888 = arith.subi %sign3A_1884, %sign3A_1887 : i32
        %sign3A_1889 = arith.constant 0 : i32
        %sign3A_1890 = arith.cmpi sgt, %jit3A_1880, %sign3A_1889 : i32
        %sign3A_1891 = arith.extui %sign3A_1890 : i1 to i32
        %sign3A_1892 = arith.constant 0 : i32
        %sign3A_1893 = arith.cmpi slt, %jit3A_1880, %sign3A_1892 : i32
        %sign3A_1894 = arith.extui %sign3A_1893 : i1 to i32
        %sign3A_1895 = arith.subi %sign3A_1891, %sign3A_1894 : i32
        %ne3A_1896 = arith.cmpi ne, %sign3A_1888, %sign3A_1895 : i32
        %rem3A_1897 = arith.remsi %reduce_sum3A_1879, %jit3A_1880 : i32
        %ne3A_1898 = arith.constant 0 : i32
        %ne3A_1899 = arith.cmpi ne, %rem3A_1897, %ne3A_1898 : i32
        %and3A_1900 = arith.andi %ne3A_1896, %ne3A_1899 : i1
        %sub3A_1901 = arith.constant 1 : i32
        %sub3A_1902 = arith.subi %div3A_1881, %sub3A_1901 : i32
        %select_n3A_1903 = arith.select %and3A_1900, %sub3A_1902, %div3A_1881 : i32
        %mul3A_1904 = arith.constant 128 : i32
        %mul3A_1905 = arith.muli %select_n3A_1903, %mul3A_1904 : i32
        %dma_start3A_1906 = arith.constant 2 : i32
        %dma_start3A_1907 = arith.constant 2 : i32
        %dma_start3A_1908 = arith.constant 0 : i32
        %dma_start3A_1909 = arith.constant 0 : i32
        %dma_start3A_1910 = tpu.memref_slice %arg9[%dma_start3A_1906, %dma_start3A_1908, %dma_start3A_1909] : memref<4x64x128xf32, #tpu.memory_space<vmem>> -> memref<1x32x128xf32, #tpu.memory_space<vmem>>
        %dma_start3A_1911 = tpu.memref_squeeze %dma_start3A_1910 : memref<1x32x128xf32, #tpu.memory_space<vmem>> -> memref<32x128xf32, #tpu.memory_space<vmem>>
        %dma_start3A_1912 = arith.constant 0 : i32
        %dma_start3A_1913 = tpu.memref_slice %arg4[%dma_start3A_1912, %mul3A_1828] : memref<64x1000000xf32, #tpu.memory_space<hbm>> -> memref<32x128xf32, #tpu.memory_space<hbm>>
        %dma_start3A_1914 = tpu.memref_slice %arg12[%dma_start3A_1907] : memref<4x!tpu.dma_semaphore, #tpu.memory_space<semaphore_mem>> -> memref<1x!tpu.dma_semaphore, #tpu.memory_space<semaphore_mem>>
        %dma_start3A_1915 = tpu.memref_squeeze %dma_start3A_1914 : memref<1x!tpu.dma_semaphore, #tpu.memory_space<semaphore_mem>> -> memref<!tpu.dma_semaphore, #tpu.memory_space<semaphore_mem>>
        %dma_start3A_1916 = arith.constant 0 : i32
        %dma_start3A_1917 = arith.constant 0 : i32
        %dma_start3A_1918 = tpu.memref_slice %arg9[%dma_start3A_1906, %dma_start3A_1916, %dma_start3A_1917] : memref<4x64x128xf32, #tpu.memory_space<vmem>> -> memref<1x32x128xf32, #tpu.memory_space<vmem>>
        %dma_start3A_1919 = tpu.memref_squeeze %dma_start3A_1918 : memref<1x32x128xf32, #tpu.memory_space<vmem>> -> memref<32x128xf32, #tpu.memory_space<vmem>>
        %dma_start3A_1920 = arith.constant 0 : i32
        %dma_start3A_1921 = tpu.memref_slice %arg4[%dma_start3A_1920, %mul3A_1828] : memref<64x1000000xf32, #tpu.memory_space<hbm>> -> memref<32x128xf32, #tpu.memory_space<hbm>>
        tpu.enqueue_dma source(%dma_start3A_1921 : memref<32x128xf32, #tpu.memory_space<hbm>>) target(%dma_start3A_1919 : memref<32x128xf32, #tpu.memory_space<vmem>>) target_semaphore(%dma_start3A_1915 : memref<!tpu.dma_semaphore, #tpu.memory_space<semaphore_mem>>)
        %dma_start3A_1922 = arith.constant 2 : i32
        %dma_start3A_1923 = arith.constant 2 : i32
        %dma_start3A_1924 = arith.constant 32 : i32
        %dma_start3A_1925 = arith.constant 0 : i32
        %dma_start3A_1926 = tpu.memref_slice %arg9[%dma_start3A_1922, %dma_start3A_1924, %dma_start3A_1925] : memref<4x64x128xf32, #tpu.memory_space<vmem>> -> memref<1x32x128xf32, #tpu.memory_space<vmem>>
        %dma_start3A_1927 = tpu.memref_squeeze %dma_start3A_1926 : memref<1x32x128xf32, #tpu.memory_space<vmem>> -> memref<32x128xf32, #tpu.memory_space<vmem>>
        %dma_start3A_1928 = arith.constant 32 : i32
        %dma_start3A_1929 = tpu.memref_slice %arg4[%dma_start3A_1928, %mul3A_1828] : memref<64x1000000xf32, #tpu.memory_space<hbm>> -> memref<32x128xf32, #tpu.memory_space<hbm>>
        %dma_start3A_1930 = tpu.memref_slice %arg12[%dma_start3A_1923] : memref<4x!tpu.dma_semaphore, #tpu.memory_space<semaphore_mem>> -> memref<1x!tpu.dma_semaphore, #tpu.memory_space<semaphore_mem>>
        %dma_start3A_1931 = tpu.memref_squeeze %dma_start3A_1930 : memref<1x!tpu.dma_semaphore, #tpu.memory_space<semaphore_mem>> -> memref<!tpu.dma_semaphore, #tpu.memory_space<semaphore_mem>>
        %dma_start3A_1932 = arith.constant 32 : i32
        %dma_start3A_1933 = arith.constant 0 : i32
        %dma_start3A_1934 = tpu.memref_slice %arg9[%dma_start3A_1922, %dma_start3A_1932, %dma_start3A_1933] : memref<4x64x128xf32, #tpu.memory_space<vmem>> -> memref<1x32x128xf32, #tpu.memory_space<vmem>>
        %dma_start3A_1935 = tpu.memref_squeeze %dma_start3A_1934 : memref<1x32x128xf32, #tpu.memory_space<vmem>> -> memref<32x128xf32, #tpu.memory_space<vmem>>
        %dma_start3A_1936 = arith.constant 32 : i32
        %dma_start3A_1937 = tpu.memref_slice %arg4[%dma_start3A_1936, %mul3A_1828] : memref<64x1000000xf32, #tpu.memory_space<hbm>> -> memref<32x128xf32, #tpu.memory_space<hbm>>
        tpu.enqueue_dma source(%dma_start3A_1937 : memref<32x128xf32, #tpu.memory_space<hbm>>) target(%dma_start3A_1935 : memref<32x128xf32, #tpu.memory_space<vmem>>) target_semaphore(%dma_start3A_1931 : memref<!tpu.dma_semaphore, #tpu.memory_space<semaphore_mem>>)
        %dma_start3A_1938 = arith.constant 2 : i32
        %dma_start3A_1939 = arith.constant 2 : i32
        %dma_start3A_1940 = arith.constant 0 : i32
        %dma_start3A_1941 = arith.constant 0 : i32
        %dma_start3A_1942 = tpu.memref_slice %arg10[%dma_start3A_1938, %dma_start3A_1940, %dma_start3A_1941] : memref<4x64x128xf32, #tpu.memory_space<vmem>> -> memref<1x32x128xf32, #tpu.memory_space<vmem>>
        %dma_start3A_1943 = tpu.memref_squeeze %dma_start3A_1942 : memref<1x32x128xf32, #tpu.memory_space<vmem>> -> memref<32x128xf32, #tpu.memory_space<vmem>>
        %dma_start3A_1944 = arith.constant 0 : i32
        %dma_start3A_1945 = tpu.memref_slice %arg5[%dma_start3A_1944, %mul3A_1905] : memref<64x1000000xf32, #tpu.memory_space<hbm>> -> memref<32x128xf32, #tpu.memory_space<hbm>>
        %dma_start3A_1946 = tpu.memref_slice %arg13[%dma_start3A_1939] : memref<4x!tpu.dma_semaphore, #tpu.memory_space<semaphore_mem>> -> memref<1x!tpu.dma_semaphore, #tpu.memory_space<semaphore_mem>>
        %dma_start3A_1947 = tpu.memref_squeeze %dma_start3A_1946 : memref<1x!tpu.dma_semaphore, #tpu.memory_space<semaphore_mem>> -> memref<!tpu.dma_semaphore, #tpu.memory_space<semaphore_mem>>
        %dma_start3A_1948 = arith.constant 0 : i32
        %dma_start3A_1949 = arith.constant 0 : i32
        %dma_start3A_1950 = tpu.memref_slice %arg10[%dma_start3A_1938, %dma_start3A_1948, %dma_start3A_1949] : memref<4x64x128xf32, #tpu.memory_space<vmem>> -> memref<1x32x128xf32, #tpu.memory_space<vmem>>
        %dma_start3A_1951 = tpu.memref_squeeze %dma_start3A_1950 : memref<1x32x128xf32, #tpu.memory_space<vmem>> -> memref<32x128xf32, #tpu.memory_space<vmem>>
        %dma_start3A_1952 = arith.constant 0 : i32
        %dma_start3A_1953 = tpu.memref_slice %arg5[%dma_start3A_1952, %mul3A_1905] : memref<64x1000000xf32, #tpu.memory_space<hbm>> -> memref<32x128xf32, #tpu.memory_space<hbm>>
        tpu.enqueue_dma source(%dma_start3A_1953 : memref<32x128xf32, #tpu.memory_space<hbm>>) target(%dma_start3A_1951 : memref<32x128xf32, #tpu.memory_space<vmem>>) target_semaphore(%dma_start3A_1947 : memref<!tpu.dma_semaphore, #tpu.memory_space<semaphore_mem>>)
        %dma_start3A_1954 = arith.constant 2 : i32
        %dma_start3A_1955 = arith.constant 2 : i32
        %dma_start3A_1956 = arith.constant 32 : i32
        %dma_start3A_1957 = arith.constant 0 : i32
        %dma_start3A_1958 = tpu.memref_slice %arg10[%dma_start3A_1954, %dma_start3A_1956, %dma_start3A_1957] : memref<4x64x128xf32, #tpu.memory_space<vmem>> -> memref<1x32x128xf32, #tpu.memory_space<vmem>>
        %dma_start3A_1959 = tpu.memref_squeeze %dma_start3A_1958 : memref<1x32x128xf32, #tpu.memory_space<vmem>> -> memref<32x128xf32, #tpu.memory_space<vmem>>
        %dma_start3A_1960 = arith.constant 32 : i32
        %dma_start3A_1961 = tpu.memref_slice %arg5[%dma_start3A_1960, %mul3A_1905] : memref<64x1000000xf32, #tpu.memory_space<hbm>> -> memref<32x128xf32, #tpu.memory_space<hbm>>
        %dma_start3A_1962 = tpu.memref_slice %arg13[%dma_start3A_1955] : memref<4x!tpu.dma_semaphore, #tpu.memory_space<semaphore_mem>> -> memref<1x!tpu.dma_semaphore, #tpu.memory_space<semaphore_mem>>
        %dma_start3A_1963 = tpu.memref_squeeze %dma_start3A_1962 : memref<1x!tpu.dma_semaphore, #tpu.memory_space<semaphore_mem>> -> memref<!tpu.dma_semaphore, #tpu.memory_space<semaphore_mem>>
        %dma_start3A_1964 = arith.constant 32 : i32
        %dma_start3A_1965 = arith.constant 0 : i32
        %dma_start3A_1966 = tpu.memref_slice %arg10[%dma_start3A_1954, %dma_start3A_1964, %dma_start3A_1965] : memref<4x64x128xf32, #tpu.memory_space<vmem>> -> memref<1x32x128xf32, #tpu.memory_space<vmem>>
        %dma_start3A_1967 = tpu.memref_squeeze %dma_start3A_1966 : memref<1x32x128xf32, #tpu.memory_space<vmem>> -> memref<32x128xf32, #tpu.memory_space<vmem>>
        %dma_start3A_1968 = arith.constant 32 : i32
        %dma_start3A_1969 = tpu.memref_slice %arg5[%dma_start3A_1968, %mul3A_1905] : memref<64x1000000xf32, #tpu.memory_space<hbm>> -> memref<32x128xf32, #tpu.memory_space<hbm>>
        tpu.enqueue_dma source(%dma_start3A_1969 : memref<32x128xf32, #tpu.memory_space<hbm>>) target(%dma_start3A_1967 : memref<32x128xf32, #tpu.memory_space<vmem>>) target_semaphore(%dma_start3A_1963 : memref<!tpu.dma_semaphore, #tpu.memory_space<semaphore_mem>>)
      } else {
      }
      %jit3A_1399 = arith.constant 16 : i32
      %div3A_1400 = arith.divsi %add3A_1147, %jit3A_1399 : i32
      %sign3A_1401 = arith.constant 0 : i32
      %sign3A_1402 = arith.cmpi sgt, %add3A_1147, %sign3A_1401 : i32
      %sign3A_1403 = arith.extui %sign3A_1402 : i1 to i32
      %sign3A_1404 = arith.constant 0 : i32
      %sign3A_1405 = arith.cmpi slt, %add3A_1147, %sign3A_1404 : i32
      %sign3A_1406 = arith.extui %sign3A_1405 : i1 to i32
      %sign3A_1407 = arith.subi %sign3A_1403, %sign3A_1406 : i32
      %sign3A_1408 = arith.constant 0 : i32
      %sign3A_1409 = arith.cmpi sgt, %jit3A_1399, %sign3A_1408 : i32
      %sign3A_1410 = arith.extui %sign3A_1409 : i1 to i32
      %sign3A_1411 = arith.constant 0 : i32
      %sign3A_1412 = arith.cmpi slt, %jit3A_1399, %sign3A_1411 : i32
      %sign3A_1413 = arith.extui %sign3A_1412 : i1 to i32
      %sign3A_1414 = arith.subi %sign3A_1410, %sign3A_1413 : i32
      %ne3A_1415 = arith.cmpi ne, %sign3A_1407, %sign3A_1414 : i32
      %rem3A_1416 = arith.remsi %add3A_1147, %jit3A_1399 : i32
      %ne3A_1417 = arith.constant 0 : i32
      %ne3A_1418 = arith.cmpi ne, %rem3A_1416, %ne3A_1417 : i32
      %and3A_1419 = arith.andi %ne3A_1415, %ne3A_1418 : i1
      %sub3A_1420 = arith.constant 1 : i32
      %sub3A_1421 = arith.subi %div3A_1400, %sub3A_1420 : i32
      %select_n3A_1422 = arith.select %and3A_1419, %sub3A_1421, %div3A_1400 : i32
      %mul3A_1423 = arith.constant 16 : i32
      %mul3A_1424 = arith.muli %select_n3A_1422, %mul3A_1423 : i32
      %get3A_1425 = arith.index_cast %mul3A_1424 : i32 to index
      %get3A_1426 = tpu.vector_load %arg11[%get3A_1425] {strides = array<i32>} : memref<512xf32, #tpu.memory_space<vmem>>, vector<16xf32>,
      %jit3A_1427 = arith.constant 16 : i32
      %eq3A_1428 = arith.constant 0 : i32
      %eq3A_1429 = arith.cmpi eq, %jit3A_1427, %eq3A_1428 : i32
      %jit3A_1430 = arith.constant 1 : i32
      %select_n3A_1431 = arith.select %eq3A_1429, %jit3A_1430, %jit3A_1427 : i32
      %rem3A_1432 = arith.remsi %add3A_1147, %select_n3A_1431 : i32
      %ne3A_1433 = arith.constant 0 : i32
      %ne3A_1434 = arith.cmpi ne, %rem3A_1432, %ne3A_1433 : i32
      %lt3A_1435 = arith.constant 0 : i32
      %lt3A_1436 = arith.cmpi slt, %rem3A_1432, %lt3A_1435 : i32
      %lt3A_1437 = arith.constant 0 : i32
      %lt3A_1438 = arith.cmpi slt, %select_n3A_1431, %lt3A_1437 : i32
      %ne3A_1439 = arith.xori %lt3A_1436, %lt3A_1438 : i1
      %and3A_1440 = arith.andi %ne3A_1439, %ne3A_1434 : i1
      %add3A_1441 = arith.addi %rem3A_1432, %select_n3A_1431 : i32
      %select_n3A_1442 = arith.select %and3A_1440, %add3A_1441, %rem3A_1432 : i32
      %eq3A_1443 = vector.broadcast %select_n3A_1442 : i32 to vector<16xi32>
      %eq3A_1444 = arith.cmpi eq, %iota3A, %eq3A_1443 : vector<16xi32>
      %select_n3A_1445 = arith.select %eq3A_1444, %broadcast_in_dim3A_1391, %get3A_1426 : vector<16xi1>, vector<16xf32>
      %swap3A_1446 = arith.index_cast %mul3A_1424 : i32 to index
      %swap3A_1447 = tpu.vector_load %arg11[%swap3A_1446] {strides = array<i32>} : memref<512xf32, #tpu.memory_space<vmem>>, vector<16xf32>,
      tpu.vector_store %arg11[%swap3A_1446], %select_n3A_1445 {strides = array<i32>} : memref<512xf32, #tpu.memory_space<vmem>>, vector<16xf32>,
      %mul3A_1448 = arith.constant 4 : i32
      %mul3A_1449 = arith.muli %scan3A_541, %mul3A_1448 : i32
      %add3A_1450 = arith.constant 3 : i32
      %add3A_1451 = arith.addi %mul3A_1449, %add3A_1450 : i32
      %dma_wait3A_1452 = arith.constant 3 : i32
      %dma_wait3A_1453 = arith.constant 3 : i32
      %dma_wait3A_1454 = arith.constant 0 : i32
      %dma_wait3A_1455 = arith.constant 0 : i32
      %dma_wait3A_1456 = tpu.memref_slice %arg9[%dma_wait3A_1452, %dma_wait3A_1454, %dma_wait3A_1455] : memref<4x64x128xf32, #tpu.memory_space<vmem>> -> memref<1x64x128xf32, #tpu.memory_space<vmem>>
      %dma_wait3A_1457 = tpu.memref_squeeze %dma_wait3A_1456 : memref<1x64x128xf32, #tpu.memory_space<vmem>> -> memref<64x128xf32, #tpu.memory_space<vmem>>
      %dma_wait3A_1458 = arith.constant 0 : i32
      %dma_wait3A_1459 = arith.constant 0 : i32
      %dma_wait3A_1460 = tpu.memref_slice %arg4[%dma_wait3A_1458, %dma_wait3A_1459] : memref<64x1000000xf32, #tpu.memory_space<hbm>> -> memref<64x128xf32, #tpu.memory_space<hbm>>
      %dma_wait3A_1461 = tpu.memref_slice %arg12[%dma_wait3A_1453] : memref<4x!tpu.dma_semaphore, #tpu.memory_space<semaphore_mem>> -> memref<1x!tpu.dma_semaphore, #tpu.memory_space<semaphore_mem>>
      %dma_wait3A_1462 = tpu.memref_squeeze %dma_wait3A_1461 : memref<1x!tpu.dma_semaphore, #tpu.memory_space<semaphore_mem>> -> memref<!tpu.dma_semaphore, #tpu.memory_space<semaphore_mem>>
      %dma_wait3A_1463 = arith.constant 0 : i32
      %dma_wait3A_1464 = arith.constant 0 : i32
      %dma_wait3A_1465 = tpu.memref_slice %arg9[%dma_wait3A_1452, %dma_wait3A_1463, %dma_wait3A_1464] : memref<4x64x128xf32, #tpu.memory_space<vmem>> -> memref<1x64x128xf32, #tpu.memory_space<vmem>>
      %dma_wait3A_1466 = tpu.memref_squeeze %dma_wait3A_1465 : memref<1x64x128xf32, #tpu.memory_space<vmem>> -> memref<64x128xf32, #tpu.memory_space<vmem>>
      %dma_wait3A_1467 = arith.constant 0 : i32
      %dma_wait3A_1468 = arith.constant 0 : i32
      %dma_wait3A_1469 = tpu.memref_slice %arg4[%dma_wait3A_1467, %dma_wait3A_1468] : memref<64x1000000xf32, #tpu.memory_space<hbm>> -> memref<64x128xf32, #tpu.memory_space<hbm>>
      tpu.wait_dma2 semaphore(%dma_wait3A_1462 : memref<!tpu.dma_semaphore, #tpu.memory_space<semaphore_mem>>) src(%dma_wait3A_1469 : memref<64x128xf32, #tpu.memory_space<hbm>>) dst(%dma_wait3A_1466 : memref<64x128xf32, #tpu.memory_space<vmem>>)
      %dma_wait3A_1470 = arith.constant 3 : i32
      %dma_wait3A_1471 = arith.constant 3 : i32
      %dma_wait3A_1472 = arith.constant 0 : i32
      %dma_wait3A_1473 = arith.constant 0 : i32
      %dma_wait3A_1474 = tpu.memref_slice %arg10[%dma_wait3A_1470, %dma_wait3A_1472, %dma_wait3A_1473] : memref<4x64x128xf32, #tpu.memory_space<vmem>> -> memref<1x64x128xf32, #tpu.memory_space<vmem>>
      %dma_wait3A_1475 = tpu.memref_squeeze %dma_wait3A_1474 : memref<1x64x128xf32, #tpu.memory_space<vmem>> -> memref<64x128xf32, #tpu.memory_space<vmem>>
      %dma_wait3A_1476 = arith.constant 0 : i32
      %dma_wait3A_1477 = arith.constant 0 : i32
      %dma_wait3A_1478 = tpu.memref_slice %arg5[%dma_wait3A_1476, %dma_wait3A_1477] : memref<64x1000000xf32, #tpu.memory_space<hbm>> -> memref<64x128xf32, #tpu.memory_space<hbm>>
      %dma_wait3A_1479 = tpu.memref_slice %arg13[%dma_wait3A_1471] : memref<4x!tpu.dma_semaphore, #tpu.memory_space<semaphore_mem>> -> memref<1x!tpu.dma_semaphore, #tpu.memory_space<semaphore_mem>>
      %dma_wait3A_1480 = tpu.memref_squeeze %dma_wait3A_1479 : memref<1x!tpu.dma_semaphore, #tpu.memory_space<semaphore_mem>> -> memref<!tpu.dma_semaphore, #tpu.memory_space<semaphore_mem>>
      %dma_wait3A_1481 = arith.constant 0 : i32
      %dma_wait3A_1482 = arith.constant 0 : i32
      %dma_wait3A_1483 = tpu.memref_slice %arg10[%dma_wait3A_1470, %dma_wait3A_1481, %dma_wait3A_1482] : memref<4x64x128xf32, #tpu.memory_space<vmem>> -> memref<1x64x128xf32, #tpu.memory_space<vmem>>
      %dma_wait3A_1484 = tpu.memref_squeeze %dma_wait3A_1483 : memref<1x64x128xf32, #tpu.memory_space<vmem>> -> memref<64x128xf32, #tpu.memory_space<vmem>>
      %dma_wait3A_1485 = arith.constant 0 : i32
      %dma_wait3A_1486 = arith.constant 0 : i32
      %dma_wait3A_1487 = tpu.memref_slice %arg5[%dma_wait3A_1485, %dma_wait3A_1486] : memref<64x1000000xf32, #tpu.memory_space<hbm>> -> memref<64x128xf32, #tpu.memory_space<hbm>>
      tpu.wait_dma2 semaphore(%dma_wait3A_1480 : memref<!tpu.dma_semaphore, #tpu.memory_space<semaphore_mem>>) src(%dma_wait3A_1487 : memref<64x128xf32, #tpu.memory_space<hbm>>) dst(%dma_wait3A_1484 : memref<64x128xf32, #tpu.memory_space<vmem>>)
      %jit3A_1488 = arith.constant 16 : i32
      %div3A_1489 = arith.divsi %add3A_1451, %jit3A_1488 : i32
      %sign3A_1490 = arith.constant 0 : i32
      %sign3A_1491 = arith.cmpi sgt, %add3A_1451, %sign3A_1490 : i32
      %sign3A_1492 = arith.extui %sign3A_1491 : i1 to i32
      %sign3A_1493 = arith.constant 0 : i32
      %sign3A_1494 = arith.cmpi slt, %add3A_1451, %sign3A_1493 : i32
      %sign3A_1495 = arith.extui %sign3A_1494 : i1 to i32
      %sign3A_1496 = arith.subi %sign3A_1492, %sign3A_1495 : i32
      %sign3A_1497 = arith.constant 0 : i32
      %sign3A_1498 = arith.cmpi sgt, %jit3A_1488, %sign3A_1497 : i32
      %sign3A_1499 = arith.extui %sign3A_1498 : i1 to i32
      %sign3A_1500 = arith.constant 0 : i32
      %sign3A_1501 = arith.cmpi slt, %jit3A_1488, %sign3A_1500 : i32
      %sign3A_1502 = arith.extui %sign3A_1501 : i1 to i32
      %sign3A_1503 = arith.subi %sign3A_1499, %sign3A_1502 : i32
      %ne3A_1504 = arith.cmpi ne, %sign3A_1496, %sign3A_1503 : i32
      %rem3A_1505 = arith.remsi %add3A_1451, %jit3A_1488 : i32
      %ne3A_1506 = arith.constant 0 : i32
      %ne3A_1507 = arith.cmpi ne, %rem3A_1505, %ne3A_1506 : i32
      %and3A_1508 = arith.andi %ne3A_1504, %ne3A_1507 : i1
      %sub3A_1509 = arith.constant 1 : i32
      %sub3A_1510 = arith.subi %div3A_1489, %sub3A_1509 : i32
      %select_n3A_1511 = arith.select %and3A_1508, %sub3A_1510, %div3A_1489 : i32
      %mul3A_1512 = arith.constant 16 : i32
      %mul3A_1513 = arith.muli %select_n3A_1511, %mul3A_1512 : i32
      %get3A_1514 = arith.index_cast %mul3A_1513 : i32 to index
      %get3A_1515 = tpu.vector_load %arg7[%get3A_1514] {strides = array<i32>} : memref<512xi32, #tpu.memory_space<vmem>>, vector<16xi32>,
      %jit3A_1516 = arith.constant 16 : i32
      %eq3A_1517 = arith.constant 0 : i32
      %eq3A_1518 = arith.cmpi eq, %jit3A_1516, %eq3A_1517 : i32
      %jit3A_1519 = arith.constant 1 : i32
      %select_n3A_1520 = arith.select %eq3A_1518, %jit3A_1519, %jit3A_1516 : i32
      %rem3A_1521 = arith.remsi %add3A_1451, %select_n3A_1520 : i32
      %ne3A_1522 = arith.constant 0 : i32
      %ne3A_1523 = arith.cmpi ne, %rem3A_1521, %ne3A_1522 : i32
      %lt3A_1524 = arith.constant 0 : i32
      %lt3A_1525 = arith.cmpi slt, %rem3A_1521, %lt3A_1524 : i32
      %lt3A_1526 = arith.constant 0 : i32
      %lt3A_1527 = arith.cmpi slt, %select_n3A_1520, %lt3A_1526 : i32
      %ne3A_1528 = arith.xori %lt3A_1525, %lt3A_1527 : i1
      %and3A_1529 = arith.andi %ne3A_1528, %ne3A_1523 : i1
      %add3A_1530 = arith.addi %rem3A_1521, %select_n3A_1520 : i32
      %select_n3A_1531 = arith.select %and3A_1529, %add3A_1530, %rem3A_1521 : i32
      %eq3A_1532 = vector.broadcast %select_n3A_1531 : i32 to vector<16xi32>
      %eq3A_1533 = arith.cmpi eq, %iota3A, %eq3A_1532 : vector<16xi32>
      %select_n3A_1534 = arith.select %eq3A_1533, %get3A_1515, %broadcast_in_dim3A_3 : vector<16xi1>, vector<16xi32>
      %reduce_sum3A_1535 = arith.constant true
      %reduce_sum3A_1536 = vector.broadcast %reduce_sum3A_1535 : i1 to vector<16xi1>
      %reduce_sum3A_1537 = tpu.scan <sum>, %select_n3A_1534 masked %reduce_sum3A_1536 : vector<16xi32>, vector<16xi1> -> vector<16xi32>
      %reduce_sum3A_1538 = vector.extract %reduce_sum3A_1537[15] : i32 from vector<16xi32>
      %jit3A_1539 = arith.constant 128 : i32
      %eq3A_1540 = arith.constant 0 : i32
      %eq3A_1541 = arith.cmpi eq, %jit3A_1539, %eq3A_1540 : i32
      %jit3A_1542 = arith.constant 1 : i32
      %select_n3A_1543 = arith.select %eq3A_1541, %jit3A_1542, %jit3A_1539 : i32
      %rem3A_1544 = arith.remsi %reduce_sum3A_1538, %select_n3A_1543 : i32
      %ne3A_1545 = arith.constant 0 : i32
      %ne3A_1546 = arith.cmpi ne, %rem3A_1544, %ne3A_1545 : i32
      %lt3A_1547 = arith.constant 0 : i32
      %lt3A_1548 = arith.cmpi slt, %rem3A_1544, %lt3A_1547 : i32
      %lt3A_1549 = arith.constant 0 : i32
      %lt3A_1550 = arith.cmpi slt, %select_n3A_1543, %lt3A_1549 : i32
      %ne3A_1551 = arith.xori %lt3A_1548, %lt3A_1550 : i1
      %and3A_1552 = arith.andi %ne3A_1551, %ne3A_1546 : i1
      %add3A_1553 = arith.addi %rem3A_1544, %select_n3A_1543 : i32
      %select_n3A_1554 = arith.select %and3A_1552, %add3A_1553, %rem3A_1544 : i32
      %broadcast_in_dim3A_1555 = vector.broadcast %select_n3A_1554 : i32 to vector<16xi32>
      %jit3A_1556 = arith.constant 16 : i32
      %div3A_1557 = arith.divsi %add3A_1451, %jit3A_1556 : i32
      %sign3A_1558 = arith.constant 0 : i32
      %sign3A_1559 = arith.cmpi sgt, %add3A_1451, %sign3A_1558 : i32
      %sign3A_1560 = arith.extui %sign3A_1559 : i1 to i32
      %sign3A_1561 = arith.constant 0 : i32
      %sign3A_1562 = arith.cmpi slt, %add3A_1451, %sign3A_1561 : i32
      %sign3A_1563 = arith.extui %sign3A_1562 : i1 to i32
      %sign3A_1564 = arith.subi %sign3A_1560, %sign3A_1563 : i32
      %sign3A_1565 = arith.constant 0 : i32
      %sign3A_1566 = arith.cmpi sgt, %jit3A_1556, %sign3A_1565 : i32
      %sign3A_1567 = arith.extui %sign3A_1566 : i1 to i32
      %sign3A_1568 = arith.constant 0 : i32
      %sign3A_1569 = arith.cmpi slt, %jit3A_1556, %sign3A_1568 : i32
      %sign3A_1570 = arith.extui %sign3A_1569 : i1 to i32
      %sign3A_1571 = arith.subi %sign3A_1567, %sign3A_1570 : i32
      %ne3A_1572 = arith.cmpi ne, %sign3A_1564, %sign3A_1571 : i32
      %rem3A_1573 = arith.remsi %add3A_1451, %jit3A_1556 : i32
      %ne3A_1574 = arith.constant 0 : i32
      %ne3A_1575 = arith.cmpi ne, %rem3A_1573, %ne3A_1574 : i32
      %and3A_1576 = arith.andi %ne3A_1572, %ne3A_1575 : i1
      %sub3A_1577 = arith.constant 1 : i32
      %sub3A_1578 = arith.subi %div3A_1557, %sub3A_1577 : i32
      %select_n3A_1579 = arith.select %and3A_1576, %sub3A_1578, %div3A_1557 : i32
      %mul3A_1580 = arith.constant 16 : i32
      %mul3A_1581 = arith.muli %select_n3A_1579, %mul3A_1580 : i32
      %get3A_1582 = arith.index_cast %mul3A_1581 : i32 to index
      %get3A_1583 = tpu.vector_load %arg8[%get3A_1582] {strides = array<i32>} : memref<512xi32, #tpu.memory_space<vmem>>, vector<16xi32>,
      %jit3A_1584 = arith.constant 16 : i32
      %eq3A_1585 = arith.constant 0 : i32
      %eq3A_1586 = arith.cmpi eq, %jit3A_1584, %eq3A_1585 : i32
      %jit3A_1587 = arith.constant 1 : i32
      %select_n3A_1588 = arith.select %eq3A_1586, %jit3A_1587, %jit3A_1584 : i32
      %rem3A_1589 = arith.remsi %add3A_1451, %select_n3A_1588 : i32
      %ne3A_1590 = arith.constant 0 : i32
      %ne3A_1591 = arith.cmpi ne, %rem3A_1589, %ne3A_1590 : i32
      %lt3A_1592 = arith.constant 0 : i32
      %lt3A_1593 = arith.cmpi slt, %rem3A_1589, %lt3A_1592 : i32
      %lt3A_1594 = arith.constant 0 : i32
      %lt3A_1595 = arith.cmpi slt, %select_n3A_1588, %lt3A_1594 : i32
      %ne3A_1596 = arith.xori %lt3A_1593, %lt3A_1595 : i1
      %and3A_1597 = arith.andi %ne3A_1596, %ne3A_1591 : i1
      %add3A_1598 = arith.addi %rem3A_1589, %select_n3A_1588 : i32
      %select_n3A_1599 = arith.select %and3A_1597, %add3A_1598, %rem3A_1589 : i32
      %eq3A_1600 = vector.broadcast %select_n3A_1599 : i32 to vector<16xi32>
      %eq3A_1601 = arith.cmpi eq, %iota3A, %eq3A_1600 : vector<16xi32>
      %select_n3A_1602 = arith.select %eq3A_1601, %get3A_1583, %broadcast_in_dim3A_3 : vector<16xi1>, vector<16xi32>
      %reduce_sum3A_1603 = arith.constant true
      %reduce_sum3A_1604 = vector.broadcast %reduce_sum3A_1603 : i1 to vector<16xi1>
      %reduce_sum3A_1605 = tpu.scan <sum>, %select_n3A_1602 masked %reduce_sum3A_1604 : vector<16xi32>, vector<16xi1> -> vector<16xi32>
      %reduce_sum3A_1606 = vector.extract %reduce_sum3A_1605[15] : i32 from vector<16xi32>
      %jit3A_1607 = arith.constant 128 : i32
      %eq3A_1608 = arith.constant 0 : i32
      %eq3A_1609 = arith.cmpi eq, %jit3A_1607, %eq3A_1608 : i32
      %jit3A_1610 = arith.constant 1 : i32
      %select_n3A_1611 = arith.select %eq3A_1609, %jit3A_1610, %jit3A_1607 : i32
      %rem3A_1612 = arith.remsi %reduce_sum3A_1606, %select_n3A_1611 : i32
      %ne3A_1613 = arith.constant 0 : i32
      %ne3A_1614 = arith.cmpi ne, %rem3A_1612, %ne3A_1613 : i32
      %lt3A_1615 = arith.constant 0 : i32
      %lt3A_1616 = arith.cmpi slt, %rem3A_1612, %lt3A_1615 : i32
      %lt3A_1617 = arith.constant 0 : i32
      %lt3A_1618 = arith.cmpi slt, %select_n3A_1611, %lt3A_1617 : i32
      %ne3A_1619 = arith.xori %lt3A_1616, %lt3A_1618 : i1
      %and3A_1620 = arith.andi %ne3A_1619, %ne3A_1614 : i1
      %add3A_1621 = arith.addi %rem3A_1612, %select_n3A_1611 : i32
      %select_n3A_1622 = arith.select %and3A_1620, %add3A_1621, %rem3A_1612 : i32
      %broadcast_in_dim3A_1623 = vector.broadcast %select_n3A_1622 : i32 to vector<16xi32>
      %add3A_1624 = arith.constant 0 : i32
      %add3A_1625 = vector.broadcast %add3A_1624 : i32 to vector<16xi32>
      %add3A_1626 = arith.addi %add3A_1625, %iota3A : vector<16xi32>
      %gather3A_1627 = arith.constant 3 : i32
      %gather3A_1628 = arith.constant 0 : i32
      %gather3A_1629 = arith.constant 0 : i32
      %gather3A_1630 = tpu.memref_slice %arg9[%gather3A_1627, %gather3A_1628, %gather3A_1629] : memref<4x64x128xf32, #tpu.memory_space<vmem>> -> memref<1x64x128xf32, #tpu.memory_space<vmem>>
      %gather3A_1631 = tpu.memref_squeeze %gather3A_1630 : memref<1x64x128xf32, #tpu.memory_space<vmem>> -> memref<64x128xf32, #tpu.memory_space<vmem>>
      %gather3A_1632 = tpu.vector_load_idx %gather3A_1631[%add3A_1626, %broadcast_in_dim3A_1555] : memref<64x128xf32, #tpu.memory_space<vmem>>[vector<16xi32>, vector<16xi32>], vector<16xf32>,
      %gather3A_1633 = arith.constant 3 : i32
      %gather3A_1634 = arith.constant 0 : i32
      %gather3A_1635 = arith.constant 0 : i32
      %gather3A_1636 = tpu.memref_slice %arg10[%gather3A_1633, %gather3A_1634, %gather3A_1635] : memref<4x64x128xf32, #tpu.memory_space<vmem>> -> memref<1x64x128xf32, #tpu.memory_space<vmem>>
      %gather3A_1637 = tpu.memref_squeeze %gather3A_1636 : memref<1x64x128xf32, #tpu.memory_space<vmem>> -> memref<64x128xf32, #tpu.memory_space<vmem>>
      %gather3A_1638 = tpu.vector_load_idx %gather3A_1637[%add3A_1626, %broadcast_in_dim3A_1623] : memref<64x128xf32, #tpu.memory_space<vmem>>[vector<16xi32>, vector<16xi32>], vector<16xf32>,
      %mul3A_1639 = arith.mulf %gather3A_1632, %gather3A_1638 : vector<16xf32>
      %add3A_1640 = arith.constant 16 : i32
      %add3A_1641 = vector.broadcast %add3A_1640 : i32 to vector<16xi32>
      %add3A_1642 = arith.addi %add3A_1641, %iota3A : vector<16xi32>
      %gather3A_1643 = arith.constant 3 : i32
      %gather3A_1644 = arith.constant 0 : i32
      %gather3A_1645 = arith.constant 0 : i32
      %gather3A_1646 = tpu.memref_slice %arg9[%gather3A_1643, %gather3A_1644, %gather3A_1645] : memref<4x64x128xf32, #tpu.memory_space<vmem>> -> memref<1x64x128xf32, #tpu.memory_space<vmem>>
      %gather3A_1647 = tpu.memref_squeeze %gather3A_1646 : memref<1x64x128xf32, #tpu.memory_space<vmem>> -> memref<64x128xf32, #tpu.memory_space<vmem>>
      %gather3A_1648 = tpu.vector_load_idx %gather3A_1647[%add3A_1642, %broadcast_in_dim3A_1555] : memref<64x128xf32, #tpu.memory_space<vmem>>[vector<16xi32>, vector<16xi32>], vector<16xf32>,
      %gather3A_1649 = arith.constant 3 : i32
      %gather3A_1650 = arith.constant 0 : i32
      %gather3A_1651 = arith.constant 0 : i32
      %gather3A_1652 = tpu.memref_slice %arg10[%gather3A_1649, %gather3A_1650, %gather3A_1651] : memref<4x64x128xf32, #tpu.memory_space<vmem>> -> memref<1x64x128xf32, #tpu.memory_space<vmem>>
      %gather3A_1653 = tpu.memref_squeeze %gather3A_1652 : memref<1x64x128xf32, #tpu.memory_space<vmem>> -> memref<64x128xf32, #tpu.memory_space<vmem>>
      %gather3A_1654 = tpu.vector_load_idx %gather3A_1653[%add3A_1642, %broadcast_in_dim3A_1623] : memref<64x128xf32, #tpu.memory_space<vmem>>[vector<16xi32>, vector<16xi32>], vector<16xf32>,
      %mul3A_1655 = arith.mulf %gather3A_1648, %gather3A_1654 : vector<16xf32>
      %add3A_1656 = arith.addf %mul3A_1639, %mul3A_1655 : vector<16xf32>
      %add3A_1657 = arith.constant 32 : i32
      %add3A_1658 = vector.broadcast %add3A_1657 : i32 to vector<16xi32>
      %add3A_1659 = arith.addi %add3A_1658, %iota3A : vector<16xi32>
      %gather3A_1660 = arith.constant 3 : i32
      %gather3A_1661 = arith.constant 0 : i32
      %gather3A_1662 = arith.constant 0 : i32
      %gather3A_1663 = tpu.memref_slice %arg9[%gather3A_1660, %gather3A_1661, %gather3A_1662] : memref<4x64x128xf32, #tpu.memory_space<vmem>> -> memref<1x64x128xf32, #tpu.memory_space<vmem>>
      %gather3A_1664 = tpu.memref_squeeze %gather3A_1663 : memref<1x64x128xf32, #tpu.memory_space<vmem>> -> memref<64x128xf32, #tpu.memory_space<vmem>>
      %gather3A_1665 = tpu.vector_load_idx %gather3A_1664[%add3A_1659, %broadcast_in_dim3A_1555] : memref<64x128xf32, #tpu.memory_space<vmem>>[vector<16xi32>, vector<16xi32>], vector<16xf32>,
      %gather3A_1666 = arith.constant 3 : i32
      %gather3A_1667 = arith.constant 0 : i32
      %gather3A_1668 = arith.constant 0 : i32
      %gather3A_1669 = tpu.memref_slice %arg10[%gather3A_1666, %gather3A_1667, %gather3A_1668] : memref<4x64x128xf32, #tpu.memory_space<vmem>> -> memref<1x64x128xf32, #tpu.memory_space<vmem>>
      %gather3A_1670 = tpu.memref_squeeze %gather3A_1669 : memref<1x64x128xf32, #tpu.memory_space<vmem>> -> memref<64x128xf32, #tpu.memory_space<vmem>>
      %gather3A_1671 = tpu.vector_load_idx %gather3A_1670[%add3A_1659, %broadcast_in_dim3A_1623] : memref<64x128xf32, #tpu.memory_space<vmem>>[vector<16xi32>, vector<16xi32>], vector<16xf32>,
      %mul3A_1672 = arith.mulf %gather3A_1665, %gather3A_1671 : vector<16xf32>
      %add3A_1673 = arith.addf %add3A_1656, %mul3A_1672 : vector<16xf32>
      %add3A_1674 = arith.constant 48 : i32
      %add3A_1675 = vector.broadcast %add3A_1674 : i32 to vector<16xi32>
      %add3A_1676 = arith.addi %add3A_1675, %iota3A : vector<16xi32>
      %gather3A_1677 = arith.constant 3 : i32
      %gather3A_1678 = arith.constant 0 : i32
      %gather3A_1679 = arith.constant 0 : i32
      %gather3A_1680 = tpu.memref_slice %arg9[%gather3A_1677, %gather3A_1678, %gather3A_1679] : memref<4x64x128xf32, #tpu.memory_space<vmem>> -> memref<1x64x128xf32, #tpu.memory_space<vmem>>
      %gather3A_1681 = tpu.memref_squeeze %gather3A_1680 : memref<1x64x128xf32, #tpu.memory_space<vmem>> -> memref<64x128xf32, #tpu.memory_space<vmem>>
      %gather3A_1682 = tpu.vector_load_idx %gather3A_1681[%add3A_1676, %broadcast_in_dim3A_1555] : memref<64x128xf32, #tpu.memory_space<vmem>>[vector<16xi32>, vector<16xi32>], vector<16xf32>,
      %gather3A_1683 = arith.constant 3 : i32
      %gather3A_1684 = arith.constant 0 : i32
      %gather3A_1685 = arith.constant 0 : i32
      %gather3A_1686 = tpu.memref_slice %arg10[%gather3A_1683, %gather3A_1684, %gather3A_1685] : memref<4x64x128xf32, #tpu.memory_space<vmem>> -> memref<1x64x128xf32, #tpu.memory_space<vmem>>
      %gather3A_1687 = tpu.memref_squeeze %gather3A_1686 : memref<1x64x128xf32, #tpu.memory_space<vmem>> -> memref<64x128xf32, #tpu.memory_space<vmem>>
      %gather3A_1688 = tpu.vector_load_idx %gather3A_1687[%add3A_1676, %broadcast_in_dim3A_1623] : memref<64x128xf32, #tpu.memory_space<vmem>>[vector<16xi32>, vector<16xi32>], vector<16xf32>,
      %mul3A_1689 = arith.mulf %gather3A_1682, %gather3A_1688 : vector<16xf32>
      %add3A_1690 = arith.addf %add3A_1673, %mul3A_1689 : vector<16xf32>
      %reduce_sum3A_1691 = arith.constant true
      %reduce_sum3A_1692 = vector.broadcast %reduce_sum3A_1691 : i1 to vector<16xi1>
      %reduce_sum3A_1693 = tpu.scan <sum>, %add3A_1690 masked %reduce_sum3A_1692 : vector<16xf32>, vector<16xi1> -> vector<16xf32>
      %reduce_sum3A_1694 = vector.extract %reduce_sum3A_1693[15] : f32 from vector<16xf32>
      %broadcast_in_dim3A_1695 = vector.broadcast %reduce_sum3A_1694 : f32 to vector<16xf32>
      %add3A_1696 = arith.constant 4 : i32
      %add3A_1697 = arith.addi %add3A_1451, %add3A_1696 : i32
      %lt3A_1698 = arith.constant 512 : i32
      %lt3A_1699 = arith.cmpi slt, %add3A_1697, %lt3A_1698 : i32
      %convert_element_type3A_1700 = arith.extui %lt3A_1699 : i1 to i32
      %cond3A_1701 = arith.constant 0 : i32
      %cond3A_1702 = arith.cmpi ne, %convert_element_type3A_1700, %cond3A_1701 : i32
      scf.if %cond3A_1702 {
        %jit3A_1752 = arith.constant 16 : i32
        %div3A_1753 = arith.divsi %add3A_1697, %jit3A_1752 : i32
        %sign3A_1754 = arith.constant 0 : i32
        %sign3A_1755 = arith.cmpi sgt, %add3A_1697, %sign3A_1754 : i32
        %sign3A_1756 = arith.extui %sign3A_1755 : i1 to i32
        %sign3A_1757 = arith.constant 0 : i32
        %sign3A_1758 = arith.cmpi slt, %add3A_1697, %sign3A_1757 : i32
        %sign3A_1759 = arith.extui %sign3A_1758 : i1 to i32
        %sign3A_1760 = arith.subi %sign3A_1756, %sign3A_1759 : i32
        %sign3A_1761 = arith.constant 0 : i32
        %sign3A_1762 = arith.cmpi sgt, %jit3A_1752, %sign3A_1761 : i32
        %sign3A_1763 = arith.extui %sign3A_1762 : i1 to i32
        %sign3A_1764 = arith.constant 0 : i32
        %sign3A_1765 = arith.cmpi slt, %jit3A_1752, %sign3A_1764 : i32
        %sign3A_1766 = arith.extui %sign3A_1765 : i1 to i32
        %sign3A_1767 = arith.subi %sign3A_1763, %sign3A_1766 : i32
        %ne3A_1768 = arith.cmpi ne, %sign3A_1760, %sign3A_1767 : i32
        %rem3A_1769 = arith.remsi %add3A_1697, %jit3A_1752 : i32
        %ne3A_1770 = arith.constant 0 : i32
        %ne3A_1771 = arith.cmpi ne, %rem3A_1769, %ne3A_1770 : i32
        %and3A_1772 = arith.andi %ne3A_1768, %ne3A_1771 : i1
        %sub3A_1773 = arith.constant 1 : i32
        %sub3A_1774 = arith.subi %div3A_1753, %sub3A_1773 : i32
        %select_n3A_1775 = arith.select %and3A_1772, %sub3A_1774, %div3A_1753 : i32
        %mul3A_1776 = arith.constant 16 : i32
        %mul3A_1777 = arith.muli %select_n3A_1775, %mul3A_1776 : i32
        %get3A_1778 = arith.index_cast %mul3A_1777 : i32 to index
        %get3A_1779 = tpu.vector_load %arg7[%get3A_1778] {strides = array<i32>} : memref<512xi32, #tpu.memory_space<vmem>>, vector<16xi32>,
        %jit3A_1780 = arith.constant 16 : i32
        %eq3A_1781 = arith.constant 0 : i32
        %eq3A_1782 = arith.cmpi eq, %jit3A_1780, %eq3A_1781 : i32
        %jit3A_1783 = arith.constant 1 : i32
        %select_n3A_1784 = arith.select %eq3A_1782, %jit3A_1783, %jit3A_1780 : i32
        %rem3A_1785 = arith.remsi %add3A_1697, %select_n3A_1784 : i32
        %ne3A_1786 = arith.constant 0 : i32
        %ne3A_1787 = arith.cmpi ne, %rem3A_1785, %ne3A_1786 : i32
        %lt3A_1788 = arith.constant 0 : i32
        %lt3A_1789 = arith.cmpi slt, %rem3A_1785, %lt3A_1788 : i32
        %lt3A_1790 = arith.constant 0 : i32
        %lt3A_1791 = arith.cmpi slt, %select_n3A_1784, %lt3A_1790 : i32
        %ne3A_1792 = arith.xori %lt3A_1789, %lt3A_1791 : i1
        %and3A_1793 = arith.andi %ne3A_1792, %ne3A_1787 : i1
        %add3A_1794 = arith.addi %rem3A_1785, %select_n3A_1784 : i32
        %select_n3A_1795 = arith.select %and3A_1793, %add3A_1794, %rem3A_1785 : i32
        %eq3A_1796 = vector.broadcast %select_n3A_1795 : i32 to vector<16xi32>
        %eq3A_1797 = arith.cmpi eq, %iota3A, %eq3A_1796 : vector<16xi32>
        %select_n3A_1798 = arith.select %eq3A_1797, %get3A_1779, %broadcast_in_dim3A_3 : vector<16xi1>, vector<16xi32>
        %reduce_sum3A_1799 = arith.constant true
        %reduce_sum3A_1800 = vector.broadcast %reduce_sum3A_1799 : i1 to vector<16xi1>
        %reduce_sum3A_1801 = tpu.scan <sum>, %select_n3A_1798 masked %reduce_sum3A_1800 : vector<16xi32>, vector<16xi1> -> vector<16xi32>
        %reduce_sum3A_1802 = vector.extract %reduce_sum3A_1801[15] : i32 from vector<16xi32>
        %jit3A_1803 = arith.constant 128 : i32
        %div3A_1804 = arith.divsi %reduce_sum3A_1802, %jit3A_1803 : i32
        %sign3A_1805 = arith.constant 0 : i32
        %sign3A_1806 = arith.cmpi sgt, %reduce_sum3A_1802, %sign3A_1805 : i32
        %sign3A_1807 = arith.extui %sign3A_1806 : i1 to i32
        %sign3A_1808 = arith.constant 0 : i32
        %sign3A_1809 = arith.cmpi slt, %reduce_sum3A_1802, %sign3A_1808 : i32
        %sign3A_1810 = arith.extui %sign3A_1809 : i1 to i32
        %sign3A_1811 = arith.subi %sign3A_1807, %sign3A_1810 : i32
        %sign3A_1812 = arith.constant 0 : i32
        %sign3A_1813 = arith.cmpi sgt, %jit3A_1803, %sign3A_1812 : i32
        %sign3A_1814 = arith.extui %sign3A_1813 : i1 to i32
        %sign3A_1815 = arith.constant 0 : i32
        %sign3A_1816 = arith.cmpi slt, %jit3A_1803, %sign3A_1815 : i32
        %sign3A_1817 = arith.extui %sign3A_1816 : i1 to i32
        %sign3A_1818 = arith.subi %sign3A_1814, %sign3A_1817 : i32
        %ne3A_1819 = arith.cmpi ne, %sign3A_1811, %sign3A_1818 : i32
        %rem3A_1820 = arith.remsi %reduce_sum3A_1802, %jit3A_1803 : i32
        %ne3A_1821 = arith.constant 0 : i32
        %ne3A_1822 = arith.cmpi ne, %rem3A_1820, %ne3A_1821 : i32
        %and3A_1823 = arith.andi %ne3A_1819, %ne3A_1822 : i1
        %sub3A_1824 = arith.constant 1 : i32
        %sub3A_1825 = arith.subi %div3A_1804, %sub3A_1824 : i32
        %select_n3A_1826 = arith.select %and3A_1823, %sub3A_1825, %div3A_1804 : i32
        %mul3A_1827 = arith.constant 128 : i32
        %mul3A_1828 = arith.muli %select_n3A_1826, %mul3A_1827 : i32
        %jit3A_1829 = arith.constant 16 : i32
        %div3A_1830 = arith.divsi %add3A_1697, %jit3A_1829 : i32
        %sign3A_1831 = arith.constant 0 : i32
        %sign3A_1832 = arith.cmpi sgt, %add3A_1697, %sign3A_1831 : i32
        %sign3A_1833 = arith.extui %sign3A_1832 : i1 to i32
        %sign3A_1834 = arith.constant 0 : i32
        %sign3A_1835 = arith.cmpi slt, %add3A_1697, %sign3A_1834 : i32
        %sign3A_1836 = arith.extui %sign3A_1835 : i1 to i32
        %sign3A_1837 = arith.subi %sign3A_1833, %sign3A_1836 : i32
        %sign3A_1838 = arith.constant 0 : i32
        %sign3A_1839 = arith.cmpi sgt, %jit3A_1829, %sign3A_1838 : i32
        %sign3A_1840 = arith.extui %sign3A_1839 : i1 to i32
        %sign3A_1841 = arith.constant 0 : i32
        %sign3A_1842 = arith.cmpi slt, %jit3A_1829, %sign3A_1841 : i32
        %sign3A_1843 = arith.extui %sign3A_1842 : i1 to i32
        %sign3A_1844 = arith.subi %sign3A_1840, %sign3A_1843 : i32
        %ne3A_1845 = arith.cmpi ne, %sign3A_1837, %sign3A_1844 : i32
        %rem3A_1846 = arith.remsi %add3A_1697, %jit3A_1829 : i32
        %ne3A_1847 = arith.constant 0 : i32
        %ne3A_1848 = arith.cmpi ne, %rem3A_1846, %ne3A_1847 : i32
        %and3A_1849 = arith.andi %ne3A_1845, %ne3A_1848 : i1
        %sub3A_1850 = arith.constant 1 : i32
        %sub3A_1851 = arith.subi %div3A_1830, %sub3A_1850 : i32
        %select_n3A_1852 = arith.select %and3A_1849, %sub3A_1851, %div3A_1830 : i32
        %mul3A_1853 = arith.constant 16 : i32
        %mul3A_1854 = arith.muli %select_n3A_1852, %mul3A_1853 : i32
        %get3A_1855 = arith.index_cast %mul3A_1854 : i32 to index
        %get3A_1856 = tpu.vector_load %arg8[%get3A_1855] {strides = array<i32>} : memref<512xi32, #tpu.memory_space<vmem>>, vector<16xi32>,
        %jit3A_1857 = arith.constant 16 : i32
        %eq3A_1858 = arith.constant 0 : i32
        %eq3A_1859 = arith.cmpi eq, %jit3A_1857, %eq3A_1858 : i32
        %jit3A_1860 = arith.constant 1 : i32
        %select_n3A_1861 = arith.select %eq3A_1859, %jit3A_1860, %jit3A_1857 : i32
        %rem3A_1862 = arith.remsi %add3A_1697, %select_n3A_1861 : i32
        %ne3A_1863 = arith.constant 0 : i32
        %ne3A_1864 = arith.cmpi ne, %rem3A_1862, %ne3A_1863 : i32
        %lt3A_1865 = arith.constant 0 : i32
        %lt3A_1866 = arith.cmpi slt, %rem3A_1862, %lt3A_1865 : i32
        %lt3A_1867 = arith.constant 0 : i32
        %lt3A_1868 = arith.cmpi slt, %select_n3A_1861, %lt3A_1867 : i32
        %ne3A_1869 = arith.xori %lt3A_1866, %lt3A_1868 : i1
        %and3A_1870 = arith.andi %ne3A_1869, %ne3A_1864 : i1
        %add3A_1871 = arith.addi %rem3A_1862, %select_n3A_1861 : i32
        %select_n3A_1872 = arith.select %and3A_1870, %add3A_1871, %rem3A_1862 : i32
        %eq3A_1873 = vector.broadcast %select_n3A_1872 : i32 to vector<16xi32>
        %eq3A_1874 = arith.cmpi eq, %iota3A, %eq3A_1873 : vector<16xi32>
        %select_n3A_1875 = arith.select %eq3A_1874, %get3A_1856, %broadcast_in_dim3A_3 : vector<16xi1>, vector<16xi32>
        %reduce_sum3A_1876 = arith.constant true
        %reduce_sum3A_1877 = vector.broadcast %reduce_sum3A_1876 : i1 to vector<16xi1>
        %reduce_sum3A_1878 = tpu.scan <sum>, %select_n3A_1875 masked %reduce_sum3A_1877 : vector<16xi32>, vector<16xi1> -> vector<16xi32>
        %reduce_sum3A_1879 = vector.extract %reduce_sum3A_1878[15] : i32 from vector<16xi32>
        %jit3A_1880 = arith.constant 128 : i32
        %div3A_1881 = arith.divsi %reduce_sum3A_1879, %jit3A_1880 : i32
        %sign3A_1882 = arith.constant 0 : i32
        %sign3A_1883 = arith.cmpi sgt, %reduce_sum3A_1879, %sign3A_1882 : i32
        %sign3A_1884 = arith.extui %sign3A_1883 : i1 to i32
        %sign3A_1885 = arith.constant 0 : i32
        %sign3A_1886 = arith.cmpi slt, %reduce_sum3A_1879, %sign3A_1885 : i32
        %sign3A_1887 = arith.extui %sign3A_1886 : i1 to i32
        %sign3A_1888 = arith.subi %sign3A_1884, %sign3A_1887 : i32
        %sign3A_1889 = arith.constant 0 : i32
        %sign3A_1890 = arith.cmpi sgt, %jit3A_1880, %sign3A_1889 : i32
        %sign3A_1891 = arith.extui %sign3A_1890 : i1 to i32
        %sign3A_1892 = arith.constant 0 : i32
        %sign3A_1893 = arith.cmpi slt, %jit3A_1880, %sign3A_1892 : i32
        %sign3A_1894 = arith.extui %sign3A_1893 : i1 to i32
        %sign3A_1895 = arith.subi %sign3A_1891, %sign3A_1894 : i32
        %ne3A_1896 = arith.cmpi ne, %sign3A_1888, %sign3A_1895 : i32
        %rem3A_1897 = arith.remsi %reduce_sum3A_1879, %jit3A_1880 : i32
        %ne3A_1898 = arith.constant 0 : i32
        %ne3A_1899 = arith.cmpi ne, %rem3A_1897, %ne3A_1898 : i32
        %and3A_1900 = arith.andi %ne3A_1896, %ne3A_1899 : i1
        %sub3A_1901 = arith.constant 1 : i32
        %sub3A_1902 = arith.subi %div3A_1881, %sub3A_1901 : i32
        %select_n3A_1903 = arith.select %and3A_1900, %sub3A_1902, %div3A_1881 : i32
        %mul3A_1904 = arith.constant 128 : i32
        %mul3A_1905 = arith.muli %select_n3A_1903, %mul3A_1904 : i32
        %dma_start3A_1906 = arith.constant 3 : i32
        %dma_start3A_1907 = arith.constant 3 : i32
        %dma_start3A_1908 = arith.constant 0 : i32
        %dma_start3A_1909 = arith.constant 0 : i32
        %dma_start3A_1910 = tpu.memref_slice %arg9[%dma_start3A_1906, %dma_start3A_1908, %dma_start3A_1909] : memref<4x64x128xf32, #tpu.memory_space<vmem>> -> memref<1x32x128xf32, #tpu.memory_space<vmem>>
        %dma_start3A_1911 = tpu.memref_squeeze %dma_start3A_1910 : memref<1x32x128xf32, #tpu.memory_space<vmem>> -> memref<32x128xf32, #tpu.memory_space<vmem>>
        %dma_start3A_1912 = arith.constant 0 : i32
        %dma_start3A_1913 = tpu.memref_slice %arg4[%dma_start3A_1912, %mul3A_1828] : memref<64x1000000xf32, #tpu.memory_space<hbm>> -> memref<32x128xf32, #tpu.memory_space<hbm>>
        %dma_start3A_1914 = tpu.memref_slice %arg12[%dma_start3A_1907] : memref<4x!tpu.dma_semaphore, #tpu.memory_space<semaphore_mem>> -> memref<1x!tpu.dma_semaphore, #tpu.memory_space<semaphore_mem>>
        %dma_start3A_1915 = tpu.memref_squeeze %dma_start3A_1914 : memref<1x!tpu.dma_semaphore, #tpu.memory_space<semaphore_mem>> -> memref<!tpu.dma_semaphore, #tpu.memory_space<semaphore_mem>>
        %dma_start3A_1916 = arith.constant 0 : i32
        %dma_start3A_1917 = arith.constant 0 : i32
        %dma_start3A_1918 = tpu.memref_slice %arg9[%dma_start3A_1906, %dma_start3A_1916, %dma_start3A_1917] : memref<4x64x128xf32, #tpu.memory_space<vmem>> -> memref<1x32x128xf32, #tpu.memory_space<vmem>>
        %dma_start3A_1919 = tpu.memref_squeeze %dma_start3A_1918 : memref<1x32x128xf32, #tpu.memory_space<vmem>> -> memref<32x128xf32, #tpu.memory_space<vmem>>
        %dma_start3A_1920 = arith.constant 0 : i32
        %dma_start3A_1921 = tpu.memref_slice %arg4[%dma_start3A_1920, %mul3A_1828] : memref<64x1000000xf32, #tpu.memory_space<hbm>> -> memref<32x128xf32, #tpu.memory_space<hbm>>
        tpu.enqueue_dma source(%dma_start3A_1921 : memref<32x128xf32, #tpu.memory_space<hbm>>) target(%dma_start3A_1919 : memref<32x128xf32, #tpu.memory_space<vmem>>) target_semaphore(%dma_start3A_1915 : memref<!tpu.dma_semaphore, #tpu.memory_space<semaphore_mem>>)
        %dma_start3A_1922 = arith.constant 3 : i32
        %dma_start3A_1923 = arith.constant 3 : i32
        %dma_start3A_1924 = arith.constant 32 : i32
        %dma_start3A_1925 = arith.constant 0 : i32
        %dma_start3A_1926 = tpu.memref_slice %arg9[%dma_start3A_1922, %dma_start3A_1924, %dma_start3A_1925] : memref<4x64x128xf32, #tpu.memory_space<vmem>> -> memref<1x32x128xf32, #tpu.memory_space<vmem>>
        %dma_start3A_1927 = tpu.memref_squeeze %dma_start3A_1926 : memref<1x32x128xf32, #tpu.memory_space<vmem>> -> memref<32x128xf32, #tpu.memory_space<vmem>>
        %dma_start3A_1928 = arith.constant 32 : i32
        %dma_start3A_1929 = tpu.memref_slice %arg4[%dma_start3A_1928, %mul3A_1828] : memref<64x1000000xf32, #tpu.memory_space<hbm>> -> memref<32x128xf32, #tpu.memory_space<hbm>>
        %dma_start3A_1930 = tpu.memref_slice %arg12[%dma_start3A_1923] : memref<4x!tpu.dma_semaphore, #tpu.memory_space<semaphore_mem>> -> memref<1x!tpu.dma_semaphore, #tpu.memory_space<semaphore_mem>>
        %dma_start3A_1931 = tpu.memref_squeeze %dma_start3A_1930 : memref<1x!tpu.dma_semaphore, #tpu.memory_space<semaphore_mem>> -> memref<!tpu.dma_semaphore, #tpu.memory_space<semaphore_mem>>
        %dma_start3A_1932 = arith.constant 32 : i32
        %dma_start3A_1933 = arith.constant 0 : i32
        %dma_start3A_1934 = tpu.memref_slice %arg9[%dma_start3A_1922, %dma_start3A_1932, %dma_start3A_1933] : memref<4x64x128xf32, #tpu.memory_space<vmem>> -> memref<1x32x128xf32, #tpu.memory_space<vmem>>
        %dma_start3A_1935 = tpu.memref_squeeze %dma_start3A_1934 : memref<1x32x128xf32, #tpu.memory_space<vmem>> -> memref<32x128xf32, #tpu.memory_space<vmem>>
        %dma_start3A_1936 = arith.constant 32 : i32
        %dma_start3A_1937 = tpu.memref_slice %arg4[%dma_start3A_1936, %mul3A_1828] : memref<64x1000000xf32, #tpu.memory_space<hbm>> -> memref<32x128xf32, #tpu.memory_space<hbm>>
        tpu.enqueue_dma source(%dma_start3A_1937 : memref<32x128xf32, #tpu.memory_space<hbm>>) target(%dma_start3A_1935 : memref<32x128xf32, #tpu.memory_space<vmem>>) target_semaphore(%dma_start3A_1931 : memref<!tpu.dma_semaphore, #tpu.memory_space<semaphore_mem>>)
        %dma_start3A_1938 = arith.constant 3 : i32
        %dma_start3A_1939 = arith.constant 3 : i32
        %dma_start3A_1940 = arith.constant 0 : i32
        %dma_start3A_1941 = arith.constant 0 : i32
        %dma_start3A_1942 = tpu.memref_slice %arg10[%dma_start3A_1938, %dma_start3A_1940, %dma_start3A_1941] : memref<4x64x128xf32, #tpu.memory_space<vmem>> -> memref<1x32x128xf32, #tpu.memory_space<vmem>>
        %dma_start3A_1943 = tpu.memref_squeeze %dma_start3A_1942 : memref<1x32x128xf32, #tpu.memory_space<vmem>> -> memref<32x128xf32, #tpu.memory_space<vmem>>
        %dma_start3A_1944 = arith.constant 0 : i32
        %dma_start3A_1945 = tpu.memref_slice %arg5[%dma_start3A_1944, %mul3A_1905] : memref<64x1000000xf32, #tpu.memory_space<hbm>> -> memref<32x128xf32, #tpu.memory_space<hbm>>
        %dma_start3A_1946 = tpu.memref_slice %arg13[%dma_start3A_1939] : memref<4x!tpu.dma_semaphore, #tpu.memory_space<semaphore_mem>> -> memref<1x!tpu.dma_semaphore, #tpu.memory_space<semaphore_mem>>
        %dma_start3A_1947 = tpu.memref_squeeze %dma_start3A_1946 : memref<1x!tpu.dma_semaphore, #tpu.memory_space<semaphore_mem>> -> memref<!tpu.dma_semaphore, #tpu.memory_space<semaphore_mem>>
        %dma_start3A_1948 = arith.constant 0 : i32
        %dma_start3A_1949 = arith.constant 0 : i32
        %dma_start3A_1950 = tpu.memref_slice %arg10[%dma_start3A_1938, %dma_start3A_1948, %dma_start3A_1949] : memref<4x64x128xf32, #tpu.memory_space<vmem>> -> memref<1x32x128xf32, #tpu.memory_space<vmem>>
        %dma_start3A_1951 = tpu.memref_squeeze %dma_start3A_1950 : memref<1x32x128xf32, #tpu.memory_space<vmem>> -> memref<32x128xf32, #tpu.memory_space<vmem>>
        %dma_start3A_1952 = arith.constant 0 : i32
        %dma_start3A_1953 = tpu.memref_slice %arg5[%dma_start3A_1952, %mul3A_1905] : memref<64x1000000xf32, #tpu.memory_space<hbm>> -> memref<32x128xf32, #tpu.memory_space<hbm>>
        tpu.enqueue_dma source(%dma_start3A_1953 : memref<32x128xf32, #tpu.memory_space<hbm>>) target(%dma_start3A_1951 : memref<32x128xf32, #tpu.memory_space<vmem>>) target_semaphore(%dma_start3A_1947 : memref<!tpu.dma_semaphore, #tpu.memory_space<semaphore_mem>>)
        %dma_start3A_1954 = arith.constant 3 : i32
        %dma_start3A_1955 = arith.constant 3 : i32
        %dma_start3A_1956 = arith.constant 32 : i32
        %dma_start3A_1957 = arith.constant 0 : i32
        %dma_start3A_1958 = tpu.memref_slice %arg10[%dma_start3A_1954, %dma_start3A_1956, %dma_start3A_1957] : memref<4x64x128xf32, #tpu.memory_space<vmem>> -> memref<1x32x128xf32, #tpu.memory_space<vmem>>
        %dma_start3A_1959 = tpu.memref_squeeze %dma_start3A_1958 : memref<1x32x128xf32, #tpu.memory_space<vmem>> -> memref<32x128xf32, #tpu.memory_space<vmem>>
        %dma_start3A_1960 = arith.constant 32 : i32
        %dma_start3A_1961 = tpu.memref_slice %arg5[%dma_start3A_1960, %mul3A_1905] : memref<64x1000000xf32, #tpu.memory_space<hbm>> -> memref<32x128xf32, #tpu.memory_space<hbm>>
        %dma_start3A_1962 = tpu.memref_slice %arg13[%dma_start3A_1955] : memref<4x!tpu.dma_semaphore, #tpu.memory_space<semaphore_mem>> -> memref<1x!tpu.dma_semaphore, #tpu.memory_space<semaphore_mem>>
        %dma_start3A_1963 = tpu.memref_squeeze %dma_start3A_1962 : memref<1x!tpu.dma_semaphore, #tpu.memory_space<semaphore_mem>> -> memref<!tpu.dma_semaphore, #tpu.memory_space<semaphore_mem>>
        %dma_start3A_1964 = arith.constant 32 : i32
        %dma_start3A_1965 = arith.constant 0 : i32
        %dma_start3A_1966 = tpu.memref_slice %arg10[%dma_start3A_1954, %dma_start3A_1964, %dma_start3A_1965] : memref<4x64x128xf32, #tpu.memory_space<vmem>> -> memref<1x32x128xf32, #tpu.memory_space<vmem>>
        %dma_start3A_1967 = tpu.memref_squeeze %dma_start3A_1966 : memref<1x32x128xf32, #tpu.memory_space<vmem>> -> memref<32x128xf32, #tpu.memory_space<vmem>>
        %dma_start3A_1968 = arith.constant 32 : i32
        %dma_start3A_1969 = tpu.memref_slice %arg5[%dma_start3A_1968, %mul3A_1905] : memref<64x1000000xf32, #tpu.memory_space<hbm>> -> memref<32x128xf32, #tpu.memory_space<hbm>>
        tpu.enqueue_dma source(%dma_start3A_1969 : memref<32x128xf32, #tpu.memory_space<hbm>>) target(%dma_start3A_1967 : memref<32x128xf32, #tpu.memory_space<vmem>>) target_semaphore(%dma_start3A_1963 : memref<!tpu.dma_semaphore, #tpu.memory_space<semaphore_mem>>)
      } else {
      }
      %jit3A_1703 = arith.constant 16 : i32
      %div3A_1704 = arith.divsi %add3A_1451, %jit3A_1703 : i32
      %sign3A_1705 = arith.constant 0 : i32
      %sign3A_1706 = arith.cmpi sgt, %add3A_1451, %sign3A_1705 : i32
      %sign3A_1707 = arith.extui %sign3A_1706 : i1 to i32
      %sign3A_1708 = arith.constant 0 : i32
      %sign3A_1709 = arith.cmpi slt, %add3A_1451, %sign3A_1708 : i32
      %sign3A_1710 = arith.extui %sign3A_1709 : i1 to i32
      %sign3A_1711 = arith.subi %sign3A_1707, %sign3A_1710 : i32
      %sign3A_1712 = arith.constant 0 : i32
      %sign3A_1713 = arith.cmpi sgt, %jit3A_1703, %sign3A_1712 : i32
      %sign3A_1714 = arith.extui %sign3A_1713 : i1 to i32
      %sign3A_1715 = arith.constant 0 : i32
      %sign3A_1716 = arith.cmpi slt, %jit3A_1703, %sign3A_1715 : i32
      %sign3A_1717 = arith.extui %sign3A_1716 : i1 to i32
      %sign3A_1718 = arith.subi %sign3A_1714, %sign3A_1717 : i32
      %ne3A_1719 = arith.cmpi ne, %sign3A_1711, %sign3A_1718 : i32
      %rem3A_1720 = arith.remsi %add3A_1451, %jit3A_1703 : i32
      %ne3A_1721 = arith.constant 0 : i32
      %ne3A_1722 = arith.cmpi ne, %rem3A_1720, %ne3A_1721 : i32
      %and3A_1723 = arith.andi %ne3A_1719, %ne3A_1722 : i1
      %sub3A_1724 = arith.constant 1 : i32
      %sub3A_1725 = arith.subi %div3A_1704, %sub3A_1724 : i32
      %select_n3A_1726 = arith.select %and3A_1723, %sub3A_1725, %div3A_1704 : i32
      %mul3A_1727 = arith.constant 16 : i32
      %mul3A_1728 = arith.muli %select_n3A_1726, %mul3A_1727 : i32
      %get3A_1729 = arith.index_cast %mul3A_1728 : i32 to index
      %get3A_1730 = tpu.vector_load %arg11[%get3A_1729] {strides = array<i32>} : memref<512xf32, #tpu.memory_space<vmem>>, vector<16xf32>,
      %jit3A_1731 = arith.constant 16 : i32
      %eq3A_1732 = arith.constant 0 : i32
      %eq3A_1733 = arith.cmpi eq, %jit3A_1731, %eq3A_1732 : i32
      %jit3A_1734 = arith.constant 1 : i32
      %select_n3A_1735 = arith.select %eq3A_1733, %jit3A_1734, %jit3A_1731 : i32
      %rem3A_1736 = arith.remsi %add3A_1451, %select_n3A_1735 : i32
      %ne3A_1737 = arith.constant 0 : i32
      %ne3A_1738 = arith.cmpi ne, %rem3A_1736, %ne3A_1737 : i32
      %lt3A_1739 = arith.constant 0 : i32
      %lt3A_1740 = arith.cmpi slt, %rem3A_1736, %lt3A_1739 : i32
      %lt3A_1741 = arith.constant 0 : i32
      %lt3A_1742 = arith.cmpi slt, %select_n3A_1735, %lt3A_1741 : i32
      %ne3A_1743 = arith.xori %lt3A_1740, %lt3A_1742 : i1
      %and3A_1744 = arith.andi %ne3A_1743, %ne3A_1738 : i1
      %add3A_1745 = arith.addi %rem3A_1736, %select_n3A_1735 : i32
      %select_n3A_1746 = arith.select %and3A_1744, %add3A_1745, %rem3A_1736 : i32
      %eq3A_1747 = vector.broadcast %select_n3A_1746 : i32 to vector<16xi32>
      %eq3A_1748 = arith.cmpi eq, %iota3A, %eq3A_1747 : vector<16xi32>
      %select_n3A_1749 = arith.select %eq3A_1748, %broadcast_in_dim3A_1695, %get3A_1730 : vector<16xi1>, vector<16xf32>
      %swap3A_1750 = arith.index_cast %mul3A_1728 : i32 to index
      %swap3A_1751 = tpu.vector_load %arg11[%swap3A_1750] {strides = array<i32>} : memref<512xf32, #tpu.memory_space<vmem>>, vector<16xf32>,
      tpu.vector_store %arg11[%swap3A_1750], %select_n3A_1749 {strides = array<i32>} : memref<512xf32, #tpu.memory_space<vmem>>, vector<16xf32>,
    }
    %scan3A_540 = arith.constant 128 : i32
    "tpu.region"() ({
      %run_scoped3A = tpu.sem_alloc : memref<!tpu.dma_semaphore, #tpu.memory_space<semaphore_mem>>
      %dma_start3A_541 = tpu.memref_slice %arg6[%mul3A_2] : memref<16384xf32, #tpu.memory_space<hbm>> -> memref<512xf32, #tpu.memory_space<hbm>>
      %dma_start3A_542 = tpu.memref_slice %arg6[%mul3A_2] : memref<16384xf32, #tpu.memory_space<hbm>> -> memref<512xf32, #tpu.memory_space<hbm>>
      tpu.enqueue_dma source(%arg11 : memref<512xf32, #tpu.memory_space<vmem>>) target(%dma_start3A_542 : memref<512xf32, #tpu.memory_space<hbm>>) target_semaphore(%run_scoped3A : memref<!tpu.dma_semaphore, #tpu.memory_space<semaphore_mem>>)
      %dma_wait3A = tpu.memref_slice %arg6[%mul3A_2] : memref<16384xf32, #tpu.memory_space<hbm>> -> memref<512xf32, #tpu.memory_space<hbm>>
      %dma_wait3A_543 = tpu.memref_slice %arg6[%mul3A_2] : memref<16384xf32, #tpu.memory_space<hbm>> -> memref<512xf32, #tpu.memory_space<hbm>>
      tpu.wait_dma2 semaphore(%run_scoped3A : memref<!tpu.dma_semaphore, #tpu.memory_space<semaphore_mem>>) src(%arg11 : memref<512xf32, #tpu.memory_space<vmem>>) dst(%dma_wait3A_543 : memref<512xf32, #tpu.memory_space<hbm>>)
      tpu.yield
    }) : () -> ()
    return
  }
}

</mosaic_0001>

<sc_bundles>
// kernel: kernel.3.cloned.1.call-start
scs
__scs_entry_jumppad:
0x0: {  	(pc) =	sbr.rel $0x88, $3  }
0x1: {  	(tag) =	ssettag $0x0;
	lr =	simm.s32 $0x1  }
0x2: {  	[smem:$0x3F9D] =	sst lr;
	_ =	strace $0xD0000000  }
0x3: {  	_ = 	snop  }
0x4: {  	_ = 	snop  }
0x5: {  	_ = 	snop  }
0x6: {  	_ = 	snop  }
0x7: {  	_ = 	snop  }
__scs_overlays_trampoline_lowered:
0x8: {  	[smem:$0x3FAC] =	sst s0  }
0x9: {  	[smem:$0x3FAD] =	sst s1  }
0xa: {  	[smem:$0x3FAE] =	sst s2  }
0xb: {  	[smem:$0x3FAF] =	sst s3  }
0xc: {  	[smem:$0x3FB0] =	sst s4  }
0xd: {  	[smem:$0x3FB1] =	sst s5  }
0xe: {  	[smem:$0x3FB2] =	sst s6  }
0xf: {  	[smem:$0x3FB3] =	sst s7  }
0x10: {  	[smem:$0x3FB4] =	sst s8  }
0x11: {  	[smem:$0x3FB5] =	sst s9;
	s0 =	simm.s32 @!p0 $0x0  }
0x12: {  	s1 =	sld [smem:$0x3F9B];
	s0 =	simm.s32 @p0 $0x1  }
0x13: {  	[smem:$0x3FB6] =	sst s0;
	s0 =	simm.s32 @!p1 $0x0  }
0x14: {  	s2 =	sld [smem:$0x3F9A];
	s0 =	simm.s32 @p1 $0x1  }
0x15: {  	[smem:$0x3FB7] =	sst s0;
	s0 =	simm.s32 @!p2 $0x0  }
0x16: {  	s3 =	sld [smem:$0x3FDB];
	s0 =	simm.s32 @p2 $0x1  }
0x17: {  	s4 =	simm.s32 $0x1BF5;
	[smem:$0x3FB9] =	sst s0  }
0x18: {  	s0 =	sld [smem:$0x3F9C];
	_ =	swait.ge [sflag:s4], $0x0  }
0x19: {  	s7 =	sld [smem:$0x3F9D]  }
0x1a: {  	s8 =	sadd.s32 $0xFFFFE003, lr  }
0x1b: {  	s9 =	sadd.s32 $0xFFFFFEF7, lr;
	s5 =	simm.s32 $0xFFFFFFFF;
	p2 =	slt.u32 s8, $0xFFFFF086  }
0x1c: {  	p1 =	slt.u32 s9, $0xF7A;
	s5 =	simm.s32 @!p2 $0x0  }
0x1d: {  	s5 =	simm.s32 @p1 $0x1;
	p0 =	seq.s32 s7, s2  }
0x1e: {  	s7 =	smul.u32 @!p0 $0xF7A, s2;
	p2 =	seq.s32 @!p0 s5, $0x0  }
0x1f: {  	s9 =	smul.u32 $0xF7A, s1;
	s8 =	simm.s32 @!p0 $0x1BF5;
	p2 =	por !p2, p0  }
0x20: {  	[sflag:s8] =	ssyncset.s32 @!p0 $0xFFFFF086;
	s6 =	sadd.s32 @!p0 s3, s7;
	s7 =	simm.s32 @!p0 $0x108  }
0x21: {  	s3 =	sadd.s32 s3, s9;
	s6 =	sadd.s32 @!p0 $0x88, s6;
	s7 =	simm.s32 @p2 $0x1082  }
0x22: {  	[simem:s7], [sflag:s8] =	dma.local @!p0 [hbm:s6], $0xF7A  }
0x23: {  	s9 =	sor.u32 $0xD0000000, s2;
	s6 =	simm.s32 $0x108;
	_ =	swait.ge @!p0 [sflag:s8], $0x0  }
0x24: {  	s3 =	sadd.s32 $0x88, s3;
	s6 =	simm.s32 @!p1 $0x1082;
	[sflag:s4] =	ssyncset.s32 $0xFFFFF086  }
0x25: {  	[simem:s6], [sflag:s4] =	dma.local [hbm:s3], $0xF7A  }
0x26: {  	[smem:$0x3F9D] =	sst s1;
	(tag) =	ssettag s2;
	_ =	strace s9  }
0x27: {  	s1 =	sld [smem:$0x3FAD]  }
0x28: {  	s2 =	sld [smem:$0x3FAE]  }
0x29: {  	s4 =	sld [smem:$0x3FB0]  }
0x2a: {  	p0 =	seq.s32 s5, $0x0;
	s5 =	sld [smem:$0x3FB1]  }
0x2b: {  	s6 =	sld [smem:$0x3FB2]  }
0x2c: {  	s7 =	sld [smem:$0x3FB3]  }
0x2d: {  	s3 =	simm.s32 $0x108;
	s8 =	sld [smem:$0x3FB4]  }
0x2e: {  	s3 =	simm.s32 @!p0 $0x1082;
	s9 =	sld [smem:$0x3FB5]  }
0x2f: {  	lr =	sadd.s32 s0, s3;
	s0 =	sld [smem:$0x3FAC]  }
0x30: {  	s3 =	sld [smem:$0x3FAF]  }
0x31: {  	[smem:$0x3FB8] =	sst s10  }
0x32: {  	s10 =	sld [smem:$0x3FB6];
	_ =	sdelay $0x3  }
0x33: {  	p0 =	seq.s32 s10, $0x1;
	s10 =	sld [smem:$0x3FB8];
	_ =	sdelay $0x3  }
0x34: {  	[smem:$0x3FB8] =	sst s10  }
0x35: {  	s10 =	sld [smem:$0x3FB7];
	_ =	sdelay $0x3  }
0x36: {  	p1 =	seq.s32 s10, $0x1;
	s10 =	sld [smem:$0x3FB8];
	_ =	sdelay $0x3  }
0x37: {  	[smem:$0x3FB8] =	sst s10  }
0x38: {  	s10 =	sld [smem:$0x3FB9]  }
0x39: {  	_ = 	snop;
	(pc) =	sbr.ind lr, $3  }
0x3a: {  	_ = 	snop  }
0x3b: {  	_ = 	snop  }
0x3c: {  	p2 =	seq.s32 s10, $0x1;
	s10 =	sld [smem:$0x3FB8]  }
0x3d: {  	_ =	shalt  }
0x3e: {  	_ =	shalt  }
0x3f: {  	_ =	shalt  }
0x40: {  	_ =	shalt  }
0x41: {  	_ =	shalt  }
0x42: {  	_ =	shalt  }
0x43: {  	_ =	shalt  }
0x44: {  	_ =	shalt  }
0x45: {  	_ =	shalt  }
0x46: {  	_ =	shalt  }
0x47: {  	_ =	shalt  }
0x48: {  	_ =	shalt  }
0x49: {  	_ =	shalt  }
0x4a: {  	_ =	shalt  }
0x4b: {  	_ =	shalt  }
0x4c: {  	_ =	shalt  }
0x4d: {  	_ =	shalt  }
0x4e: {  	_ =	shalt  }
0x4f: {  	_ =	shalt  }
0x50: {  	_ =	shalt  }
0x51: {  	_ =	shalt  }
0x52: {  	_ =	shalt  }
0x53: {  	_ =	shalt  }
0x54: {  	_ =	shalt  }
0x55: {  	_ =	shalt  }
0x56: {  	_ =	shalt  }
0x57: {  	_ =	shalt  }
0x58: {  	_ =	shalt  }
0x59: {  	_ =	shalt  }
0x5a: {  	_ =	shalt  }
0x5b: {  	_ =	shalt  }
0x5c: {  	_ =	shalt  }
0x5d: {  	_ =	shalt  }
0x5e: {  	_ =	shalt  }
0x5f: {  	_ =	shalt  }
0x60: {  	_ =	shalt  }
0x61: {  	_ =	shalt  }
0x62: {  	_ =	shalt  }
0x63: {  	_ =	shalt  }
0x64: {  	_ =	shalt  }
0x65: {  	_ =	shalt  }
0x66: {  	_ =	shalt  }
0x67: {  	_ =	shalt  }
0x68: {  	_ =	shalt  }
0x69: {  	_ =	shalt  }
0x6a: {  	_ =	shalt  }
0x6b: {  	_ =	shalt  }
0x6c: {  	_ =	shalt  }
0x6d: {  	_ =	shalt  }
0x6e: {  	_ =	shalt  }
0x6f: {  	_ =	shalt  }
0x70: {  	_ =	shalt  }
0x71: {  	_ =	shalt  }
0x72: {  	_ =	shalt  }
0x73: {  	_ =	shalt  }
0x74: {  	_ =	shalt  }
0x75: {  	_ =	shalt  }
0x76: {  	_ =	shalt  }
0x77: {  	_ =	shalt  }
0x78: {  	_ =	shalt  }
0x79: {  	_ =	shalt  }
0x7a: {  	_ =	shalt  }
0x7b: {  	_ =	shalt  }
0x7c: {  	_ =	shalt  }
0x7d: {  	_ =	shalt  }
0x7e: {  	_ =	shalt  }
0x7f: {  	_ =	shalt  }
0x80: {  	_ =	shalt  }
0x81: {  	_ =	shalt  }
0x82: {  	_ =	shalt  }
0x83: {  	_ =	shalt  }
0x84: {  	_ =	shalt  }
0x85: {  	_ =	shalt  }
0x86: {  	_ =	shalt  }
0x87: {  	_ =	shalt  }
.Lfunc_end0:
.L_simem_size_0:
called_computation_lowered:
.L_overlay_start_0:
0x88: {  	s2 =	sld [smem:$0x3FD9]  }
0x89: {  	s3 =	sld [smem:$0x3FFE];
	_ =	sdelay $0x1  }
0x8a: {  	s1 =	srdreg.scid  }
0x8b: {  	s0 =	sand.u32 $0x1, s1  }
0x8c: {  	s18 =	sshll.u32 s0, $0xA;
	s2 =	sadd.s32 s3, s2  }
0x8d: {  	s2 =	sadd.s32 s2, s18  }
0x8e: {  	[smem:$0x3FC4] =	sst s2  }
0x8f: {  	_ = 	snop  }
0x90: {  	s2 =	sld [smem:$0x3FC9]  }
0x91: {  	s19 =	sld [smem:$0x3FC8]  }
0x92: {  	s4 =	sld [smem:$0x3FC7]  }
0x93: {  	s5 =	sld [smem:$0x3FC6]  }
0x94: {  	s6 =	sld [smem:$0x3FD0];
	(tm) =	ssettm $0x1  }
0x95: {  	s7 =	sld [smem:$0x3FFB];
	_ =	sdelay $0x3  }
0x96: {  	_ =	strace s7  }
0x97: {  	s7 =	sld [smem:$0x3FFC];
	_ =	sdelay $0x3  }
0x98: {  	_ =	strace s7  }
0x99: {  	s7 =	sld [smem:$0x3FFD];
	_ =	sdelay $0x3  }
0x9a: {  	_ =	strace s7  }
0x9b: {  	_ =	strace $0x8FFFFFFF  }
0x9c: {  	s20 =	sld [smem:$0x3FDB];
	_ =	sdelay $0x1  }
0x9d: {  	s8 =	simm.s32 $_scs_section_size  }
0x9e: {  	s9 =	simm.s32 $_size__tile_overlayer_lowered;
	s10 =	simm.s32 $_tile_overlayer_lowered  }
0x9f: {  	s23 =	simm.s32 $0x1BFF;
	s22 =	sshll.u32 s10, $0x1;
	s7 =	sadd.s32 s8, s20  }
0xa0: {  	s11 =	simm.s32 $0x0;
	s21 =	sshll.u32 s9, $0x1;
	s9 =	sadd.s32 s22, s7  }
0xa1: {  	[timem:s11], [sflag:s23] =	dma.local [hbm:s9], s21  }
0xa2: {  	_ =	swait.ge [sflag:s23], s21  }
0xa3: {  	s8 =	ssub.s32 $0x0, s21;
	[sflag:s23] =	ssyncset.done $0x0  }
0xa4: {  	[sflag:s23] =	ssyncadd.s32 s8;
	_ =	sdelay $0x1  }
0xa5: {  	s24 =	simm.s32 $0x1B8B  }
0xa6: {  	_ =	swait.ge [sflag:s24], $0x1  }
0xa7: {  	[sflag:s24] =	ssyncset.done $0x0  }
0xa8: {  	s25 =	simm.s32 $0x1B8E;
	[sflag:s24] =	ssyncadd.s32 $0xFFFFFFFF  }
0xa9: {  	s26 =	simm.s32 $execute0_lowered;
	[smem:$0x3FD2] =	sst s25  }
0xaa: {  	s8 =	sshll.u32 s26, $0x1;
	_ =	strace $0x80000046;
	[dreg:$0x1] =	wrdreg $0xFFFFFFFF  }
0xab: {  	s28 =	simm.s32 $_size_execute0_lowered;
	s7 =	sadd.s32 s7, s8;
	[dreg:$0x0] =	wrdreg $0x0  }
0xac: {  	s8 =	sshll.u32 s28, $0x1;
	[dreg:$0x2] =	wrdreg s7  }
0xad: {  	[dreg:$0x3] =	wrdreg s8  }
0xae: {  	[dreg:$0x4] =	wrdreg $0xC0  }
0xaf: {  	_ =	task [dreg:s11], $0x5FFFF  }
0xb0: {  	[dreg:$0x1] =	wrdreg $0xFFFFFFFF  }
0xb1: {  	[dreg:$0x0] =	wrdreg $0x60  }
0xb2: {  	[dreg:$0x2] =	wrdreg s2  }
0xb3: {  	[dreg:$0x3] =	wrdreg s19  }
0xb4: {  	[dreg:$0x4] =	wrdreg s4  }
0xb5: {  	[dreg:$0x5] =	wrdreg s5  }
0xb6: {  	[dreg:$0x6] =	wrdreg s6  }
0xb7: {  	[dreg:$0x7] =	wrdreg $0x9  }
0xb8: {  	_ =	task.clear_ibuf [dreg:s11], $0x8FFFF;
	_ =	strace $0x90000046  }
0xb9: {  	s29 =	simm.s32 $0x9;
	_ =	strace $0x80000048  }
0xba: {  	_ =	swait.ge [sflag:s29], $0x1  }
0xbb: {  	[sflag:s29] =	ssyncadd.s32 $0xFFFFFFFF  }
0xbc: {  	_ =	strace $0x90000048  }
0xbd: {  	_ =	sfence  }
0xbe: {  	s30 =	sld [smem:$0x0];
	_ =	sdelay $0x2  }
0xbf: {  	s31 =	sshll.u32 s1, $0xD;
	s1 =	sshrl.u32 s1, $0x2  }
0xc0: {  	s3 =	sand.u32 $0x4000, s31;
	s1 =	sadd.s32 s1, s30  }
0xc1: {  	s0 =	sor.u32 s3, s0;
	s1 =	sshll.u32 s1, $0x11  }
0xc2: {  	s0 =	sor.u32 s1, s0  }
0xc3: {  	s0 =	sadd.s32 $0x8F2B, s0  }
0xc4: {  	[sflag:s0] =	ssyncadd.remote.s32 $0x1  }
0xc5: {  	_ =	sfence.sel $0xFFFF  }
0xc6: {  	[dreg:$0x0] =	wrdreg $0xFFFFFFFF;
	(pc) =	sbr.abs _section_cstart, $3  }
0xc7: {  	[dreg:$0x1] =	wrdreg $0xFFFFFFFF  }
0xc8: {  	_ =	task.clear_ibuf [dreg:s11], $0x2FFFF;
	_ =	strace $0x9FFFFFFF  }
0xc9: {  	(tm) =	ssettm $0x7FFFFFFF  }
tec
execute0_lowered:
.L_overlay_start_1:
0x0: {  	(tag) =	ssettag $0x1  }
0x1: {  	s0 =	rddreg [dreg:$0x0]  }
0x2: {  	s3 =	rddreg [dreg:$0x1]  }
0x3: {  	s1 =	rddreg [dreg:$0x2]  }
0x4: {  	s2 =	rddreg [dreg:$0x3]  }
0x5: {  	s5 =	rddreg [dreg:$0x4]  }
0x6: {  	s6 =	srdreg.scid;
	s18 =	simm.s32 $0x0;
	s4 =	stileid.u32  }
0x7: {  	s11 =	simm.s32 $0x1;
	s12 =	simm.s32 $0x7A1400;
	s13 =	simm.s32 $0x400  }
0x8: {  	s15 =	simm.s32 $0x8400;
	s17 =	simm.s32 $0x2400;
	s19 =	simm.s32 $0xA400  }
0x9: {  	s21 =	simm.s32 $0x4400;
	s23 =	simm.s32 $0xC400;
	s28 =	simm.s32 $0xE400  }
0xa: {  	s29 =	simm.s32 $0xF400;
	s30 =	simm.s32 $0x5;
	s31 =	simm.s32 $0x2  }
0xb: {  	s10 =	simm.s32 $0x7;
	s14 =	simm.s32 $0x4;
	s6 =	sand.u32 $0x1, s6  }
0xc: {  	s16 =	simm.s32 $0x8;
	[smem:$0x7FF] =	sst s18;
	s7 =	ssub.s32 $0x2, s6  }
0xd: {  	s9 =	sshll.u32 s4, $0x7;
	s6 =	sshll.u32 s6, $0x6;
	s8 =	sshrl.u32 s7, $0x1  }
0xe: {  	_ =	strace $0x80000047;
	s6 =	sor.u32 s6, s9;
	s8 =	ssub.s32 s7, s8  }
.Ltmp0:
0xf: {  	s0 =	sadd.s32 s0, s6;
	s24 =	sadd.s32 s3, s6;
	(pc) =	sbr.rel .LBB2_1-.Ltmp0, $4  }
0x10: {  	v0 =	vlaneseq.u32;
	s25 =	sadd.s32 s5, s6;
	s5 =	simm.s32 $0x9;
	[dreg:$0x6] =	wrdreg s0  }
0x11: {  	vm0 =	vmmov $0x1;
	v1 =	vmul.u32 $0x80, v0;
	s3 =	simm.s32 $0x3;
	s6 =	simm.s32 $0x0;
	[dreg:$0x7] =	wrdreg s24  }
0x12: {  	vm1 =	vcmask $0x308;
	vm2 =	vcmask $0x70C;
	vm3 =	vcmask $0xB10;
	[dreg:$0x8] =	wrdreg s25;
	s26 =	smax.u32 s8, $0x1;
	s25 =	simm.s32 $0x6400  }
0x13: {  	v2 =	vor.u32 $0x800, v1;
	v3 =	vor.u32 $0x1000, v1;
	v4 =	vor.u32 $0x1800, v1;
	s0 =	simm.s32 $0x6;
	[dreg:$0x9] =	wrdreg s26;
	s26 =	simm.s32 $0x7400  }
.LBB2_4:
0x14: {  	s4 =	sor.u32 $0x10400, s24  }
0x15: {  	v6 =	vld [tilespmem:s4+$0x0];
	_ =	sdelay $0x4  }
0x16: {  	v5 =	vsel vm4, v5, v6  }
0x17: {  	s18 =	simm.s32 $0x0;
	s22 =	rddreg [dreg:$0x8];
	s5 =	simm.s32 $0x10400;
	[tilespmem:s4+$0x0] =	vst v5  }
0x18: {  	[hbm4b:s22+s18] =	stream.linear.scatter [tilespmem:s5], [sflag:$0x9], $0x200, $0x38;
	[tilespmem:$0x10600] =	vst v63  }
0x19: {  	s5 =	simm.s32 $0x9  }
0x1a: {  	_ =	swait.ge [sflag:s5], $0x200  }
0x1b: {  	s6 =	rddreg [dreg:$0xa]  }
0x1c: {  	s24 =	rddreg [dreg:$0x9];
	s6 =	sadd.s32 $0x1, s6  }
0x1d: {  	p0 =	sne.s32 s6, s24  }
.Ltmp1:
0x1e: {  	_ = 	snop;
	(pc) =	sbr.rel @!p0 .LBB2_5-.Ltmp1, $3  }
0x1f: {  	_ =	sdelay $0x1  }
0x20: {  	[sflag:s5] =	ssyncset.done $0x0  }
0x21: {  	[sflag:s5] =	ssyncadd.s32 $0xFFFFFE00  }
.LBB2_1:
0x22: {  	[dreg:$0xa] =	wrdreg s6  }
0x23: {  	s4 =	rddreg [dreg:$0x6]  }
0x24: {  	[tilespmem:s18], [sflag:$0x9] =	stream.linear.gather [hbm4b:s4+s18], $0x200, $0x38;
	[tilespmem:$0x10600] =	vst v63  }
0x25: {  	_ =	swait.ge [sflag:s5], $0x200  }
0x26: {  	[sflag:s5] =	ssyncset.done $0x0  }
0x27: {  	s9 =	simm.s32 $0x200;
	s8 =	rddreg [dreg:$0x7];
	[sflag:s5] =	ssyncadd.s32 $0xFFFFFE00  }
0x28: {  	[tilespmem:s9], [sflag:$0x9] =	stream.linear.gather [hbm4b:s8+s18], $0x200, $0x38;
	[tilespmem:$0x10600] =	vst v63  }
0x29: {  	_ =	swait.ge [sflag:s5], $0x200  }
0x2a: {  	[sflag:s5] =	ssyncset.done $0x0  }
0x2b: {  	[sflag:s5] =	ssyncadd.s32 $0xFFFFFE00  }
0x2c: {  	v5 =	vld [tilespmem:$0x200]  }
0x2d: {  	v6 =	vld [tilespmem:$0x0];
	_ =	sdelay $0x3  }
0x2e: {  	v5 =	vnsel vm0, $0x0, v5  }
0x2f: {  	(xrf0) =	vadd.scan.msk.s32 $0xffff, v5;
	v5 =	vnsel vm0, $0x0, v6  }
0x30: {  	(xrf0) =	vadd.scan.msk.s32 $0xffff, v5;
	_ =	sdelay $0x4  }
0x31: {  	v5, _, _ =	vpop (xrf0)  }
0x32: {  	(v2sf) =	vpush v5, $0xF;
	v5, _, _ =	vpop (xrf0)  }
0x33: {  	(v2sf) =	vpush v5, $0xF;
	_ =	sdelay $0xd  }
0x34: {  	s5 =	spop (v2sf)  }
0x35: {  	s18 =	simm.s32 $0x1;
	s20 =	spop (v2sf)  }
0x36: {  	s7 =	sshra.s32 s5, $0x1F;
	s9 =	sand.u32 $0x7F, s5;
	p5 =	slt.s32 s5, $0x1  }
0x37: {  	s24 =	sand.u32 $0x7F, s20;
	s22 =	sshra.s32 s20, $0x1F;
	p0 =	slt.s32 s20, $0x1  }
0x38: {  	s8 =	sshrl.u32 s7, $0x19;
	p6 =	sne.s32 s9, $0x0;
	p1 =	sne.s32 s24, $0x0  }
0x39: {  	s4 =	sshrl.u32 s22, $0x19;
	s5 =	sadd.s32 s8, s5;
	p0 =	por !p0, !p1  }
0x3a: {  	s24 =	simm.s32 $0x1400;
	s6 =	sadd.s32 s4, s20;
	p0 =	por !p0, !p0  }
0x3b: {  	s6 =	sshrl.u32 s6, $0x7;
	s18 =	simm.s32 @!p0 $0x0;
	p0 =	por !p5, !p6  }
0x3c: {  	s6 =	ssub.s32 s6, s18;
	p0 =	por !p0, !p0;
	s18 =	simm.s32 $0x1  }
0x3d: {  	s5 =	sshrl.u32 s5, $0x7;
	s6 =	sshll.u32 s6, $0xA;
	s18 =	simm.s32 @!p0 $0x0  }
0x3e: {  	s20 =	sshrl.u32 s6, $0x3;
	s6 =	sadd.s32 $0x1E85000, s6;
	s5 =	ssub.s32 s5, s18  }
0x3f: {  	s22 =	sadd.s32 s1, s20;
	s6 =	sshrl.u32 s6, $0x3;
	s5 =	sshll.u32 s5, $0xA  }
0x40: {  	[tilespmem:s13], [sflag:$0x1] =	stream.strided.gather [hbm4b:s22+s13], $0x1000, s12, s13, $0x38;
	[tilespmem:$0x10600] =	vst v63  }
0x41: {  	s6 =	sadd.s32 s1, s6;
	s4 =	sshrl.u32 s5, $0x3;
	s5 =	sadd.s32 $0x1E85000, s5  }
0x42: {  	[tilespmem:s24], [sflag:$0x1] =	stream.strided.gather [hbm4b:s6+s13], $0x1000, s12, s13, $0x38;
	[tilespmem:$0x10600] =	vst v63  }
0x43: {  	s5 =	sshrl.u32 s5, $0x3;
	s6 =	sadd.s32 s2, s4  }
0x44: {  	[tilespmem:s15], [sflag:$0x5] =	stream.strided.gather [hbm4b:s6+s13], $0x1000, s12, s13, $0x38;
	[tilespmem:$0x10600] =	vst v63  }
0x45: {  	s7 =	simm.s32 $0x9400;
	s5 =	sadd.s32 s2, s5  }
0x46: {  	[tilespmem:s7], [sflag:$0x5] =	stream.strided.gather [hbm4b:s5+s13], $0x1000, s12, s13, $0x38;
	[tilespmem:$0x10600] =	vst v63  }
0x47: {  	v5 =	vld [tilespmem:$0x200]  }
0x48: {  	v6 =	vld [tilespmem:$0x0];
	_ =	sdelay $0x3  }
0x49: {  	v5 =	vsel vm1, $0x0, v5  }
0x4a: {  	(xrf0) =	vadd.scan.msk.s32 $0xffff, v5;
	v5 =	vsel vm1, $0x0, v6  }
0x4b: {  	(xrf0) =	vadd.scan.msk.s32 $0xffff, v5;
	_ =	sdelay $0x4  }
0x4c: {  	v5, _, _ =	vpop (xrf0)  }
0x4d: {  	(v2sf) =	vpush v5, $0xF;
	v5, _, _ =	vpop (xrf0)  }
0x4e: {  	(v2sf) =	vpush v5, $0xF;
	_ =	sdelay $0xd  }
0x4f: {  	s5 =	spop (v2sf)  }
0x50: {  	s18 =	simm.s32 $0x1;
	s8 =	spop (v2sf)  }
0x51: {  	s24 =	sshra.s32 s5, $0x1F;
	s7 =	sand.u32 $0x7F, s5;
	s9 =	sand.u32 $0x7F, s8  }
0x52: {  	s20 =	sshra.s32 s8, $0x1F;
	p1 =	slt.s32 s8, $0x1;
	p2 =	sne.s32 s9, $0x0  }
0x53: {  	p3 =	slt.s32 s5, $0x1;
	s22 =	sshrl.u32 s20, $0x19;
	p0 =	por !p1, !p2  }
0x54: {  	s4 =	sshrl.u32 s24, $0x19;
	s6 =	sadd.s32 s22, s8;
	p0 =	por !p0, !p0  }
0x55: {  	p4 =	sne.s32 s7, $0x0;
	s6 =	sshrl.u32 s6, $0x7;
	s18 =	simm.s32 @!p0 $0x0  }
0x56: {  	s5 =	sadd.s32 s4, s5;
	p0 =	por !p3, !p4;
	s6 =	ssub.s32 s6, s18  }
0x57: {  	p0 =	por !p0, !p0;
	s18 =	simm.s32 $0x1;
	s6 =	sshll.u32 s6, $0xA  }
0x58: {  	s5 =	sshrl.u32 s5, $0x7;
	s18 =	simm.s32 @!p0 $0x0;
	s8 =	sshrl.u32 s6, $0x3  }
0x59: {  	s6 =	sadd.s32 $0x1E85000, s6;
	s5 =	ssub.s32 s5, s18;
	s18 =	simm.s32 $0x3400  }
0x5a: {  	s9 =	sadd.s32 s1, s8;
	s6 =	sshrl.u32 s6, $0x3;
	s5 =	sshll.u32 s5, $0xA  }
0x5b: {  	[tilespmem:s17], [sflag:$0x2] =	stream.strided.gather [hbm4b:s9+s13], $0x1000, s12, s13, $0x38;
	[tilespmem:$0x10600] =	vst v63  }
0x5c: {  	s6 =	sadd.s32 s1, s6;
	s20 =	sshrl.u32 s5, $0x3;
	s5 =	sadd.s32 $0x1E85000, s5  }
0x5d: {  	[tilespmem:s18], [sflag:$0x2] =	stream.strided.gather [hbm4b:s6+s13], $0x1000, s12, s13, $0x38;
	[tilespmem:$0x10600] =	vst v63  }
0x5e: {  	s5 =	sshrl.u32 s5, $0x3;
	s6 =	sadd.s32 s2, s20  }
0x5f: {  	[tilespmem:s19], [sflag:$0x6] =	stream.strided.gather [hbm4b:s6+s13], $0x1000, s12, s13, $0x38;
	[tilespmem:$0x10600] =	vst v63  }
0x60: {  	s22 =	simm.s32 $0xB400;
	s5 =	sadd.s32 s2, s5  }
0x61: {  	[tilespmem:s22], [sflag:$0x6] =	stream.strided.gather [hbm4b:s5+s13], $0x1000, s12, s13, $0x38;
	[tilespmem:$0x10600] =	vst v63  }
0x62: {  	v5 =	vld [tilespmem:$0x200]  }
0x63: {  	v6 =	vld [tilespmem:$0x0];
	_ =	sdelay $0x3  }
0x64: {  	v5 =	vsel vm2, $0x0, v5  }
0x65: {  	(xrf0) =	vadd.scan.msk.s32 $0xffff, v5;
	v5 =	vsel vm2, $0x0, v6  }
0x66: {  	(xrf0) =	vadd.scan.msk.s32 $0xffff, v5;
	_ =	sdelay $0x4  }
0x67: {  	v5, _, _ =	vpop (xrf0)  }
0x68: {  	(v2sf) =	vpush v5, $0xF;
	v5, _, _ =	vpop (xrf0)  }
0x69: {  	(v2sf) =	vpush v5, $0xF;
	_ =	sdelay $0xd  }
0x6a: {  	s5 =	spop (v2sf)  }
0x6b: {  	s18 =	simm.s32 $0x1;
	s24 =	spop (v2sf)  }
0x6c: {  	s9 =	sshra.s32 s5, $0x1F;
	p1 =	slt.s32 s5, $0x1;
	s4 =	sand.u32 $0x7F, s24  }
0x6d: {  	s7 =	sshra.s32 s24, $0x1F;
	p5 =	slt.s32 s24, $0x1;
	p6 =	sne.s32 s4, $0x0  }
0x6e: {  	s20 =	sshrl.u32 s9, $0x19;
	s8 =	sshrl.u32 s7, $0x19;
	p0 =	por !p5, !p6  }
0x6f: {  	s6 =	sadd.s32 s8, s24;
	s24 =	sand.u32 $0x7F, s5;
	s5 =	sadd.s32 s20, s5  }
0x70: {  	s8 =	simm.s32 $0x5400;
	p0 =	por !p0, !p0;
	p2 =	sne.s32 s24, $0x0  }
0x71: {  	s6 =	sshrl.u32 s6, $0x7;
	s18 =	simm.s32 @!p0 $0x0;
	p0 =	por !p1, !p2  }
0x72: {  	s6 =	ssub.s32 s6, s18;
	p0 =	por !p0, !p0;
	s18 =	simm.s32 $0x1  }
0x73: {  	s5 =	sshrl.u32 s5, $0x7;
	s6 =	sshll.u32 s6, $0xA;
	s18 =	simm.s32 @!p0 $0x0  }
0x74: {  	s4 =	sshrl.u32 s6, $0x3;
	s6 =	sadd.s32 $0x1E85000, s6;
	s5 =	ssub.s32 s5, s18  }
0x75: {  	s7 =	sadd.s32 s1, s4;
	s6 =	sshrl.u32 s6, $0x3;
	s5 =	sshll.u32 s5, $0xA  }
0x76: {  	[tilespmem:s21], [sflag:$0x3] =	stream.strided.gather [hbm4b:s7+s13], $0x1000, s12, s13, $0x38;
	[tilespmem:$0x10600] =	vst v63  }
0x77: {  	s6 =	sadd.s32 s1, s6;
	s9 =	sshrl.u32 s5, $0x3;
	s5 =	sadd.s32 $0x1E85000, s5  }
0x78: {  	[tilespmem:s8], [sflag:$0x3] =	stream.strided.gather [hbm4b:s6+s13], $0x1000, s12, s13, $0x38;
	[tilespmem:$0x10600] =	vst v63  }
0x79: {  	s5 =	sshrl.u32 s5, $0x3;
	s6 =	sadd.s32 s2, s9  }
0x7a: {  	[tilespmem:s23], [sflag:$0x7] =	stream.strided.gather [hbm4b:s6+s13], $0x1000, s12, s13, $0x38;
	[tilespmem:$0x10600] =	vst v63  }
0x7b: {  	s18 =	simm.s32 $0xD400;
	s5 =	sadd.s32 s2, s5  }
0x7c: {  	[tilespmem:s18], [sflag:$0x7] =	stream.strided.gather [hbm4b:s5+s13], $0x1000, s12, s13, $0x38;
	[tilespmem:$0x10600] =	vst v63  }
0x7d: {  	v5 =	vld [tilespmem:$0x200]  }
0x7e: {  	v6 =	vld [tilespmem:$0x0];
	_ =	sdelay $0x3  }
0x7f: {  	v5 =	vsel vm3, $0x0, v5  }
0x80: {  	(xrf0) =	vadd.scan.msk.s32 $0xffff, v5;
	v5 =	vsel vm3, $0x0, v6  }
0x81: {  	(xrf0) =	vadd.scan.msk.s32 $0xffff, v5;
	_ =	sdelay $0x4  }
0x82: {  	v5, _, _ =	vpop (xrf0)  }
0x83: {  	(v2sf) =	vpush v5, $0xF;
	v5, _, _ =	vpop (xrf0)  }
0x84: {  	(v2sf) =	vpush v5, $0xF;
	_ =	sdelay $0xd  }
0x85: {  	s18 =	simm.s32 $0x1;
	s5 =	spop (v2sf)  }
0x86: {  	s20 =	spop (v2sf);
	s7 =	sshra.s32 s5, $0x1F;
	s9 =	sand.u32 $0x7F, s5  }
0x87: {  	p5 =	slt.s32 s5, $0x1;
	s22 =	sand.u32 $0x7F, s20;
	s24 =	sshra.s32 s20, $0x1F  }
0x88: {  	p3 =	slt.s32 s20, $0x1;
	s8 =	sshrl.u32 s7, $0x19;
	p4 =	sne.s32 s22, $0x0  }
0x89: {  	p6 =	sne.s32 s9, $0x0;
	s4 =	sshrl.u32 s24, $0x19;
	p0 =	por !p3, !p4  }
0x8a: {  	s5 =	sadd.s32 s8, s5;
	s6 =	sadd.s32 s4, s20;
	p0 =	por !p0, !p0  }
0x8b: {  	s6 =	sshrl.u32 s6, $0x7;
	s18 =	simm.s32 @!p0 $0x0;
	p0 =	por !p5, !p6  }
0x8c: {  	s6 =	ssub.s32 s6, s18;
	p0 =	por !p0, !p0;
	s18 =	simm.s32 $0x1  }
0x8d: {  	s5 =	sshrl.u32 s5, $0x7;
	s6 =	sshll.u32 s6, $0xA;
	s18 =	simm.s32 @!p0 $0x0  }
0x8e: {  	s20 =	sshrl.u32 s6, $0x3;
	s6 =	sadd.s32 $0x1E85000, s6;
	s5 =	ssub.s32 s5, s18  }
0x8f: {  	s22 =	sadd.s32 s1, s20;
	s6 =	sshrl.u32 s6, $0x3;
	s5 =	sshll.u32 s5, $0xA  }
0x90: {  	[tilespmem:s25], [sflag:$0x4] =	stream.strided.gather [hbm4b:s22+s13], $0x1000, s12, s13, $0x38;
	[tilespmem:$0x10600] =	vst v63  }
0x91: {  	s6 =	sadd.s32 s1, s6;
	s24 =	sshrl.u32 s5, $0x3;
	s5 =	sadd.s32 $0x1E85000, s5  }
0x92: {  	[tilespmem:s26], [sflag:$0x4] =	stream.strided.gather [hbm4b:s6+s13], $0x1000, s12, s13, $0x38;
	[tilespmem:$0x10600] =	vst v63  }
0x93: {  	s5 =	sshrl.u32 s5, $0x3;
	s6 =	sadd.s32 s2, s24  }
0x94: {  	[tilespmem:s28], [sflag:$0x8] =	stream.strided.gather [hbm4b:s6+s13], $0x1000, s12, s13, $0x38;
	[tilespmem:$0x10600] =	vst v63  }
0x95: {  	s22 =	simm.s32 $0x0;
	s5 =	sadd.s32 s2, s5  }
0x96: {  	[tilespmem:s29], [sflag:$0x8] =	stream.strided.gather [hbm4b:s5+s13], $0x1000, s12, s13, $0x38;
	[tilespmem:$0x10600] =	vst v63  }
.LBB2_2:
0x97: {  	_ =	swait.ge [sflag:s11], $0x2000  }
0x98: {  	[sflag:s11] =	ssyncset.done $0x0  }
0x99: {  	[sflag:s11] =	ssyncadd.s32 $0xFFFFE000  }
0x9a: {  	_ =	swait.ge [sflag:s30], $0x2000  }
0x9b: {  	[sflag:s30] =	ssyncset.done $0x0  }
0x9c: {  	s24 =	sand.u32 $0x1F0, s22;
	[sflag:s30] =	ssyncadd.s32 $0xFFFFE000  }
0x9d: {  	v5 =	vld [tilespmem:s24+$0x0];
	_ =	sdelay $0x1  }
0x9e: {  	s18 =	sand.u32 $0xC, s22;
	v6 =	vld [tilespmem:s24+$0x200]  }
0x9f: {  	v7 =	vmov s18  }
0xa0: {  	vm4 =	veq.s32 v7, v0  }
0xa1: {  	p0 =	seq.s32 s22, $0x1FC;
	v5 =	vnsel vm4, $0x0, v5  }
0xa2: {  	s5 =	sadd.s32 @!p0 $0x4, s22;
	(xrf0) =	vadd.scan.msk.s32 $0xffff, v5  }
0xa3: {  	s6 =	sand.u32 @!p0 $0x3F0, s5;
	v5 =	vnsel vm4, $0x0, v6  }
0xa4: {  	v6 =	vld @!p0 [tilespmem:s6+$0x200];
	(xrf0) =	vadd.scan.msk.s32 $0xffff, v5  }
0xa5: {  	v7 =	vld @!p0 [tilespmem:s6+$0x0]  }
0xa6: {  	s5 =	sand.u32 @!p0 $0xC, s5  }
0xa7: {  	v8 =	vmov @!p0 s5;
	v5 =	vlaneseq.u32 @!p0  }
0xa8: {  	vm5 =	veq.s32 @!p0 v8, v5;
	v43, _, _ =	vpop (xrf0)  }
0xa9: {  	v6 =	vnsel @!p0 vm5, $0x0, v6;
	(v2sf) =	vpush v43, $0xF  }
0xaa: {  	(xrf0) =	vadd.scan.msk.s32 @!p0 $0xffff, v6;
	v6 =	vnsel @!p0 vm5, $0x0, v7;
	v7, _, _ =	vpop (xrf0)  }
0xab: {  	(xrf0) =	vadd.scan.msk.s32 @!p0 $0xffff, v6;
	(v2sf) =	vpush v7, $0xF;
	_ =	sdelay $0x4  }
0xac: {  	v6, _, _ =	vpop @!p0 (xrf0)  }
0xad: {  	(v2sf) =	vpush @!p0 v6, $0xF;
	v6, _, _ =	vpop @!p0 (xrf0)  }
0xae: {  	(v2sf) =	vpush @!p0 v6, $0xF;
	_ =	sdelay $0x5  }
0xaf: {  	s20 =	spop (v2sf)  }
0xb0: {  	s5 =	sand.u32 $0x7F, s20  }
0xb1: {  	s4 =	spop (v2sf);
	v6 =	vor.u32 s5, v1  }
0xb2: {  	s6 =	sand.u32 $0x7F, s4;
	v44 =	vor.u32 s5, v2  }
0xb3: {  	v7 =	vor.u32 s6, v1  }
0xb4: {  	v9 =	vor.u32 s6, v2  }
0xb5: {  	v10 =	vor.u32 s5, v3  }
0xb6: {  	v11 =	vor.u32 s6, v3;
	v6 =	vld.idx.msk [tilespmem:v6+s13+$0x0], $0xffff  }
0xb7: {  	v12 =	vor.u32 s5, v4;
	s7 =	spop @!p0 (v2sf);
	v8 =	vld.idx.msk [tilespmem:v44+s13+$0x0], $0xffff  }
0xb8: {  	v13 =	vor.u32 s6, v4;
	s8 =	spop @!p0 (v2sf);
	v7 =	vld.idx.msk [tilespmem:v7+s15+$0x0], $0xffff  }
0xb9: {  	s5 =	sand.u32 @!p0 $0x7F, s8;
	v9 =	vld.idx.msk [tilespmem:v9+s15+$0x0], $0xffff  }
0xba: {  	v10 =	vld.idx.msk [tilespmem:v10+s13+$0x0], $0xffff;
	p1 =	slt.s32 @!p0 s8, $0x1;
	p2 =	sne.s32 @!p0 s5, $0x0  }
0xbb: {  	v11 =	vld.idx.msk [tilespmem:v11+s15+$0x0], $0xffff;
	s5 =	sshra.s32 @!p0 s8, $0x1F;
	p1 =	por @!p0 !p1, !p2  }
0xbc: {  	s6 =	sshra.s32 @!p0 s7, $0x1F;
	v12 =	vld.idx.msk [tilespmem:v12+s13+$0x0], $0xffff;
	s5 =	sshrl.u32 @!p0 s5, $0x19;
	p1 =	por @!p0 !p1, !p1  }
0xbd: {  	v13 =	vld.idx.msk [tilespmem:v13+s15+$0x0], $0xffff;
	s5 =	sadd.s32 @!p0 s5, s8;
	s8 =	simm.s32 @!p0 $0x1;
	p1 =	por !p1, p0  }
0xbe: {  	s4 =	sand.u32 @!p0 $0x7F, s7;
	s5 =	sshrl.u32 @!p0 s5, $0x7;
	s8 =	simm.s32 @p1 $0x0;
	v6 =	vmul.f32 v7, v6;
	v7 =	vmul.f32 v9, v8  }
0xbf: {  	p2 =	sne.s32 @!p0 s4, $0x0;
	p1 =	slt.s32 @!p0 s7, $0x1;
	s4 =	ssub.s32 @!p0 s5, s8  }
0xc0: {  	s5 =	sshrl.u32 @!p0 s6, $0x19;
	p1 =	por @!p0 !p1, !p2;
	s4 =	sshll.u32 @!p0 s4, $0xA;
	v6 =	vadd.f32 v7, v6;
	v7 =	vmul.f32 v11, v10  }
0xc1: {  	s6 =	simm.s32 @!p0 $0x400;
	s7 =	sadd.s32 @!p0 s5, s7;
	s5 =	sshrl.u32 @!p0 s4, $0x3  }
0xc2: {  	p1 =	por @!p0 !p1, !p1;
	s8 =	sadd.s32 @!p0 s1, s5;
	s5 =	simm.s32 @!p0 $0x7A1400;
	v6 =	vadd.f32 v7, v6;
	v7 =	vmul.f32 v13, v12  }
0xc3: {  	[tilespmem:s6], [sflag:$0x1] =	stream.strided.gather @!p0 [hbm4b:s8+s6], $0x1000, s5, s6, $0x38;
	[tilespmem:$0x10600] =	vst v63  }
0xc4: {  	p1 =	por !p1, p0;
	s4 =	sadd.s32 @!p0 $0x1E85000, s4;
	s8 =	simm.s32 @!p0 $0x1;
	v6 =	vadd.f32 v7, v6  }
0xc5: {  	s7 =	sshrl.u32 @!p0 s7, $0x7;
	s4 =	sshrl.u32 @!p0 s4, $0x3;
	s8 =	simm.s32 @p1 $0x0  }
0xc6: {  	s4 =	sadd.s32 @!p0 s1, s4;
	s7 =	ssub.s32 @!p0 s7, s8;
	s8 =	simm.s32 @!p0 $0x1400;
	(xrf2) =	vadd.scan.msk.f32 $0xffff, v6  }
0xc7: {  	[tilespmem:s8], [sflag:$0x1] =	stream.strided.gather @!p0 [hbm4b:s4+s6], $0x1000, s5, s6, $0x38;
	[tilespmem:$0x10600] =	vst v63  }
0xc8: {  	s4 =	sshll.u32 @!p0 s7, $0xA  }
0xc9: {  	s7 =	sshrl.u32 @!p0 s4, $0x3;
	s4 =	sadd.s32 @!p0 $0x1E85000, s4  }
0xca: {  	s8 =	simm.s32 @!p0 $0x8400;
	s7 =	sadd.s32 @!p0 s2, s7;
	s4 =	sshrl.u32 @!p0 s4, $0x3  }
0xcb: {  	[tilespmem:s8], [sflag:$0x5] =	stream.strided.gather @!p0 [hbm4b:s7+s6], $0x1000, s5, s6, $0x38;
	[tilespmem:$0x10600] =	vst v63  }
0xcc: {  	s4 =	sadd.s32 @!p0 s2, s4;
	s7 =	simm.s32 @!p0 $0x9400  }
0xcd: {  	[tilespmem:s7], [sflag:$0x5] =	stream.strided.gather @!p0 [hbm4b:s4+s6], $0x1000, s5, s6, $0x38;
	[tilespmem:$0x10600] =	vst v63  }
0xce: {  	v6 =	vld [tilespmem:s24+$0x10400];
	_ =	sdelay $0x1  }
0xcf: {  	v7, _, _ =	vpop (xrf2)  }
0xd0: {  	v7 =	vbroadcast v7, $0xF;
	_ =	sdelay $0x1  }
0xd1: {  	v6 =	vsel vm4, v7, v6  }
0xd2: {  	[tilespmem:s24+$0x10400] =	vst v6  }
0xd3: {  	_ =	swait.ge [sflag:s31], $0x2000  }
0xd4: {  	[sflag:s31] =	ssyncset.done $0x0  }
0xd5: {  	[sflag:s31] =	ssyncadd.s32 $0xFFFFE000  }
0xd6: {  	_ =	swait.ge [sflag:s0], $0x2000  }
0xd7: {  	[sflag:s0] =	ssyncset.done $0x0  }
0xd8: {  	[sflag:s0] =	ssyncadd.s32 $0xFFFFE000  }
0xd9: {  	v6 =	vld [tilespmem:s24+$0x0]  }
0xda: {  	v7 =	vld [tilespmem:s24+$0x200]  }
0xdb: {  	s7 =	sor.u32 $0x1, s18  }
0xdc: {  	v45 =	vmov s7  }
0xdd: {  	s4 =	sadd.s32 @!p0 $0x5, s22;
	vm4 =	veq.s32 v45, v0  }
0xde: {  	s7 =	sand.u32 @!p0 $0x3F0, s4;
	v6 =	vnsel vm4, $0x0, v6  }
0xdf: {  	(xrf0) =	vadd.scan.msk.s32 $0xffff, v6;
	v6 =	vnsel vm4, $0x0, v7;
	v7 =	vld @!p0 [tilespmem:s7+$0x200];
	_ =	sdelay $0x1  }
0xe0: {  	s4 =	sand.u32 @!p0 $0xD, s4;
	(xrf0) =	vadd.scan.msk.s32 $0xffff, v6  }
0xe1: {  	v8 =	vmov @!p0 s4;
	v6 =	vld @!p0 [tilespmem:s7+$0x0]  }
0xe2: {  	vm5 =	veq.s32 @!p0 v8, v5  }
0xe3: {  	v7 =	vnsel @!p0 vm5, $0x0, v7  }
0xe4: {  	v46, _, _ =	vpop (xrf0)  }
0xe5: {  	(v2sf) =	vpush v46, $0xF  }
0xe6: {  	(xrf0) =	vadd.scan.msk.s32 @!p0 $0xffff, v7;
	v6 =	vnsel @!p0 vm5, $0x0, v6;
	v7, _, _ =	vpop (xrf0)  }
0xe7: {  	(xrf0) =	vadd.scan.msk.s32 @!p0 $0xffff, v6;
	(v2sf) =	vpush v7, $0xF;
	_ =	sdelay $0x4  }
0xe8: {  	v6, _, _ =	vpop @!p0 (xrf0)  }
0xe9: {  	(v2sf) =	vpush @!p0 v6, $0xF;
	v6, _, _ =	vpop @!p0 (xrf0)  }
0xea: {  	(v2sf) =	vpush @!p0 v6, $0xF;
	_ =	sdelay $0x5  }
0xeb: {  	s8 =	spop (v2sf)  }
0xec: {  	s4 =	sand.u32 $0x7F, s8  }
0xed: {  	s9 =	spop (v2sf);
	v6 =	vor.u32 s4, v1  }
0xee: {  	v47 =	vor.u32 s4, v2;
	s7 =	sand.u32 $0x7F, s9  }
0xef: {  	v7 =	vor.u32 s7, v1  }
0xf0: {  	v48 =	vor.u32 s7, v2  }
0xf1: {  	v49 =	vor.u32 s4, v3  }
0xf2: {  	v50 =	vor.u32 s7, v3;
	v6 =	vld.idx.msk [tilespmem:v6+s17+$0x0], $0xffff  }
0xf3: {  	v51 =	vor.u32 s4, v4;
	s8 =	spop @!p0 (v2sf);
	v8 =	vld.idx.msk [tilespmem:v47+s17+$0x0], $0xffff  }
0xf4: {  	v52 =	vor.u32 s7, v4;
	s9 =	spop @!p0 (v2sf);
	v7 =	vld.idx.msk [tilespmem:v7+s19+$0x0], $0xffff  }
0xf5: {  	s4 =	sand.u32 @!p0 $0x7F, s9;
	v9 =	vld.idx.msk [tilespmem:v48+s19+$0x0], $0xffff  }
0xf6: {  	v10 =	vld.idx.msk [tilespmem:v49+s17+$0x0], $0xffff;
	p1 =	slt.s32 @!p0 s9, $0x1;
	p2 =	sne.s32 @!p0 s4, $0x0  }
0xf7: {  	s4 =	sshra.s32 @!p0 s9, $0x1F;
	v11 =	vld.idx.msk [tilespmem:v50+s19+$0x0], $0xffff;
	p1 =	por @!p0 !p1, !p2  }
0xf8: {  	v12 =	vld.idx.msk [tilespmem:v51+s17+$0x0], $0xffff;
	s4 =	sshrl.u32 @!p0 s4, $0x19;
	p1 =	por @!p0 !p1, !p1  }
0xf9: {  	s7 =	simm.s32 @!p0 $0x1;
	v13 =	vld.idx.msk [tilespmem:v52+s19+$0x0], $0xffff;
	s4 =	sadd.s32 @!p0 s4, s9;
	p1 =	por !p1, p0  }
0xfa: {  	s20 =	sand.u32 @!p0 $0x7F, s8;
	s4 =	sshrl.u32 @!p0 s4, $0x7;
	s7 =	simm.s32 @p1 $0x0;
	v6 =	vmul.f32 v7, v6;
	v7 =	vmul.f32 v9, v8  }
0xfb: {  	p2 =	sne.s32 @!p0 s20, $0x0;
	s9 =	sshra.s32 @!p0 s8, $0x1F;
	s4 =	ssub.s32 @!p0 s4, s7  }
0xfc: {  	s9 =	sshrl.u32 @!p0 s9, $0x19;
	p1 =	slt.s32 @!p0 s8, $0x1;
	s4 =	sshll.u32 @!p0 s4, $0xA;
	v6 =	vadd.f32 v7, v6;
	v7 =	vmul.f32 v11, v10  }
0xfd: {  	s7 =	sadd.s32 @!p0 s9, s8;
	p1 =	por @!p0 !p1, !p2;
	s8 =	sshrl.u32 @!p0 s4, $0x3  }
0xfe: {  	s9 =	simm.s32 @!p0 $0x2400;
	p1 =	por @!p0 !p1, !p1;
	s8 =	sadd.s32 @!p0 s1, s8;
	v6 =	vadd.f32 v7, v6;
	v7 =	vmul.f32 v13, v12  }
0xff: {  	[tilespmem:s9], [sflag:$0x2] =	stream.strided.gather @!p0 [hbm4b:s8+s6], $0x1000, s5, s6, $0x38;
	[tilespmem:$0x10600] =	vst v63  }
0x100: {  	p1 =	por !p1, p0;
	s4 =	sadd.s32 @!p0 $0x1E85000, s4;
	s8 =	simm.s32 @!p0 $0x1;
	v6 =	vadd.f32 v7, v6  }
0x101: {  	s7 =	sshrl.u32 @!p0 s7, $0x7;
	s4 =	sshrl.u32 @!p0 s4, $0x3;
	s8 =	simm.s32 @p1 $0x0  }
0x102: {  	s4 =	sadd.s32 @!p0 s1, s4;
	s7 =	ssub.s32 @!p0 s7, s8;
	s8 =	simm.s32 @!p0 $0x3400;
	(xrf2) =	vadd.scan.msk.f32 $0xffff, v6  }
0x103: {  	[tilespmem:s8], [sflag:$0x2] =	stream.strided.gather @!p0 [hbm4b:s4+s6], $0x1000, s5, s6, $0x38;
	[tilespmem:$0x10600] =	vst v63  }
0x104: {  	s4 =	sshll.u32 @!p0 s7, $0xA  }
0x105: {  	s7 =	sshrl.u32 @!p0 s4, $0x3;
	s4 =	sadd.s32 @!p0 $0x1E85000, s4  }
0x106: {  	s8 =	simm.s32 @!p0 $0xA400;
	s7 =	sadd.s32 @!p0 s2, s7;
	s4 =	sshrl.u32 @!p0 s4, $0x3  }
0x107: {  	[tilespmem:s8], [sflag:$0x6] =	stream.strided.gather @!p0 [hbm4b:s7+s6], $0x1000, s5, s6, $0x38;
	[tilespmem:$0x10600] =	vst v63  }
0x108: {  	s4 =	sadd.s32 @!p0 s2, s4;
	s7 =	simm.s32 @!p0 $0xB400  }
0x109: {  	[tilespmem:s7], [sflag:$0x6] =	stream.strided.gather @!p0 [hbm4b:s4+s6], $0x1000, s5, s6, $0x38;
	[tilespmem:$0x10600] =	vst v63  }
0x10a: {  	v6 =	vld [tilespmem:s24+$0x10400];
	_ =	sdelay $0x1  }
0x10b: {  	v7, _, _ =	vpop (xrf2)  }
0x10c: {  	v7 =	vbroadcast v7, $0xF;
	_ =	sdelay $0x1  }
0x10d: {  	v6 =	vsel vm4, v7, v6  }
0x10e: {  	[tilespmem:s24+$0x10400] =	vst v6  }
0x10f: {  	_ =	swait.ge [sflag:s3], $0x2000  }
0x110: {  	[sflag:s3] =	ssyncset.done $0x0  }
0x111: {  	[sflag:s3] =	ssyncadd.s32 $0xFFFFE000  }
0x112: {  	_ =	swait.ge [sflag:s10], $0x2000  }
0x113: {  	[sflag:s10] =	ssyncset.done $0x0  }
0x114: {  	[sflag:s10] =	ssyncadd.s32 $0xFFFFE000  }
0x115: {  	v6 =	vld [tilespmem:s24+$0x0]  }
0x116: {  	s4 =	sadd.s32 @!p0 $0x6, s22;
	v7 =	vld [tilespmem:s24+$0x200]  }
0x117: {  	s20 =	sor.u32 $0x2, s18;
	s8 =	sand.u32 @!p0 $0x3F0, s4  }
0x118: {  	v53 =	vmov s20;
	v9 =	vld @!p0 [tilespmem:s8+$0x200]  }
0x119: {  	vm4 =	veq.s32 v53, v0;
	v8 =	vld @!p0 [tilespmem:s8+$0x0]  }
0x11a: {  	s4 =	sand.u32 @!p0 $0xE, s4;
	v6 =	vnsel vm4, $0x0, v6  }
0x11b: {  	(xrf0) =	vadd.scan.msk.s32 $0xffff, v6;
	v6 =	vnsel vm4, $0x0, v7;
	v7 =	vmov @!p0 s4  }
0x11c: {  	vm5 =	veq.s32 @!p0 v7, v5  }
0x11d: {  	(xrf0) =	vadd.scan.msk.s32 $0xffff, v6;
	v5 =	vnsel @!p0 vm5, $0x0, v9  }
0x11e: {  	(xrf0) =	vadd.scan.msk.s32 @!p0 $0xffff, v5;
	v5 =	vnsel @!p0 vm5, $0x0, v8;
	_ =	sdelay $0x1  }
0x11f: {  	(xrf0) =	vadd.scan.msk.s32 @!p0 $0xffff, v5  }
0x120: {  	v5, _, _ =	vpop (xrf0)  }
0x121: {  	(v2sf) =	vpush v5, $0xF  }
0x122: {  	v6, _, _ =	vpop (xrf0)  }
0x123: {  	(v2sf) =	vpush v6, $0xF  }
0x124: {  	v5, _, _ =	vpop @!p0 (xrf0)  }
0x125: {  	(v2sf) =	vpush @!p0 v5, $0xF;
	v5, _, _ =	vpop @!p0 (xrf0)  }
0x126: {  	(v2sf) =	vpush @!p0 v5, $0xF;
	_ =	sdelay $0x9  }
0x127: {  	s7 =	spop (v2sf)  }
0x128: {  	s4 =	sand.u32 $0x7F, s7  }
0x129: {  	s8 =	spop (v2sf);
	v5 =	vor.u32 s4, v1  }
0x12a: {  	s7 =	sand.u32 $0x7F, s8;
	v7 =	vor.u32 s4, v2  }
0x12b: {  	v6 =	vor.u32 s7, v1;
	s8 =	spop @!p0 (v2sf)  }
0x12c: {  	v54 =	vor.u32 s7, v2;
	s9 =	spop @!p0 (v2sf)  }
0x12d: {  	v55 =	vor.u32 s4, v3;
	s20 =	sand.u32 @!p0 $0x7F, s9  }
0x12e: {  	v56 =	vor.u32 s7, v3;
	p1 =	slt.s32 @!p0 s9, $0x1;
	p2 =	sne.s32 @!p0 s20, $0x0;
	v5 =	vld.idx.msk [tilespmem:v5+s21+$0x0], $0xffff  }
0x12f: {  	v57 =	vor.u32 s4, v4;
	s20 =	sshra.s32 @!p0 s9, $0x1F;
	p1 =	por @!p0 !p1, !p2;
	v7 =	vld.idx.msk [tilespmem:v7+s21+$0x0], $0xffff  }
0x130: {  	v58 =	vor.u32 s7, v4;
	s4 =	sshrl.u32 @!p0 s20, $0x19;
	v6 =	vld.idx.msk [tilespmem:v6+s23+$0x0], $0xffff;
	p1 =	por @!p0 !p1, !p1  }
0x131: {  	s7 =	simm.s32 @!p0 $0x1;
	s4 =	sadd.s32 @!p0 s4, s9;
	v8 =	vld.idx.msk [tilespmem:v54+s23+$0x0], $0xffff;
	p1 =	por !p1, p0  }
0x132: {  	v9 =	vld.idx.msk [tilespmem:v55+s21+$0x0], $0xffff;
	s4 =	sshrl.u32 @!p0 s4, $0x7;
	s7 =	simm.s32 @p1 $0x0  }
0x133: {  	v10 =	vld.idx.msk [tilespmem:v56+s23+$0x0], $0xffff;
	s4 =	ssub.s32 @!p0 s4, s7  }
0x134: {  	v11 =	vld.idx.msk [tilespmem:v57+s21+$0x0], $0xffff;
	s4 =	sshll.u32 @!p0 s4, $0xA  }
0x135: {  	v12 =	vld.idx.msk [tilespmem:v58+s23+$0x0], $0xffff;
	s7 =	sshrl.u32 @!p0 s4, $0x3  }
0x136: {  	s9 =	simm.s32 @!p0 $0x4400;
	v5 =	vmul.f32 v6, v5;
	v6 =	vmul.f32 v8, v7;
	s7 =	sadd.s32 @!p0 s1, s7  }
0x137: {  	[tilespmem:s9], [sflag:$0x3] =	stream.strided.gather @!p0 [hbm4b:s7+s6], $0x1000, s5, s6, $0x38;
	[tilespmem:$0x10600] =	vst v63  }
0x138: {  	s7 =	sand.u32 @!p0 $0x7F, s8;
	v5 =	vadd.f32 v6, v5;
	v6 =	vmul.f32 v10, v9  }
0x139: {  	p2 =	slt.s32 @!p0 s8, $0x1;
	p1 =	sne.s32 @!p0 s7, $0x0  }
0x13a: {  	s7 =	sshra.s32 @!p0 s8, $0x1F;
	p1 =	por @!p0 !p2, !p1;
	v5 =	vadd.f32 v6, v5;
	v6 =	vmul.f32 v12, v11  }
0x13b: {  	s4 =	sadd.s32 @!p0 $0x1E85000, s4;
	s7 =	sshrl.u32 @!p0 s7, $0x19;
	p1 =	por @!p0 !p1, !p1  }
0x13c: {  	s7 =	sadd.s32 @!p0 s7, s8;
	s8 =	simm.s32 @!p0 $0x1;
	p1 =	por !p1, p0;
	v5 =	vadd.f32 v6, v5  }
0x13d: {  	s4 =	sshrl.u32 @!p0 s4, $0x3;
	s7 =	sshrl.u32 @!p0 s7, $0x7;
	s8 =	simm.s32 @p1 $0x0  }
0x13e: {  	s4 =	sadd.s32 @!p0 s1, s4;
	s7 =	ssub.s32 @!p0 s7, s8;
	s8 =	simm.s32 @!p0 $0x5400;
	(xrf2) =	vadd.scan.msk.f32 $0xffff, v5  }
0x13f: {  	[tilespmem:s8], [sflag:$0x3] =	stream.strided.gather @!p0 [hbm4b:s4+s6], $0x1000, s5, s6, $0x38;
	[tilespmem:$0x10600] =	vst v63  }
0x140: {  	s4 =	sshll.u32 @!p0 s7, $0xA  }
0x141: {  	s7 =	sshrl.u32 @!p0 s4, $0x3;
	s4 =	sadd.s32 @!p0 $0x1E85000, s4  }
0x142: {  	s8 =	simm.s32 @!p0 $0xC400;
	s7 =	sadd.s32 @!p0 s2, s7;
	s4 =	sshrl.u32 @!p0 s4, $0x3  }
0x143: {  	[tilespmem:s8], [sflag:$0x7] =	stream.strided.gather @!p0 [hbm4b:s7+s6], $0x1000, s5, s6, $0x38;
	[tilespmem:$0x10600] =	vst v63  }
0x144: {  	s4 =	sadd.s32 @!p0 s2, s4;
	s7 =	simm.s32 @!p0 $0xD400  }
0x145: {  	[tilespmem:s7], [sflag:$0x7] =	stream.strided.gather @!p0 [hbm4b:s4+s6], $0x1000, s5, s6, $0x38;
	[tilespmem:$0x10600] =	vst v63  }
0x146: {  	v5 =	vld [tilespmem:s24+$0x10400];
	_ =	sdelay $0x1  }
0x147: {  	v6, _, _ =	vpop (xrf2)  }
0x148: {  	v6 =	vbroadcast v6, $0xF;
	_ =	sdelay $0x1  }
0x149: {  	v5 =	vsel vm4, v6, v5  }
0x14a: {  	[tilespmem:s24+$0x10400] =	vst v5  }
0x14b: {  	_ =	swait.ge [sflag:s14], $0x2000  }
0x14c: {  	[sflag:s14] =	ssyncset.done $0x0  }
0x14d: {  	[sflag:s14] =	ssyncadd.s32 $0xFFFFE000  }
0x14e: {  	_ =	swait.ge [sflag:s16], $0x2000  }
0x14f: {  	[sflag:s16] =	ssyncset.done $0x0  }
0x150: {  	[sflag:s16] =	ssyncadd.s32 $0xFFFFE000  }
0x151: {  	v5 =	vld [tilespmem:s24+$0x0];
	_ =	sdelay $0x1  }
0x152: {  	s9 =	sor.u32 $0x3, s18;
	v6 =	vld [tilespmem:s24+$0x200]  }
0x153: {  	v7 =	vmov s9  }
0x154: {  	vm4 =	veq.s32 v7, v0  }
0x155: {  	v5 =	vnsel vm4, $0x0, v5  }
0x156: {  	(xrf0) =	vadd.scan.msk.s32 $0xffff, v5  }
0x157: {  	v5 =	vnsel vm4, $0x0, v6  }
0x158: {  	(xrf0) =	vadd.scan.msk.s32 $0xffff, v5;
	_ =	sdelay $0x3  }
0x159: {  	v5, _, _ =	vpop (xrf0)  }
0x15a: {  	(v2sf) =	vpush v5, $0xF  }
0x15b: {  	v5, _, _ =	vpop (xrf0)  }
0x15c: {  	(v2sf) =	vpush v5, $0xF;
	_ =	sdelay $0xc  }
0x15d: {  	s18 =	spop (v2sf)  }
0x15e: {  	s4 =	sand.u32 $0x7F, s18  }
0x15f: {  	s20 =	spop (v2sf);
	v5 =	vor.u32 s4, v1  }
0x160: {  	s5 =	sand.u32 $0x7F, s20;
	v7 =	vor.u32 s4, v2  }
0x161: {  	v6 =	vor.u32 s5, v1  }
0x162: {  	v59 =	vor.u32 s5, v2  }
0x163: {  	v60 =	vor.u32 s4, v3  }
0x164: {  	v61 =	vor.u32 s5, v3;
	v5 =	vld.idx.msk [tilespmem:v5+s25+$0x0], $0xffff  }
0x165: {  	v62 =	vor.u32 s4, v4;
	v7 =	vld.idx.msk [tilespmem:v7+s25+$0x0], $0xffff  }
0x166: {  	v63 =	vor.u32 s5, v4;
	v6 =	vld.idx.msk [tilespmem:v6+s28+$0x0], $0xffff  }
0x167: {  	v8 =	vld.idx.msk [tilespmem:v59+s28+$0x0], $0xffff  }
0x168: {  	v9 =	vld.idx.msk [tilespmem:v60+s25+$0x0], $0xffff  }
0x169: {  	v10 =	vld.idx.msk [tilespmem:v61+s28+$0x0], $0xffff  }
0x16a: {  	v11 =	vld.idx.msk [tilespmem:v62+s25+$0x0], $0xffff  }
0x16b: {  	v12 =	vld.idx.msk [tilespmem:v63+s28+$0x0], $0xffff  }
0x16c: {  	v5 =	vmul.f32 v6, v5;
	v6 =	vmul.f32 v8, v7;
	_ =	sdelay $0x1  }
0x16d: {  	v5 =	vadd.f32 v6, v5;
	v6 =	vmul.f32 v10, v9;
	_ =	sdelay $0x1  }
0x16e: {  	v5 =	vadd.f32 v6, v5;
	v6 =	vmul.f32 v12, v11;
	_ =	sdelay $0x1  }
0x16f: {  	v5 =	vadd.f32 v6, v5;
	_ =	sdelay $0x1  }
0x170: {  	(xrf2) =	vadd.scan.msk.f32 $0xffff, v5;
	_ =	sdelay $0x6  }
.Ltmp2:
0x171: {  	_ = 	snop;
	(pc) =	sbr.rel @p0 .LBB2_4-.Ltmp2, $3  }
0x172: {  	_ =	sdelay $0x1  }
0x173: {  	v5, _, _ =	vpop (xrf2)  }
0x174: {  	v5 =	vbroadcast v5, $0xF  }
0x175: {  	s4 =	sadd.s32 $0x7, s22  }
0x176: {  	s5 =	sand.u32 $0x3F0, s4  }
0x177: {  	v6 =	vld [tilespmem:s5+$0x200]  }
0x178: {  	v7 =	vld [tilespmem:s5+$0x0]  }
0x179: {  	s4 =	sand.u32 $0xF, s4  }
0x17a: {  	v8 =	vmov s4  }
0x17b: {  	vm5 =	veq.s32 v8, v0  }
0x17c: {  	v6 =	vnsel vm5, $0x0, v6  }
0x17d: {  	(xrf0) =	vadd.scan.msk.s32 $0xffff, v6;
	v6 =	vnsel vm5, $0x0, v7  }
0x17e: {  	(xrf0) =	vadd.scan.msk.s32 $0xffff, v6;
	_ =	sdelay $0x4  }
0x17f: {  	v6, _, _ =	vpop (xrf0)  }
0x180: {  	(v2sf) =	vpush v6, $0xF;
	v6, _, _ =	vpop (xrf0)  }
0x181: {  	(v2sf) =	vpush v6, $0xF;
	_ =	sdelay $0xd  }
0x182: {  	s4 =	spop (v2sf)  }
0x183: {  	s8 =	spop (v2sf)  }
0x184: {  	s18 =	sshra.s32 s4, $0x1F;
	p5 =	slt.s32 s4, $0x1;
	s6 =	sand.u32 $0x7F, s8  }
0x185: {  	s7 =	sshra.s32 s8, $0x1F;
	p0 =	slt.s32 s8, $0x1;
	s20 =	sshrl.u32 s18, $0x19  }
0x186: {  	p1 =	sne.s32 s6, $0x0;
	s9 =	sshrl.u32 s7, $0x19;
	s6 =	simm.s32 $0x1  }
0x187: {  	p0 =	por !p0, !p1;
	s5 =	sadd.s32 s9, s8;
	s8 =	sand.u32 $0x7F, s4  }
0x188: {  	s4 =	sadd.s32 s20, s4;
	p0 =	por !p0, !p0;
	p6 =	sne.s32 s8, $0x0  }
0x189: {  	s5 =	sshrl.u32 s5, $0x7;
	s6 =	simm.s32 @!p0 $0x0;
	p0 =	por !p5, !p6  }
0x18a: {  	s5 =	ssub.s32 s5, s6;
	p0 =	por !p0, !p0;
	s6 =	simm.s32 $0x1  }
0x18b: {  	s4 =	sshrl.u32 s4, $0x7;
	s5 =	sshll.u32 s5, $0xA;
	s6 =	simm.s32 @!p0 $0x0  }
0x18c: {  	s9 =	sshrl.u32 s5, $0x3;
	s5 =	sadd.s32 $0x1E85000, s5;
	s4 =	ssub.s32 s4, s6  }
0x18d: {  	s18 =	sadd.s32 s1, s9;
	s5 =	sshrl.u32 s5, $0x3;
	s4 =	sshll.u32 s4, $0xA  }
0x18e: {  	[tilespmem:s25], [sflag:$0x4] =	stream.strided.gather [hbm4b:s18+s13], $0x1000, s12, s13, $0x38;
	[tilespmem:$0x10600] =	vst v63  }
0x18f: {  	s5 =	sadd.s32 s1, s5;
	s20 =	sshrl.u32 s4, $0x3;
	s4 =	sadd.s32 $0x1E85000, s4  }
0x190: {  	[tilespmem:s26], [sflag:$0x4] =	stream.strided.gather [hbm4b:s5+s13], $0x1000, s12, s13, $0x38;
	[tilespmem:$0x10600] =	vst v63  }
0x191: {  	s4 =	sshrl.u32 s4, $0x3;
	s5 =	sadd.s32 s2, s20  }
0x192: {  	[tilespmem:s28], [sflag:$0x8] =	stream.strided.gather [hbm4b:s5+s13], $0x1000, s12, s13, $0x38;
	[tilespmem:$0x10600] =	vst v63  }
0x193: {  	s4 =	sadd.s32 s2, s4  }
0x194: {  	[tilespmem:s29], [sflag:$0x8] =	stream.strided.gather [hbm4b:s4+s13], $0x1000, s12, s13, $0x38;
	[tilespmem:$0x10600] =	vst v63  }
0x195: {  	v6 =	vld [tilespmem:s24+$0x10400];
	_ =	sdelay $0x1  }
.Ltmp3:
0x196: {  	_ = 	snop;
	(pc) =	sbr.rel .LBB2_2-.Ltmp3, $3  }
0x197: {  	_ =	sdelay $0x1  }
0x198: {  	v5 =	vsel vm4, v5, v6  }
0x199: {  	s22 =	sadd.s32 $0x4, s22;
	[tilespmem:s24+$0x10400] =	vst v5  }
.LBB2_5:
0x19a: {  	_ =	sfence.sel $0x180000  }
0x19b: {  	[bflag:$0x0] =	sbarrier.arrive $0xFFFF  }
0x19c: {  	_ =	strace $0x90000047  }
0x19d: {  	s0 =	stileid.u32;
	[bflag:$0x2] =	sbarrier.arrive $0xFFFF  }
0x19e: {  	p0 =	sne.s32 s0, $0x0;
	s0 =	rddreg [dreg:$0x5]  }
0x19f: {  	s0 =	sadd.s32 @!p0 $0x100000, s0  }
0x1a0: {  	[sflag:s0] =	ssyncadd.tile.s32 @!p0 $0x1;
	_ =	shalt  }
.Lfunc_end2:
_tile_overlayer_lowered:
.L_overlay_start_2:
0x1a1: {  	(tag) =	ssettag $0x2  }
0x1a2: {  	s0 =	rddreg [dreg:$0x0];
	s2 =	stileid.u32  }
0x1a3: {  	s1 =	rddreg [dreg:$0x1];
	p0 =	sne.s32 s2, $0x0  }
0x1a4: {  	s3 =	rddreg [dreg:$0x2];
	[bflag:$0x3] =	sbarrier.arrive $0xFFFF;
	s2 =	simm.s32 @!p0 $0x1C09  }
0x1a5: {  	[timem:s3], [sflag:s2] =	dma.local @!p0 [hbm:s0], s1  }
0x1a6: {  	s0 =	simm.s32 @!p0 $0x9  }
0x1a7: {  	_ =	swait.ge @!p0 [sflag:s0], s1  }
0x1a8: {  	s1 =	ssub.s32 @!p0 $0x0, s1;
	[sflag:s0] =	ssyncset.done @!p0 $0x0  }
0x1a9: {  	[sflag:s0] =	ssyncadd.s32 @!p0 s1  }
0x1aa: {  	[bflag:$0x3] =	sbarrier.arrive $0xFFFF  }
0x1ab: {  	_ =	shalt  }

</sc_bundles>
